<compile_context>
chip_gen: v7x
topology: tpu7x:2x2x1
jax: 0.10.2.dev20260603
libtpu: 0.0.44.dev20260713+nightly
codegen_flags: <defaults>
</compile_context>

<pallas_src>
import functools

import jax
import jax.numpy as jnp
import numpy as np
from jax import lax
from jax.experimental import pallas as pl
from jax.experimental.pallas import tpu as pltpu
from jax.experimental.pallas import tpu_sc as plsc

NUM_LEVELS = 16
F_PER_LEVEL = 2
T = 1 << 19
BASE_RES = 16
BOUND = 2.0
PER_LEVEL_SCALE = float(np.exp2(np.log2(2048 * 2 / 16) / (16 - 1)))
N_POINTS = 1048576
HIDDEN = 128
ENC_DIM = NUM_LEVELS * F_PER_LEVEL
RES = [float(np.floor(BASE_RES * PER_LEVEL_SCALE**l)) for l in range(NUM_LEVELS)]
P2 = int(np.uint32(2654435761).view(np.int32))
P3 = int(np.uint32(805459861).view(np.int32))
MASK = T - 1

NC = 2
NS = 16
NW = NC * NS
LANES = 16

C = 512
GPC = C // LANES
PW = N_POINTS // NW
NCHP = PW // C
LVL = 2 * T
STAGE = LVL // NS


def _sc_body(xt, tabf, resa, out, xyz, idx2, rows, wbuf, encb, resb, shr,
             gsem0, gsem1, xsem0, xsem1, ssem0, ssem1):
    cid = lax.axis_index("c")
    sid = lax.axis_index("s")
    wid = sid * NC + cid
    pltpu.sync_copy(resa, resb)

    xsems = [xsem0, xsem1]
    gsems = [gsem0, gsem1]
    ssems = [ssem0, ssem1]

    def xyz_copies(i, b):
        base = wid * PW + i * C
        return [
            pltpu.make_async_copy(
                xt.at[pl.ds(d * N_POINTS + base, C)],
                xyz.at[pl.ds((b * 3 + d) * C, C)],
                xsems[b],
            )
            for d in range(3)
        ]

    def gather_copies(b):
        return [
            pltpu.make_async_copy(
                shr.at[idx2.at[pl.ds((b * 8 + c) * 2 * C, 2 * C)]],
                rows.at[pl.ds((b * 8 + c) * 2 * C, 2 * C)],
                gsems[b],
            )
            for c in range(8)
        ]

    def phase_body(l, carry):
        plsc.subcore_barrier()
        pltpu.sync_copy(
            tabf.at[pl.ds(l * LVL + sid * STAGE, STAGE)],
            shr.at[pl.ds(sid * STAGE, STAGE)],
        )
        plsc.subcore_barrier()

        resv = plsc.load_gather(resb, [jnp.full((LANES,), l, jnp.int32)])

        def index_fire(i, b):
            for cp in xyz_copies(i, b):
                cp.wait()

            @plsc.parallel_loop(0, GPC, unroll=4)
            def group(g):
                g16 = g * LANES
                px = (xyz[pl.ds((b * 3 + 0) * C + g16, LANES)] + BOUND) * jnp.float32(0.25)
                py = (xyz[pl.ds((b * 3 + 1) * C + g16, LANES)] + BOUND) * jnp.float32(0.25)
                pz = (xyz[pl.ds((b * 3 + 2) * C + g16, LANES)] + BOUND) * jnp.float32(0.25)
                fposx, fposy, fposz = px * resv, py * resv, pz * resv
                ix = fposx.astype(jnp.int32)
                iy = fposy.astype(jnp.int32)
                iz = fposz.astype(jnp.int32)
                wbuf[pl.ds((b * 3 + 0) * C + g16, LANES)] = fposx - ix.astype(jnp.float32)
                wbuf[pl.ds((b * 3 + 1) * C + g16, LANES)] = fposy - iy.astype(jnp.float32)
                wbuf[pl.ds((b * 3 + 2) * C + g16, LANES)] = fposz - iz.astype(jnp.float32)
                hy0 = iy * P2
                hz0 = iz * P3
                hx = [ix, ix + 1]
                hy = [hy0, hy0 + P2]
                hz = [hz0, hz0 + P3]
                for c in range(8):
                    h = (hx[c & 1] ^ hy[(c >> 1) & 1] ^ hz[(c >> 2) & 1]) & MASK
                    e0 = h + (h & ~127)
                    rbase = (b * 8 + c) * 2 * C
                    idx2[pl.ds(rbase + g16, LANES)] = e0
                    idx2[pl.ds(rbase + C + g16, LANES)] = e0 + 128

            for cp in gather_copies(b):
                cp.start()

        def store_copies(i, b):
            base = wid * PW + i * C
            return [
                pltpu.make_async_copy(
                    encb.at[pl.ds((2 * b + f) * C, C)],
                    out.at[pl.ds((2 * l + f) * N_POINTS + base, C)],
                    ssems[b],
                )
                for f in range(2)
            ]

        def acc_store(i, b):
            for cp in gather_copies(b):
                cp.wait()

            @pl.when(i >= 2)
            def _():
                for cp in store_copies(i, b):
                    cp.wait()

            @plsc.parallel_loop(0, GPC, unroll=4)
            def group(g):
                g16 = g * LANES
                fx = wbuf[pl.ds((b * 3 + 0) * C + g16, LANES)]
                fy = wbuf[pl.ds((b * 3 + 1) * C + g16, LANES)]
                fz = wbuf[pl.ds((b * 3 + 2) * C + g16, LANES)]
                wx = [1.0 - fx, fx]
                wy = [1.0 - fy, fy]
                wz = [1.0 - fz, fz]
                wyz = [wy[0] * wz[0], wy[1] * wz[0], wy[0] * wz[1], wy[1] * wz[1]]
                acc0 = jnp.zeros((LANES,), jnp.float32)
                acc1 = jnp.zeros((LANES,), jnp.float32)
                for c in range(8):
                    wt = wx[c & 1] * wyz[c >> 1]
                    rbase = (b * 8 + c) * 2 * C
                    f0 = rows[pl.ds(rbase + g16, LANES)]
                    f1 = rows[pl.ds(rbase + C + g16, LANES)]
                    acc0 = acc0 + wt * f0
                    acc1 = acc1 + wt * f1
                encb[pl.ds((2 * b + 0) * C + g16, LANES)] = acc0
                encb[pl.ds((2 * b + 1) * C + g16, LANES)] = acc1

            for cp in store_copies(i, b):
                cp.start()

        for cp in xyz_copies(0, 0):
            cp.start()

        def pair_body(j, c2):
            i0 = 2 * j
            i1 = i0 + 1
            index_fire(i0, 0)

            for cp in xyz_copies(i1, 1):
                cp.start()

            @pl.when(j > 0)
            def _():
                acc_store(i0 - 1, 1)

            index_fire(i1, 1)

            @pl.when(i1 + 1 < NCHP)
            def _():
                for cp in xyz_copies(i1 + 1, 0):
                    cp.start()

            acc_store(i0, 0)
            return c2

        lax.fori_loop(0, NCHP // 2, pair_body, 0)
        acc_store(NCHP - 1, 1)
        for cp in store_copies(NCHP - 2, 0):
            cp.wait()
        for cp in store_copies(NCHP - 1, 1):
            cp.wait()
        return carry

    lax.fori_loop(0, NUM_LEVELS, phase_body, 0)


def _sc_encode(xt, tabf):
    mesh = plsc.VectorSubcoreMesh(core_axis_name="c", subcore_axis_name="s")
    f = functools.partial(
        pl.kernel,
        mesh=mesh,
        compiler_params=pltpu.CompilerParams(needs_layout_passes=False),
        out_type=jax.ShapeDtypeStruct((ENC_DIM * N_POINTS,), jnp.float32),
        scratch_types=[
            pltpu.VMEM((2 * 3 * C,), jnp.float32),
            pltpu.VMEM((2 * 8 * 2 * C,), jnp.int32),
            pltpu.VMEM((2 * 8 * 2 * C,), jnp.float32),
            pltpu.VMEM((2 * 3 * C,), jnp.float32),
            pltpu.VMEM((2 * 2 * C,), jnp.float32),
            pltpu.VMEM((LANES,), jnp.float32),
            pltpu.VMEM_SHARED((LVL,), jnp.float32),
            pltpu.SemaphoreType.DMA,
            pltpu.SemaphoreType.DMA,
            pltpu.SemaphoreType.DMA,
            pltpu.SemaphoreType.DMA,
            pltpu.SemaphoreType.DMA,
            pltpu.SemaphoreType.DMA,
        ],
    )(_sc_body)
    return f(xt, tabf, jnp.asarray(RES, dtype=jnp.float32))


def _mlp_body(enc_ref, w0_ref, w1_ref, o_ref):
    h = jax.lax.dot_general(
        enc_ref[...], w0_ref[...], (((0,), (0,)), ((), ())),
        preferred_element_type=jnp.float32,
    )
    h = jnp.maximum(h, 0.0)
    o = jnp.dot(h, w1_ref[...], preferred_element_type=jnp.float32)
    o_ref[...] = jax.nn.sigmoid(o) * 2.0 - 1.0


def _mlp(enc32, W0, W1):
    NB = 8192
    grid = (N_POINTS // NB,)
    return pl.pallas_call(
        _mlp_body,
        grid=grid,
        in_specs=[
            pl.BlockSpec((ENC_DIM, NB), lambda i: (0, i)),
            pl.BlockSpec((ENC_DIM, HIDDEN), lambda i: (0, 0)),
            pl.BlockSpec((HIDDEN, 3), lambda i: (0, 0)),
        ],
        out_specs=pl.BlockSpec((NB, 3), lambda i: (i, 0)),
        out_shape=jax.ShapeDtypeStruct((N_POINTS, 3), jnp.float32),
    )(enc32, W0, W1)


def kernel(input, table, W0, W1):
    xt = jnp.transpose(input).reshape(-1)
    tabf = (
        table.reshape(NUM_LEVELS, T // 128, 128, F_PER_LEVEL)
        .transpose(0, 1, 3, 2)
        .reshape(NUM_LEVELS * T * F_PER_LEVEL)
    )
    enc = _sc_encode(xt, tabf)
    enc32 = enc.reshape(ENC_DIM, N_POINTS)
    return _mlp(enc32, W0, W1)

# --- scband reference (transcript-rebuilt; emitter-appended) ---
"""Pipeline reference for scband-color-field-54065048322324 (READ-ONLY COPY).

The authoritative reference and input builder live on the scoring server;
editing this copy changes nothing except your own understanding.
"""

import jax, jax.numpy as jnp
import numpy as np

NUM_LEVELS = 16
F_PER_LEVEL = 2
T = 1 << 19
BASE_RES = 16
BOUND = 2.0
PER_LEVEL_SCALE = float(np.exp2(np.log2(2048 * 2 / 16) / (16 - 1)))
N_POINTS = 1048576
HIDDEN = 128
ENC_DIM = NUM_LEVELS * F_PER_LEVEL
PRIMES = np.array([1, 2654435761, 805459861], dtype=np.uint32)

def _hash(coords):
    p = jnp.asarray(PRIMES)
    h = coords * p
    h = h[..., 0] ^ h[..., 1] ^ h[..., 2]
    return (h % jnp.uint32(T)).astype(jnp.int32)

def hash_encode(x, table):
    feats = []
    for l in range(NUM_LEVELS):
        res = float(np.floor(BASE_RES * PER_LEVEL_SCALE ** l))
        pos = x * res
        pos0 = jnp.floor(pos)
        w = pos - pos0
        pos0i = pos0.astype(jnp.uint32)
        level_feat = jnp.zeros((x.shape[0], F_PER_LEVEL), dtype=x.dtype)
        for c in range(8):
            offs = np.array([(c >> 0) & 1, (c >> 1) & 1, (c >> 2) & 1], dtype=np.uint32)
            corner = pos0i + jnp.asarray(offs)
            idx = _hash(corner)
            wt = jnp.prod(jnp.where(jnp.asarray(offs) == 1, w, 1.0 - w), axis=-1, keepdims=True)
            level_feat = level_feat + wt * table[l][idx]
        feats.append(level_feat)
    return jnp.concatenate(feats, axis=-1)

def setup_inputs(seed: int = 0):
    key = jax.random.key(seed)
    k1, k2, k3, k4 = jax.random.split(key, 4)
    inp = {}
    inp["input"] = jax.random.uniform(k1, (N_POINTS, 3), dtype=jnp.float32)
    inp["table"] = (jax.random.uniform(k2, (NUM_LEVELS, T, F_PER_LEVEL), dtype=jnp.float32) * 2.0 - 1.0) * 1e-4
    inp["W0"] = jax.random.normal(k3, (ENC_DIM, HIDDEN), dtype=jnp.float32) * (1.0 / np.sqrt(ENC_DIM))
    inp["W1"] = jax.random.normal(k4, (HIDDEN, 3), dtype=jnp.float32) * (1.0 / np.sqrt(HIDDEN))
    return inp

def reference(input, table, W0, W1):
    x = input[:, :3]
    x = (x + BOUND) / (2 * BOUND)
    enc = hash_encode(x, table)
    h = jax.nn.relu(enc @ W0)
    h = h @ W1
    return jax.nn.sigmoid(h) * 2.0 - 1.0

if __name__ == "__main__":
    import jax
    _d = setup_inputs()
    print(jax.jit(kernel)(*tuple(_d.values())))

</pallas_src>

<mosaic_0001>
#map = affine_map<(d0, d1) -> (0)>
module attributes {stable_mosaic.version = 14 : i64} {
  func.func @_sc_body(%arg0: i32, %arg1: i32, %arg2: memref<3145728xf32, #tpu.memory_space<hbm>>, %arg3: memref<16777216xf32, #tpu.memory_space<hbm>>, %arg4: memref<16xf32, #tpu.memory_space<hbm>>, %arg5: memref<33554432xf32, #tpu.memory_space<hbm>>, %arg6: memref<3072xf32, #tpu.memory_space<vmem>>, %arg7: memref<16384xi32, #tpu.memory_space<vmem>>, %arg8: memref<16384xf32, #tpu.memory_space<vmem>>, %arg9: memref<3072xf32, #tpu.memory_space<vmem>>, %arg10: memref<2048xf32, #tpu.memory_space<vmem>>, %arg11: memref<16xf32, #tpu.memory_space<vmem>>, %arg12: memref<1048576xf32, #tpu.memory_space<vmem_shared>>, %arg13: memref<!tpu.dma_semaphore, #tpu.memory_space<semaphore_mem>>, %arg14: memref<!tpu.dma_semaphore, #tpu.memory_space<semaphore_mem>>, %arg15: memref<!tpu.dma_semaphore, #tpu.memory_space<semaphore_mem>>, %arg16: memref<!tpu.dma_semaphore, #tpu.memory_space<semaphore_mem>>, %arg17: memref<!tpu.dma_semaphore, #tpu.memory_space<semaphore_mem>>, %arg18: memref<!tpu.dma_semaphore, #tpu.memory_space<semaphore_mem>>) attributes {dimension_semantics = [#tpu.dimension_semantics<core_parallel>, #tpu.dimension_semantics<subcore_parallel>], iteration_bounds = array<i64: 2, 16>, scalar_prefetch = 0 : i64, scratch_operands = 13 : i64, tpu.core_type = #tpu.core_type<sc_vector_subcore>, window_params = [{transform_indices = #map}, {transform_indices = #map}, {transform_indices = #map}, {transform_indices = #map}]} {
    %mul3A = arith.constant 2 : i32
    %mul3A_0 = arith.muli %arg1, %mul3A : i32
    %add3A = arith.addi %mul3A_0, %arg0 : i32
    "tpu.region"() ({
      %run_scoped3A = tpu.sem_alloc : memref<!tpu.dma_semaphore, #tpu.memory_space<semaphore_mem>>
      tpu.enqueue_dma source(%arg4 : memref<16xf32, #tpu.memory_space<hbm>>) target(%arg11 : memref<16xf32, #tpu.memory_space<vmem>>) target_semaphore(%run_scoped3A : memref<!tpu.dma_semaphore, #tpu.memory_space<semaphore_mem>>)
      tpu.wait_dma2 semaphore(%run_scoped3A : memref<!tpu.dma_semaphore, #tpu.memory_space<semaphore_mem>>) src(%arg4 : memref<16xf32, #tpu.memory_space<hbm>>) dst(%arg11 : memref<16xf32, #tpu.memory_space<vmem>>)
      tpu.yield
    }) : () -> ()
    %scan3A = arith.constant 0 : i32
    %scan3A_1 = arith.constant 0 : i32
    %scan3A_2 = arith.constant 16 : i32
    %scan3A_3 = arith.addi %scan3A_1, %scan3A_2 : i32
    %scan3A_4 = arith.constant 1 : i32
    scf.for %scan3A_6 = %scan3A_1 to %scan3A_3 step %scan3A_4  : i32 {
      %barrier3A = arith.constant 0 : index
      tpu.barrier barrier_id(%barrier3A)
      %mul3A_7 = arith.constant 1048576 : i32
      %mul3A_8 = arith.muli %scan3A_6, %mul3A_7 : i32
      %mul3A_9 = arith.constant 65536 : i32
      %mul3A_10 = arith.muli %arg1, %mul3A_9 : i32
      %add3A_11 = arith.addi %mul3A_8, %mul3A_10 : i32
      %mul3A_12 = arith.constant 65536 : i32
      %mul3A_13 = arith.muli %arg1, %mul3A_12 : i32
      "tpu.region"() ({
        %run_scoped3A = tpu.sem_alloc : memref<!tpu.dma_semaphore, #tpu.memory_space<semaphore_mem>>
        %dma_start3A_217 = tpu.memref_slice %arg12[%mul3A_13] : memref<1048576xf32, #tpu.memory_space<vmem_shared>> -> memref<65536xf32, #tpu.memory_space<vmem_shared>>
        %dma_start3A_218 = tpu.memref_slice %arg3[%add3A_11] : memref<16777216xf32, #tpu.memory_space<hbm>> -> memref<65536xf32, #tpu.memory_space<hbm>>
        tpu.enqueue_dma source(%dma_start3A_218 : memref<65536xf32, #tpu.memory_space<hbm>>) target(%dma_start3A_217 : memref<65536xf32, #tpu.memory_space<vmem_shared>>) target_semaphore(%run_scoped3A : memref<!tpu.dma_semaphore, #tpu.memory_space<semaphore_mem>>)
        %dma_wait3A_219 = tpu.memref_slice %arg12[%mul3A_13] : memref<1048576xf32, #tpu.memory_space<vmem_shared>> -> memref<65536xf32, #tpu.memory_space<vmem_shared>>
        %dma_wait3A_220 = tpu.memref_slice %arg3[%add3A_11] : memref<16777216xf32, #tpu.memory_space<hbm>> -> memref<65536xf32, #tpu.memory_space<hbm>>
        tpu.wait_dma2 semaphore(%run_scoped3A : memref<!tpu.dma_semaphore, #tpu.memory_space<semaphore_mem>>) src(%dma_wait3A_220 : memref<65536xf32, #tpu.memory_space<hbm>>) dst(%dma_wait3A_219 : memref<65536xf32, #tpu.memory_space<vmem_shared>>)
        tpu.yield
      }) : () -> ()
      %barrier3A_14 = arith.constant 0 : index
      tpu.barrier barrier_id(%barrier3A_14)
      %broadcast_in_dim3A = vector.broadcast %scan3A_6 : i32 to vector<16xi32>
      %gather3A = tpu.vector_load_idx %arg11[%broadcast_in_dim3A] : memref<16xf32, #tpu.memory_space<vmem>>[vector<16xi32>], vector<16xf32>,
      %mul3A_15 = arith.constant 32768 : i32
      %mul3A_16 = arith.muli %add3A, %mul3A_15 : i32
      %add3A_17 = arith.constant 0 : i32
      %add3A_18 = arith.addi %mul3A_16, %add3A_17 : i32
      %add3A_19 = arith.constant 0 : i32
      %add3A_20 = arith.addi %add3A_19, %add3A_18 : i32
      %add3A_21 = arith.constant 1048576 : i32
      %add3A_22 = arith.addi %add3A_21, %add3A_18 : i32
      %add3A_23 = arith.constant 2097152 : i32
      %add3A_24 = arith.addi %add3A_23, %add3A_18 : i32
      %dma_start3A = arith.constant 0 : i32
      %dma_start3A_25 = tpu.memref_slice %arg6[%dma_start3A] : memref<3072xf32, #tpu.memory_space<vmem>> -> memref<512xf32, #tpu.memory_space<vmem>>
      %dma_start3A_26 = tpu.memref_slice %arg2[%add3A_20] : memref<3145728xf32, #tpu.memory_space<hbm>> -> memref<512xf32, #tpu.memory_space<hbm>>
      %dma_start3A_27 = arith.constant 0 : i32
      %dma_start3A_28 = tpu.memref_slice %arg6[%dma_start3A_27] : memref<3072xf32, #tpu.memory_space<vmem>> -> memref<512xf32, #tpu.memory_space<vmem>>
      %dma_start3A_29 = tpu.memref_slice %arg2[%add3A_20] : memref<3145728xf32, #tpu.memory_space<hbm>> -> memref<512xf32, #tpu.memory_space<hbm>>
      tpu.enqueue_dma source(%dma_start3A_29 : memref<512xf32, #tpu.memory_space<hbm>>) target(%dma_start3A_28 : memref<512xf32, #tpu.memory_space<vmem>>) target_semaphore(%arg15 : memref<!tpu.dma_semaphore, #tpu.memory_space<semaphore_mem>>)
      %dma_start3A_30 = arith.constant 512 : i32
      %dma_start3A_31 = tpu.memref_slice %arg6[%dma_start3A_30] : memref<3072xf32, #tpu.memory_space<vmem>> -> memref<512xf32, #tpu.memory_space<vmem>>
      %dma_start3A_32 = tpu.memref_slice %arg2[%add3A_22] : memref<3145728xf32, #tpu.memory_space<hbm>> -> memref<512xf32, #tpu.memory_space<hbm>>
      %dma_start3A_33 = arith.constant 512 : i32
      %dma_start3A_34 = tpu.memref_slice %arg6[%dma_start3A_33] : memref<3072xf32, #tpu.memory_space<vmem>> -> memref<512xf32, #tpu.memory_space<vmem>>
      %dma_start3A_35 = tpu.memref_slice %arg2[%add3A_22] : memref<3145728xf32, #tpu.memory_space<hbm>> -> memref<512xf32, #tpu.memory_space<hbm>>
      tpu.enqueue_dma source(%dma_start3A_35 : memref<512xf32, #tpu.memory_space<hbm>>) target(%dma_start3A_34 : memref<512xf32, #tpu.memory_space<vmem>>) target_semaphore(%arg15 : memref<!tpu.dma_semaphore, #tpu.memory_space<semaphore_mem>>)
      %dma_start3A_36 = arith.constant 1024 : i32
      %dma_start3A_37 = tpu.memref_slice %arg6[%dma_start3A_36] : memref<3072xf32, #tpu.memory_space<vmem>> -> memref<512xf32, #tpu.memory_space<vmem>>
      %dma_start3A_38 = tpu.memref_slice %arg2[%add3A_24] : memref<3145728xf32, #tpu.memory_space<hbm>> -> memref<512xf32, #tpu.memory_space<hbm>>
      %dma_start3A_39 = arith.constant 1024 : i32
      %dma_start3A_40 = tpu.memref_slice %arg6[%dma_start3A_39] : memref<3072xf32, #tpu.memory_space<vmem>> -> memref<512xf32, #tpu.memory_space<vmem>>
      %dma_start3A_41 = tpu.memref_slice %arg2[%add3A_24] : memref<3145728xf32, #tpu.memory_space<hbm>> -> memref<512xf32, #tpu.memory_space<hbm>>
      tpu.enqueue_dma source(%dma_start3A_41 : memref<512xf32, #tpu.memory_space<hbm>>) target(%dma_start3A_40 : memref<512xf32, #tpu.memory_space<vmem>>) target_semaphore(%arg15 : memref<!tpu.dma_semaphore, #tpu.memory_space<semaphore_mem>>)
      %scan3A_42 = arith.constant 0 : i32
      %scan3A_43 = arith.constant 0 : i32
      %scan3A_44 = arith.constant 32 : i32
      %scan3A_45 = arith.addi %scan3A_43, %scan3A_44 : i32
      %scan3A_46 = arith.constant 1 : i32
      scf.for %scan3A_217 = %scan3A_43 to %scan3A_45 step %scan3A_46  : i32 {
        %mul3A_218 = arith.constant 2 : i32
        %mul3A_219 = arith.muli %mul3A_218, %scan3A_217 : i32
        %add3A_220 = arith.constant 1 : i32
        %add3A_221 = arith.addi %mul3A_219, %add3A_220 : i32
        %mul3A_222 = arith.constant 32768 : i32
        %mul3A_223 = arith.muli %add3A, %mul3A_222 : i32
        %mul3A_224 = arith.constant 512 : i32
        %mul3A_225 = arith.muli %mul3A_219, %mul3A_224 : i32
        %add3A_226 = arith.addi %mul3A_223, %mul3A_225 : i32
        %add3A_227 = arith.constant 0 : i32
        %add3A_228 = arith.addi %add3A_227, %add3A_226 : i32
        %add3A_229 = arith.constant 1048576 : i32
        %add3A_230 = arith.addi %add3A_229, %add3A_226 : i32
        %add3A_231 = arith.constant 2097152 : i32
        %add3A_232 = arith.addi %add3A_231, %add3A_226 : i32
        %dma_wait3A_233 = arith.constant 0 : i32
        %dma_wait3A_234 = tpu.memref_slice %arg6[%dma_wait3A_233] : memref<3072xf32, #tpu.memory_space<vmem>> -> memref<512xf32, #tpu.memory_space<vmem>>
        %dma_wait3A_235 = tpu.memref_slice %arg2[%add3A_228] : memref<3145728xf32, #tpu.memory_space<hbm>> -> memref<512xf32, #tpu.memory_space<hbm>>
        %dma_wait3A_236 = arith.constant 0 : i32
        %dma_wait3A_237 = tpu.memref_slice %arg6[%dma_wait3A_236] : memref<3072xf32, #tpu.memory_space<vmem>> -> memref<512xf32, #tpu.memory_space<vmem>>
        %dma_wait3A_238 = tpu.memref_slice %arg2[%add3A_228] : memref<3145728xf32, #tpu.memory_space<hbm>> -> memref<512xf32, #tpu.memory_space<hbm>>
        tpu.wait_dma2 semaphore(%arg15 : memref<!tpu.dma_semaphore, #tpu.memory_space<semaphore_mem>>) src(%dma_wait3A_238 : memref<512xf32, #tpu.memory_space<hbm>>) dst(%dma_wait3A_237 : memref<512xf32, #tpu.memory_space<vmem>>)
        %dma_wait3A_239 = arith.constant 512 : i32
        %dma_wait3A_240 = tpu.memref_slice %arg6[%dma_wait3A_239] : memref<3072xf32, #tpu.memory_space<vmem>> -> memref<512xf32, #tpu.memory_space<vmem>>
        %dma_wait3A_241 = tpu.memref_slice %arg2[%add3A_230] : memref<3145728xf32, #tpu.memory_space<hbm>> -> memref<512xf32, #tpu.memory_space<hbm>>
        %dma_wait3A_242 = arith.constant 512 : i32
        %dma_wait3A_243 = tpu.memref_slice %arg6[%dma_wait3A_242] : memref<3072xf32, #tpu.memory_space<vmem>> -> memref<512xf32, #tpu.memory_space<vmem>>
        %dma_wait3A_244 = tpu.memref_slice %arg2[%add3A_230] : memref<3145728xf32, #tpu.memory_space<hbm>> -> memref<512xf32, #tpu.memory_space<hbm>>
        tpu.wait_dma2 semaphore(%arg15 : memref<!tpu.dma_semaphore, #tpu.memory_space<semaphore_mem>>) src(%dma_wait3A_244 : memref<512xf32, #tpu.memory_space<hbm>>) dst(%dma_wait3A_243 : memref<512xf32, #tpu.memory_space<vmem>>)
        %dma_wait3A_245 = arith.constant 1024 : i32
        %dma_wait3A_246 = tpu.memref_slice %arg6[%dma_wait3A_245] : memref<3072xf32, #tpu.memory_space<vmem>> -> memref<512xf32, #tpu.memory_space<vmem>>
        %dma_wait3A_247 = tpu.memref_slice %arg2[%add3A_232] : memref<3145728xf32, #tpu.memory_space<hbm>> -> memref<512xf32, #tpu.memory_space<hbm>>
        %dma_wait3A_248 = arith.constant 1024 : i32
        %dma_wait3A_249 = tpu.memref_slice %arg6[%dma_wait3A_248] : memref<3072xf32, #tpu.memory_space<vmem>> -> memref<512xf32, #tpu.memory_space<vmem>>
        %dma_wait3A_250 = tpu.memref_slice %arg2[%add3A_232] : memref<3145728xf32, #tpu.memory_space<hbm>> -> memref<512xf32, #tpu.memory_space<hbm>>
        tpu.wait_dma2 semaphore(%arg15 : memref<!tpu.dma_semaphore, #tpu.memory_space<semaphore_mem>>) src(%dma_wait3A_250 : memref<512xf32, #tpu.memory_space<hbm>>) dst(%dma_wait3A_249 : memref<512xf32, #tpu.memory_space<vmem>>)
        %parallel_loop3A_251 = arith.constant 0 : i32
        %parallel_loop3A_252 = arith.constant 32 : i32
        %parallel_loop3A_253 = arith.constant 1 : i32
        scf.for %parallel_loop3A_505 = %parallel_loop3A_251 to %parallel_loop3A_252 step %parallel_loop3A_253  : i32 {
          %parallel_loop3A_506 = arith.constant 16 : i32
          %parallel_loop3A_507 = arith.muli %parallel_loop3A_505, %parallel_loop3A_506 : i32
          %parallel_loop3A_508 = arith.constant 0 : i32
          %parallel_loop3A_509 = arith.addi %parallel_loop3A_508, %parallel_loop3A_507 : i32
          %parallel_loop3A_510 = arith.index_cast %parallel_loop3A_509 : i32 to index
          %parallel_loop3A_511 = tpu.vector_load %arg6[%parallel_loop3A_510] {strides = array<i32>} : memref<3072xf32, #tpu.memory_space<vmem>>, vector<16xf32>,
          %parallel_loop3A_512 = arith.constant 2.000000e+00 : f32
          %parallel_loop3A_513 = vector.broadcast %parallel_loop3A_512 : f32 to vector<16xf32>
          %parallel_loop3A_514 = arith.addf %parallel_loop3A_511, %parallel_loop3A_513 : vector<16xf32>
          %parallel_loop3A_515 = arith.constant 2.500000e-01 : f32
          %parallel_loop3A_516 = vector.broadcast %parallel_loop3A_515 : f32 to vector<16xf32>
          %parallel_loop3A_517 = arith.mulf %parallel_loop3A_514, %parallel_loop3A_516 : vector<16xf32>
          %parallel_loop3A_518 = arith.constant 512 : i32
          %parallel_loop3A_519 = arith.addi %parallel_loop3A_518, %parallel_loop3A_507 : i32
          %parallel_loop3A_520 = arith.index_cast %parallel_loop3A_519 : i32 to index
          %parallel_loop3A_521 = tpu.vector_load %arg6[%parallel_loop3A_520] {strides = array<i32>} : memref<3072xf32, #tpu.memory_space<vmem>>, vector<16xf32>,
          %parallel_loop3A_522 = arith.constant 2.000000e+00 : f32
          %parallel_loop3A_523 = vector.broadcast %parallel_loop3A_522 : f32 to vector<16xf32>
          %parallel_loop3A_524 = arith.addf %parallel_loop3A_521, %parallel_loop3A_523 : vector<16xf32>
          %parallel_loop3A_525 = arith.constant 2.500000e-01 : f32
          %parallel_loop3A_526 = vector.broadcast %parallel_loop3A_525 : f32 to vector<16xf32>
          %parallel_loop3A_527 = arith.mulf %parallel_loop3A_524, %parallel_loop3A_526 : vector<16xf32>
          %parallel_loop3A_528 = arith.constant 1024 : i32
          %parallel_loop3A_529 = arith.addi %parallel_loop3A_528, %parallel_loop3A_507 : i32
          %parallel_loop3A_530 = arith.index_cast %parallel_loop3A_529 : i32 to index
          %parallel_loop3A_531 = tpu.vector_load %arg6[%parallel_loop3A_530] {strides = array<i32>} : memref<3072xf32, #tpu.memory_space<vmem>>, vector<16xf32>,
          %parallel_loop3A_532 = arith.constant 2.000000e+00 : f32
          %parallel_loop3A_533 = vector.broadcast %parallel_loop3A_532 : f32 to vector<16xf32>
          %parallel_loop3A_534 = arith.addf %parallel_loop3A_531, %parallel_loop3A_533 : vector<16xf32>
          %parallel_loop3A_535 = arith.constant 2.500000e-01 : f32
          %parallel_loop3A_536 = vector.broadcast %parallel_loop3A_535 : f32 to vector<16xf32>
          %parallel_loop3A_537 = arith.mulf %parallel_loop3A_534, %parallel_loop3A_536 : vector<16xf32>
          %parallel_loop3A_538 = arith.mulf %parallel_loop3A_517, %gather3A : vector<16xf32>
          %parallel_loop3A_539 = arith.mulf %parallel_loop3A_527, %gather3A : vector<16xf32>
          %parallel_loop3A_540 = arith.mulf %parallel_loop3A_537, %gather3A : vector<16xf32>
          %parallel_loop3A_541 = arith.fptosi %parallel_loop3A_538 : vector<16xf32> to vector<16xi32>
          %parallel_loop3A_542 = arith.fptosi %parallel_loop3A_539 : vector<16xf32> to vector<16xi32>
          %parallel_loop3A_543 = arith.fptosi %parallel_loop3A_540 : vector<16xf32> to vector<16xi32>
          %parallel_loop3A_544 = arith.sitofp %parallel_loop3A_541 : vector<16xi32> to vector<16xf32>
          %parallel_loop3A_545 = arith.subf %parallel_loop3A_538, %parallel_loop3A_544 : vector<16xf32>
          %parallel_loop3A_546 = arith.constant 0 : i32
          %parallel_loop3A_547 = arith.addi %parallel_loop3A_546, %parallel_loop3A_507 : i32
          %parallel_loop3A_548 = arith.index_cast %parallel_loop3A_547 : i32 to index
          %parallel_loop3A_549 = tpu.vector_load %arg9[%parallel_loop3A_548] {strides = array<i32>} : memref<3072xf32, #tpu.memory_space<vmem>>, vector<16xf32>,
          tpu.vector_store %arg9[%parallel_loop3A_548], %parallel_loop3A_545 {strides = array<i32>} : memref<3072xf32, #tpu.memory_space<vmem>>, vector<16xf32>,
          %parallel_loop3A_550 = arith.sitofp %parallel_loop3A_542 : vector<16xi32> to vector<16xf32>
          %parallel_loop3A_551 = arith.subf %parallel_loop3A_539, %parallel_loop3A_550 : vector<16xf32>
          %parallel_loop3A_552 = arith.constant 512 : i32
          %parallel_loop3A_553 = arith.addi %parallel_loop3A_552, %parallel_loop3A_507 : i32
          %parallel_loop3A_554 = arith.index_cast %parallel_loop3A_553 : i32 to index
          %parallel_loop3A_555 = tpu.vector_load %arg9[%parallel_loop3A_554] {strides = array<i32>} : memref<3072xf32, #tpu.memory_space<vmem>>, vector<16xf32>,
          tpu.vector_store %arg9[%parallel_loop3A_554], %parallel_loop3A_551 {strides = array<i32>} : memref<3072xf32, #tpu.memory_space<vmem>>, vector<16xf32>,
          %parallel_loop3A_556 = arith.sitofp %parallel_loop3A_543 : vector<16xi32> to vector<16xf32>
          %parallel_loop3A_557 = arith.subf %parallel_loop3A_540, %parallel_loop3A_556 : vector<16xf32>
          %parallel_loop3A_558 = arith.constant 1024 : i32
          %parallel_loop3A_559 = arith.addi %parallel_loop3A_558, %parallel_loop3A_507 : i32
          %parallel_loop3A_560 = arith.index_cast %parallel_loop3A_559 : i32 to index
          %parallel_loop3A_561 = tpu.vector_load %arg9[%parallel_loop3A_560] {strides = array<i32>} : memref<3072xf32, #tpu.memory_space<vmem>>, vector<16xf32>,
          tpu.vector_store %arg9[%parallel_loop3A_560], %parallel_loop3A_557 {strides = array<i32>} : memref<3072xf32, #tpu.memory_space<vmem>>, vector<16xf32>,
          %parallel_loop3A_562 = arith.constant -1640531535 : i32
          %parallel_loop3A_563 = vector.broadcast %parallel_loop3A_562 : i32 to vector<16xi32>
          %parallel_loop3A_564 = arith.muli %parallel_loop3A_542, %parallel_loop3A_563 : vector<16xi32>
          %parallel_loop3A_565 = arith.constant 805459861 : i32
          %parallel_loop3A_566 = vector.broadcast %parallel_loop3A_565 : i32 to vector<16xi32>
          %parallel_loop3A_567 = arith.muli %parallel_loop3A_543, %parallel_loop3A_566 : vector<16xi32>
          %parallel_loop3A_568 = arith.constant 1 : i32
          %parallel_loop3A_569 = vector.broadcast %parallel_loop3A_568 : i32 to vector<16xi32>
          %parallel_loop3A_570 = arith.addi %parallel_loop3A_541, %parallel_loop3A_569 : vector<16xi32>
          %parallel_loop3A_571 = arith.constant -1640531535 : i32
          %parallel_loop3A_572 = vector.broadcast %parallel_loop3A_571 : i32 to vector<16xi32>
          %parallel_loop3A_573 = arith.addi %parallel_loop3A_564, %parallel_loop3A_572 : vector<16xi32>
          %parallel_loop3A_574 = arith.constant 805459861 : i32
          %parallel_loop3A_575 = vector.broadcast %parallel_loop3A_574 : i32 to vector<16xi32>
          %parallel_loop3A_576 = arith.addi %parallel_loop3A_567, %parallel_loop3A_575 : vector<16xi32>
          %parallel_loop3A_577 = arith.xori %parallel_loop3A_541, %parallel_loop3A_564 : vector<16xi32>
          %parallel_loop3A_578 = arith.xori %parallel_loop3A_577, %parallel_loop3A_567 : vector<16xi32>
          %parallel_loop3A_579 = arith.constant 524287 : i32
          %parallel_loop3A_580 = vector.broadcast %parallel_loop3A_579 : i32 to vector<16xi32>
          %parallel_loop3A_581 = arith.andi %parallel_loop3A_578, %parallel_loop3A_580 : vector<16xi32>
          %parallel_loop3A_582 = arith.constant -128 : i32
          %parallel_loop3A_583 = vector.broadcast %parallel_loop3A_582 : i32 to vector<16xi32>
          %parallel_loop3A_584 = arith.andi %parallel_loop3A_581, %parallel_loop3A_583 : vector<16xi32>
          %parallel_loop3A_585 = arith.addi %parallel_loop3A_581, %parallel_loop3A_584 : vector<16xi32>
          %parallel_loop3A_586 = arith.constant 0 : i32
          %parallel_loop3A_587 = arith.addi %parallel_loop3A_586, %parallel_loop3A_507 : i32
          %parallel_loop3A_588 = arith.index_cast %parallel_loop3A_587 : i32 to index
          %parallel_loop3A_589 = tpu.vector_load %arg7[%parallel_loop3A_588] {strides = array<i32>} : memref<16384xi32, #tpu.memory_space<vmem>>, vector<16xi32>,
          tpu.vector_store %arg7[%parallel_loop3A_588], %parallel_loop3A_585 {strides = array<i32>} : memref<16384xi32, #tpu.memory_space<vmem>>, vector<16xi32>,
          %parallel_loop3A_590 = arith.constant 128 : i32
          %parallel_loop3A_591 = vector.broadcast %parallel_loop3A_590 : i32 to vector<16xi32>
          %parallel_loop3A_592 = arith.addi %parallel_loop3A_585, %parallel_loop3A_591 : vector<16xi32>
          %parallel_loop3A_593 = arith.constant 512 : i32
          %parallel_loop3A_594 = arith.addi %parallel_loop3A_593, %parallel_loop3A_507 : i32
          %parallel_loop3A_595 = arith.index_cast %parallel_loop3A_594 : i32 to index
          %parallel_loop3A_596 = tpu.vector_load %arg7[%parallel_loop3A_595] {strides = array<i32>} : memref<16384xi32, #tpu.memory_space<vmem>>, vector<16xi32>,
          tpu.vector_store %arg7[%parallel_loop3A_595], %parallel_loop3A_592 {strides = array<i32>} : memref<16384xi32, #tpu.memory_space<vmem>>, vector<16xi32>,
          %parallel_loop3A_597 = arith.xori %parallel_loop3A_570, %parallel_loop3A_564 : vector<16xi32>
          %parallel_loop3A_598 = arith.xori %parallel_loop3A_597, %parallel_loop3A_567 : vector<16xi32>
          %parallel_loop3A_599 = arith.constant 524287 : i32
          %parallel_loop3A_600 = vector.broadcast %parallel_loop3A_599 : i32 to vector<16xi32>
          %parallel_loop3A_601 = arith.andi %parallel_loop3A_598, %parallel_loop3A_600 : vector<16xi32>
          %parallel_loop3A_602 = arith.constant -128 : i32
          %parallel_loop3A_603 = vector.broadcast %parallel_loop3A_602 : i32 to vector<16xi32>
          %parallel_loop3A_604 = arith.andi %parallel_loop3A_601, %parallel_loop3A_603 : vector<16xi32>
          %parallel_loop3A_605 = arith.addi %parallel_loop3A_601, %parallel_loop3A_604 : vector<16xi32>
          %parallel_loop3A_606 = arith.constant 1024 : i32
          %parallel_loop3A_607 = arith.addi %parallel_loop3A_606, %parallel_loop3A_507 : i32
          %parallel_loop3A_608 = arith.index_cast %parallel_loop3A_607 : i32 to index
          %parallel_loop3A_609 = tpu.vector_load %arg7[%parallel_loop3A_608] {strides = array<i32>} : memref<16384xi32, #tpu.memory_space<vmem>>, vector<16xi32>,
          tpu.vector_store %arg7[%parallel_loop3A_608], %parallel_loop3A_605 {strides = array<i32>} : memref<16384xi32, #tpu.memory_space<vmem>>, vector<16xi32>,
          %parallel_loop3A_610 = arith.constant 128 : i32
          %parallel_loop3A_611 = vector.broadcast %parallel_loop3A_610 : i32 to vector<16xi32>
          %parallel_loop3A_612 = arith.addi %parallel_loop3A_605, %parallel_loop3A_611 : vector<16xi32>
          %parallel_loop3A_613 = arith.constant 1536 : i32
          %parallel_loop3A_614 = arith.addi %parallel_loop3A_613, %parallel_loop3A_507 : i32
          %parallel_loop3A_615 = arith.index_cast %parallel_loop3A_614 : i32 to index
          %parallel_loop3A_616 = tpu.vector_load %arg7[%parallel_loop3A_615] {strides = array<i32>} : memref<16384xi32, #tpu.memory_space<vmem>>, vector<16xi32>,
          tpu.vector_store %arg7[%parallel_loop3A_615], %parallel_loop3A_612 {strides = array<i32>} : memref<16384xi32, #tpu.memory_space<vmem>>, vector<16xi32>,
          %parallel_loop3A_617 = arith.xori %parallel_loop3A_541, %parallel_loop3A_573 : vector<16xi32>
          %parallel_loop3A_618 = arith.xori %parallel_loop3A_617, %parallel_loop3A_567 : vector<16xi32>
          %parallel_loop3A_619 = arith.constant 524287 : i32
          %parallel_loop3A_620 = vector.broadcast %parallel_loop3A_619 : i32 to vector<16xi32>
          %parallel_loop3A_621 = arith.andi %parallel_loop3A_618, %parallel_loop3A_620 : vector<16xi32>
          %parallel_loop3A_622 = arith.constant -128 : i32
          %parallel_loop3A_623 = vector.broadcast %parallel_loop3A_622 : i32 to vector<16xi32>
          %parallel_loop3A_624 = arith.andi %parallel_loop3A_621, %parallel_loop3A_623 : vector<16xi32>
          %parallel_loop3A_625 = arith.addi %parallel_loop3A_621, %parallel_loop3A_624 : vector<16xi32>
          %parallel_loop3A_626 = arith.constant 2048 : i32
          %parallel_loop3A_627 = arith.addi %parallel_loop3A_626, %parallel_loop3A_507 : i32
          %parallel_loop3A_628 = arith.index_cast %parallel_loop3A_627 : i32 to index
          %parallel_loop3A_629 = tpu.vector_load %arg7[%parallel_loop3A_628] {strides = array<i32>} : memref<16384xi32, #tpu.memory_space<vmem>>, vector<16xi32>,
          tpu.vector_store %arg7[%parallel_loop3A_628], %parallel_loop3A_625 {strides = array<i32>} : memref<16384xi32, #tpu.memory_space<vmem>>, vector<16xi32>,
          %parallel_loop3A_630 = arith.constant 128 : i32
          %parallel_loop3A_631 = vector.broadcast %parallel_loop3A_630 : i32 to vector<16xi32>
          %parallel_loop3A_632 = arith.addi %parallel_loop3A_625, %parallel_loop3A_631 : vector<16xi32>
          %parallel_loop3A_633 = arith.constant 2560 : i32
          %parallel_loop3A_634 = arith.addi %parallel_loop3A_633, %parallel_loop3A_507 : i32
          %parallel_loop3A_635 = arith.index_cast %parallel_loop3A_634 : i32 to index
          %parallel_loop3A_636 = tpu.vector_load %arg7[%parallel_loop3A_635] {strides = array<i32>} : memref<16384xi32, #tpu.memory_space<vmem>>, vector<16xi32>,
          tpu.vector_store %arg7[%parallel_loop3A_635], %parallel_loop3A_632 {strides = array<i32>} : memref<16384xi32, #tpu.memory_space<vmem>>, vector<16xi32>,
          %parallel_loop3A_637 = arith.xori %parallel_loop3A_570, %parallel_loop3A_573 : vector<16xi32>
          %parallel_loop3A_638 = arith.xori %parallel_loop3A_637, %parallel_loop3A_567 : vector<16xi32>
          %parallel_loop3A_639 = arith.constant 524287 : i32
          %parallel_loop3A_640 = vector.broadcast %parallel_loop3A_639 : i32 to vector<16xi32>
          %parallel_loop3A_641 = arith.andi %parallel_loop3A_638, %parallel_loop3A_640 : vector<16xi32>
          %parallel_loop3A_642 = arith.constant -128 : i32
          %parallel_loop3A_643 = vector.broadcast %parallel_loop3A_642 : i32 to vector<16xi32>
          %parallel_loop3A_644 = arith.andi %parallel_loop3A_641, %parallel_loop3A_643 : vector<16xi32>
          %parallel_loop3A_645 = arith.addi %parallel_loop3A_641, %parallel_loop3A_644 : vector<16xi32>
          %parallel_loop3A_646 = arith.constant 3072 : i32
          %parallel_loop3A_647 = arith.addi %parallel_loop3A_646, %parallel_loop3A_507 : i32
          %parallel_loop3A_648 = arith.index_cast %parallel_loop3A_647 : i32 to index
          %parallel_loop3A_649 = tpu.vector_load %arg7[%parallel_loop3A_648] {strides = array<i32>} : memref<16384xi32, #tpu.memory_space<vmem>>, vector<16xi32>,
          tpu.vector_store %arg7[%parallel_loop3A_648], %parallel_loop3A_645 {strides = array<i32>} : memref<16384xi32, #tpu.memory_space<vmem>>, vector<16xi32>,
          %parallel_loop3A_650 = arith.constant 128 : i32
          %parallel_loop3A_651 = vector.broadcast %parallel_loop3A_650 : i32 to vector<16xi32>
          %parallel_loop3A_652 = arith.addi %parallel_loop3A_645, %parallel_loop3A_651 : vector<16xi32>
          %parallel_loop3A_653 = arith.constant 3584 : i32
          %parallel_loop3A_654 = arith.addi %parallel_loop3A_653, %parallel_loop3A_507 : i32
          %parallel_loop3A_655 = arith.index_cast %parallel_loop3A_654 : i32 to index
          %parallel_loop3A_656 = tpu.vector_load %arg7[%parallel_loop3A_655] {strides = array<i32>} : memref<16384xi32, #tpu.memory_space<vmem>>, vector<16xi32>,
          tpu.vector_store %arg7[%parallel_loop3A_655], %parallel_loop3A_652 {strides = array<i32>} : memref<16384xi32, #tpu.memory_space<vmem>>, vector<16xi32>,
          %parallel_loop3A_657 = arith.xori %parallel_loop3A_541, %parallel_loop3A_564 : vector<16xi32>
          %parallel_loop3A_658 = arith.xori %parallel_loop3A_657, %parallel_loop3A_576 : vector<16xi32>
          %parallel_loop3A_659 = arith.constant 524287 : i32
          %parallel_loop3A_660 = vector.broadcast %parallel_loop3A_659 : i32 to vector<16xi32>
          %parallel_loop3A_661 = arith.andi %parallel_loop3A_658, %parallel_loop3A_660 : vector<16xi32>
          %parallel_loop3A_662 = arith.constant -128 : i32
          %parallel_loop3A_663 = vector.broadcast %parallel_loop3A_662 : i32 to vector<16xi32>
          %parallel_loop3A_664 = arith.andi %parallel_loop3A_661, %parallel_loop3A_663 : vector<16xi32>
          %parallel_loop3A_665 = arith.addi %parallel_loop3A_661, %parallel_loop3A_664 : vector<16xi32>
          %parallel_loop3A_666 = arith.constant 4096 : i32
          %parallel_loop3A_667 = arith.addi %parallel_loop3A_666, %parallel_loop3A_507 : i32
          %parallel_loop3A_668 = arith.index_cast %parallel_loop3A_667 : i32 to index
          %parallel_loop3A_669 = tpu.vector_load %arg7[%parallel_loop3A_668] {strides = array<i32>} : memref<16384xi32, #tpu.memory_space<vmem>>, vector<16xi32>,
          tpu.vector_store %arg7[%parallel_loop3A_668], %parallel_loop3A_665 {strides = array<i32>} : memref<16384xi32, #tpu.memory_space<vmem>>, vector<16xi32>,
          %parallel_loop3A_670 = arith.constant 128 : i32
          %parallel_loop3A_671 = vector.broadcast %parallel_loop3A_670 : i32 to vector<16xi32>
          %parallel_loop3A_672 = arith.addi %parallel_loop3A_665, %parallel_loop3A_671 : vector<16xi32>
          %parallel_loop3A_673 = arith.constant 4608 : i32
          %parallel_loop3A_674 = arith.addi %parallel_loop3A_673, %parallel_loop3A_507 : i32
          %parallel_loop3A_675 = arith.index_cast %parallel_loop3A_674 : i32 to index
          %parallel_loop3A_676 = tpu.vector_load %arg7[%parallel_loop3A_675] {strides = array<i32>} : memref<16384xi32, #tpu.memory_space<vmem>>, vector<16xi32>,
          tpu.vector_store %arg7[%parallel_loop3A_675], %parallel_loop3A_672 {strides = array<i32>} : memref<16384xi32, #tpu.memory_space<vmem>>, vector<16xi32>,
          %parallel_loop3A_677 = arith.xori %parallel_loop3A_570, %parallel_loop3A_564 : vector<16xi32>
          %parallel_loop3A_678 = arith.xori %parallel_loop3A_677, %parallel_loop3A_576 : vector<16xi32>
          %parallel_loop3A_679 = arith.constant 524287 : i32
          %parallel_loop3A_680 = vector.broadcast %parallel_loop3A_679 : i32 to vector<16xi32>
          %parallel_loop3A_681 = arith.andi %parallel_loop3A_678, %parallel_loop3A_680 : vector<16xi32>
          %parallel_loop3A_682 = arith.constant -128 : i32
          %parallel_loop3A_683 = vector.broadcast %parallel_loop3A_682 : i32 to vector<16xi32>
          %parallel_loop3A_684 = arith.andi %parallel_loop3A_681, %parallel_loop3A_683 : vector<16xi32>
          %parallel_loop3A_685 = arith.addi %parallel_loop3A_681, %parallel_loop3A_684 : vector<16xi32>
          %parallel_loop3A_686 = arith.constant 5120 : i32
          %parallel_loop3A_687 = arith.addi %parallel_loop3A_686, %parallel_loop3A_507 : i32
          %parallel_loop3A_688 = arith.index_cast %parallel_loop3A_687 : i32 to index
          %parallel_loop3A_689 = tpu.vector_load %arg7[%parallel_loop3A_688] {strides = array<i32>} : memref<16384xi32, #tpu.memory_space<vmem>>, vector<16xi32>,
          tpu.vector_store %arg7[%parallel_loop3A_688], %parallel_loop3A_685 {strides = array<i32>} : memref<16384xi32, #tpu.memory_space<vmem>>, vector<16xi32>,
          %parallel_loop3A_690 = arith.constant 128 : i32
          %parallel_loop3A_691 = vector.broadcast %parallel_loop3A_690 : i32 to vector<16xi32>
          %parallel_loop3A_692 = arith.addi %parallel_loop3A_685, %parallel_loop3A_691 : vector<16xi32>
          %parallel_loop3A_693 = arith.constant 5632 : i32
          %parallel_loop3A_694 = arith.addi %parallel_loop3A_693, %parallel_loop3A_507 : i32
          %parallel_loop3A_695 = arith.index_cast %parallel_loop3A_694 : i32 to index
          %parallel_loop3A_696 = tpu.vector_load %arg7[%parallel_loop3A_695] {strides = array<i32>} : memref<16384xi32, #tpu.memory_space<vmem>>, vector<16xi32>,
          tpu.vector_store %arg7[%parallel_loop3A_695], %parallel_loop3A_692 {strides = array<i32>} : memref<16384xi32, #tpu.memory_space<vmem>>, vector<16xi32>,
          %parallel_loop3A_697 = arith.xori %parallel_loop3A_541, %parallel_loop3A_573 : vector<16xi32>
          %parallel_loop3A_698 = arith.xori %parallel_loop3A_697, %parallel_loop3A_576 : vector<16xi32>
          %parallel_loop3A_699 = arith.constant 524287 : i32
          %parallel_loop3A_700 = vector.broadcast %parallel_loop3A_699 : i32 to vector<16xi32>
          %parallel_loop3A_701 = arith.andi %parallel_loop3A_698, %parallel_loop3A_700 : vector<16xi32>
          %parallel_loop3A_702 = arith.constant -128 : i32
          %parallel_loop3A_703 = vector.broadcast %parallel_loop3A_702 : i32 to vector<16xi32>
          %parallel_loop3A_704 = arith.andi %parallel_loop3A_701, %parallel_loop3A_703 : vector<16xi32>
          %parallel_loop3A_705 = arith.addi %parallel_loop3A_701, %parallel_loop3A_704 : vector<16xi32>
          %parallel_loop3A_706 = arith.constant 6144 : i32
          %parallel_loop3A_707 = arith.addi %parallel_loop3A_706, %parallel_loop3A_507 : i32
          %parallel_loop3A_708 = arith.index_cast %parallel_loop3A_707 : i32 to index
          %parallel_loop3A_709 = tpu.vector_load %arg7[%parallel_loop3A_708] {strides = array<i32>} : memref<16384xi32, #tpu.memory_space<vmem>>, vector<16xi32>,
          tpu.vector_store %arg7[%parallel_loop3A_708], %parallel_loop3A_705 {strides = array<i32>} : memref<16384xi32, #tpu.memory_space<vmem>>, vector<16xi32>,
          %parallel_loop3A_710 = arith.constant 128 : i32
          %parallel_loop3A_711 = vector.broadcast %parallel_loop3A_710 : i32 to vector<16xi32>
          %parallel_loop3A_712 = arith.addi %parallel_loop3A_705, %parallel_loop3A_711 : vector<16xi32>
          %parallel_loop3A_713 = arith.constant 6656 : i32
          %parallel_loop3A_714 = arith.addi %parallel_loop3A_713, %parallel_loop3A_507 : i32
          %parallel_loop3A_715 = arith.index_cast %parallel_loop3A_714 : i32 to index
          %parallel_loop3A_716 = tpu.vector_load %arg7[%parallel_loop3A_715] {strides = array<i32>} : memref<16384xi32, #tpu.memory_space<vmem>>, vector<16xi32>,
          tpu.vector_store %arg7[%parallel_loop3A_715], %parallel_loop3A_712 {strides = array<i32>} : memref<16384xi32, #tpu.memory_space<vmem>>, vector<16xi32>,
          %parallel_loop3A_717 = arith.xori %parallel_loop3A_570, %parallel_loop3A_573 : vector<16xi32>
          %parallel_loop3A_718 = arith.xori %parallel_loop3A_717, %parallel_loop3A_576 : vector<16xi32>
          %parallel_loop3A_719 = arith.constant 524287 : i32
          %parallel_loop3A_720 = vector.broadcast %parallel_loop3A_719 : i32 to vector<16xi32>
          %parallel_loop3A_721 = arith.andi %parallel_loop3A_718, %parallel_loop3A_720 : vector<16xi32>
          %parallel_loop3A_722 = arith.constant -128 : i32
          %parallel_loop3A_723 = vector.broadcast %parallel_loop3A_722 : i32 to vector<16xi32>
          %parallel_loop3A_724 = arith.andi %parallel_loop3A_721, %parallel_loop3A_723 : vector<16xi32>
          %parallel_loop3A_725 = arith.addi %parallel_loop3A_721, %parallel_loop3A_724 : vector<16xi32>
          %parallel_loop3A_726 = arith.constant 7168 : i32
          %parallel_loop3A_727 = arith.addi %parallel_loop3A_726, %parallel_loop3A_507 : i32
          %parallel_loop3A_728 = arith.index_cast %parallel_loop3A_727 : i32 to index
          %parallel_loop3A_729 = tpu.vector_load %arg7[%parallel_loop3A_728] {strides = array<i32>} : memref<16384xi32, #tpu.memory_space<vmem>>, vector<16xi32>,
          tpu.vector_store %arg7[%parallel_loop3A_728], %parallel_loop3A_725 {strides = array<i32>} : memref<16384xi32, #tpu.memory_space<vmem>>, vector<16xi32>,
          %parallel_loop3A_730 = arith.constant 128 : i32
          %parallel_loop3A_731 = vector.broadcast %parallel_loop3A_730 : i32 to vector<16xi32>
          %parallel_loop3A_732 = arith.addi %parallel_loop3A_725, %parallel_loop3A_731 : vector<16xi32>
          %parallel_loop3A_733 = arith.constant 7680 : i32
          %parallel_loop3A_734 = arith.addi %parallel_loop3A_733, %parallel_loop3A_507 : i32
          %parallel_loop3A_735 = arith.index_cast %parallel_loop3A_734 : i32 to index
          %parallel_loop3A_736 = tpu.vector_load %arg7[%parallel_loop3A_735] {strides = array<i32>} : memref<16384xi32, #tpu.memory_space<vmem>>, vector<16xi32>,
          tpu.vector_store %arg7[%parallel_loop3A_735], %parallel_loop3A_732 {strides = array<i32>} : memref<16384xi32, #tpu.memory_space<vmem>>, vector<16xi32>,
        } {sc.loop_unroll_factor = 4 : i64, sc.parallel_access}
        %dma_start3A_254 = arith.constant 0 : i32
        %dma_start3A_255 = tpu.memref_slice %arg8[%dma_start3A_254] : memref<16384xf32, #tpu.memory_space<vmem>> -> memref<1024xf32, #tpu.memory_space<vmem>>
        %dma_start3A_256 = arith.constant 0 : i32
        %dma_start3A_257 = tpu.memref_slice %arg7[%dma_start3A_256] : memref<16384xi32, #tpu.memory_space<vmem>> -> memref<1024xi32, #tpu.memory_space<vmem>>
        %dma_start3A_258 = arith.constant 0 : i32
        %dma_start3A_259 = tpu.memref_slice %arg12[%dma_start3A_258] : memref<1048576xf32, #tpu.memory_space<vmem_shared>> -> memref<1048576xf32, #tpu.memory_space<vmem_shared>>
        tpu.enqueue_indirect_dma source(%dma_start3A_259 : memref<1048576xf32, #tpu.memory_space<vmem_shared>>) target(%dma_start3A_255 : memref<1024xf32, #tpu.memory_space<vmem>>) offsets(%dma_start3A_257 : memref<1024xi32, #tpu.memory_space<vmem>>) semaphore(%arg13 : memref<!tpu.dma_semaphore, #tpu.memory_space<semaphore_mem>>)
        %dma_start3A_260 = arith.constant 1024 : i32
        %dma_start3A_261 = tpu.memref_slice %arg8[%dma_start3A_260] : memref<16384xf32, #tpu.memory_space<vmem>> -> memref<1024xf32, #tpu.memory_space<vmem>>
        %dma_start3A_262 = arith.constant 1024 : i32
        %dma_start3A_263 = tpu.memref_slice %arg7[%dma_start3A_262] : memref<16384xi32, #tpu.memory_space<vmem>> -> memref<1024xi32, #tpu.memory_space<vmem>>
        %dma_start3A_264 = arith.constant 0 : i32
        %dma_start3A_265 = tpu.memref_slice %arg12[%dma_start3A_264] : memref<1048576xf32, #tpu.memory_space<vmem_shared>> -> memref<1048576xf32, #tpu.memory_space<vmem_shared>>
        tpu.enqueue_indirect_dma source(%dma_start3A_265 : memref<1048576xf32, #tpu.memory_space<vmem_shared>>) target(%dma_start3A_261 : memref<1024xf32, #tpu.memory_space<vmem>>) offsets(%dma_start3A_263 : memref<1024xi32, #tpu.memory_space<vmem>>) semaphore(%arg13 : memref<!tpu.dma_semaphore, #tpu.memory_space<semaphore_mem>>)
        %dma_start3A_266 = arith.constant 2048 : i32
        %dma_start3A_267 = tpu.memref_slice %arg8[%dma_start3A_266] : memref<16384xf32, #tpu.memory_space<vmem>> -> memref<1024xf32, #tpu.memory_space<vmem>>
        %dma_start3A_268 = arith.constant 2048 : i32
        %dma_start3A_269 = tpu.memref_slice %arg7[%dma_start3A_268] : memref<16384xi32, #tpu.memory_space<vmem>> -> memref<1024xi32, #tpu.memory_space<vmem>>
        %dma_start3A_270 = arith.constant 0 : i32
        %dma_start3A_271 = tpu.memref_slice %arg12[%dma_start3A_270] : memref<1048576xf32, #tpu.memory_space<vmem_shared>> -> memref<1048576xf32, #tpu.memory_space<vmem_shared>>
        tpu.enqueue_indirect_dma source(%dma_start3A_271 : memref<1048576xf32, #tpu.memory_space<vmem_shared>>) target(%dma_start3A_267 : memref<1024xf32, #tpu.memory_space<vmem>>) offsets(%dma_start3A_269 : memref<1024xi32, #tpu.memory_space<vmem>>) semaphore(%arg13 : memref<!tpu.dma_semaphore, #tpu.memory_space<semaphore_mem>>)
        %dma_start3A_272 = arith.constant 3072 : i32
        %dma_start3A_273 = tpu.memref_slice %arg8[%dma_start3A_272] : memref<16384xf32, #tpu.memory_space<vmem>> -> memref<1024xf32, #tpu.memory_space<vmem>>
        %dma_start3A_274 = arith.constant 3072 : i32
        %dma_start3A_275 = tpu.memref_slice %arg7[%dma_start3A_274] : memref<16384xi32, #tpu.memory_space<vmem>> -> memref<1024xi32, #tpu.memory_space<vmem>>
        %dma_start3A_276 = arith.constant 0 : i32
        %dma_start3A_277 = tpu.memref_slice %arg12[%dma_start3A_276] : memref<1048576xf32, #tpu.memory_space<vmem_shared>> -> memref<1048576xf32, #tpu.memory_space<vmem_shared>>
        tpu.enqueue_indirect_dma source(%dma_start3A_277 : memref<1048576xf32, #tpu.memory_space<vmem_shared>>) target(%dma_start3A_273 : memref<1024xf32, #tpu.memory_space<vmem>>) offsets(%dma_start3A_275 : memref<1024xi32, #tpu.memory_space<vmem>>) semaphore(%arg13 : memref<!tpu.dma_semaphore, #tpu.memory_space<semaphore_mem>>)
        %dma_start3A_278 = arith.constant 4096 : i32
        %dma_start3A_279 = tpu.memref_slice %arg8[%dma_start3A_278] : memref<16384xf32, #tpu.memory_space<vmem>> -> memref<1024xf32, #tpu.memory_space<vmem>>
        %dma_start3A_280 = arith.constant 4096 : i32
        %dma_start3A_281 = tpu.memref_slice %arg7[%dma_start3A_280] : memref<16384xi32, #tpu.memory_space<vmem>> -> memref<1024xi32, #tpu.memory_space<vmem>>
        %dma_start3A_282 = arith.constant 0 : i32
        %dma_start3A_283 = tpu.memref_slice %arg12[%dma_start3A_282] : memref<1048576xf32, #tpu.memory_space<vmem_shared>> -> memref<1048576xf32, #tpu.memory_space<vmem_shared>>
        tpu.enqueue_indirect_dma source(%dma_start3A_283 : memref<1048576xf32, #tpu.memory_space<vmem_shared>>) target(%dma_start3A_279 : memref<1024xf32, #tpu.memory_space<vmem>>) offsets(%dma_start3A_281 : memref<1024xi32, #tpu.memory_space<vmem>>) semaphore(%arg13 : memref<!tpu.dma_semaphore, #tpu.memory_space<semaphore_mem>>)
        %dma_start3A_284 = arith.constant 5120 : i32
        %dma_start3A_285 = tpu.memref_slice %arg8[%dma_start3A_284] : memref<16384xf32, #tpu.memory_space<vmem>> -> memref<1024xf32, #tpu.memory_space<vmem>>
        %dma_start3A_286 = arith.constant 5120 : i32
        %dma_start3A_287 = tpu.memref_slice %arg7[%dma_start3A_286] : memref<16384xi32, #tpu.memory_space<vmem>> -> memref<1024xi32, #tpu.memory_space<vmem>>
        %dma_start3A_288 = arith.constant 0 : i32
        %dma_start3A_289 = tpu.memref_slice %arg12[%dma_start3A_288] : memref<1048576xf32, #tpu.memory_space<vmem_shared>> -> memref<1048576xf32, #tpu.memory_space<vmem_shared>>
        tpu.enqueue_indirect_dma source(%dma_start3A_289 : memref<1048576xf32, #tpu.memory_space<vmem_shared>>) target(%dma_start3A_285 : memref<1024xf32, #tpu.memory_space<vmem>>) offsets(%dma_start3A_287 : memref<1024xi32, #tpu.memory_space<vmem>>) semaphore(%arg13 : memref<!tpu.dma_semaphore, #tpu.memory_space<semaphore_mem>>)
        %dma_start3A_290 = arith.constant 6144 : i32
        %dma_start3A_291 = tpu.memref_slice %arg8[%dma_start3A_290] : memref<16384xf32, #tpu.memory_space<vmem>> -> memref<1024xf32, #tpu.memory_space<vmem>>
        %dma_start3A_292 = arith.constant 6144 : i32
        %dma_start3A_293 = tpu.memref_slice %arg7[%dma_start3A_292] : memref<16384xi32, #tpu.memory_space<vmem>> -> memref<1024xi32, #tpu.memory_space<vmem>>
        %dma_start3A_294 = arith.constant 0 : i32
        %dma_start3A_295 = tpu.memref_slice %arg12[%dma_start3A_294] : memref<1048576xf32, #tpu.memory_space<vmem_shared>> -> memref<1048576xf32, #tpu.memory_space<vmem_shared>>
        tpu.enqueue_indirect_dma source(%dma_start3A_295 : memref<1048576xf32, #tpu.memory_space<vmem_shared>>) target(%dma_start3A_291 : memref<1024xf32, #tpu.memory_space<vmem>>) offsets(%dma_start3A_293 : memref<1024xi32, #tpu.memory_space<vmem>>) semaphore(%arg13 : memref<!tpu.dma_semaphore, #tpu.memory_space<semaphore_mem>>)
        %dma_start3A_296 = arith.constant 7168 : i32
        %dma_start3A_297 = tpu.memref_slice %arg8[%dma_start3A_296] : memref<16384xf32, #tpu.memory_space<vmem>> -> memref<1024xf32, #tpu.memory_space<vmem>>
        %dma_start3A_298 = arith.constant 7168 : i32
        %dma_start3A_299 = tpu.memref_slice %arg7[%dma_start3A_298] : memref<16384xi32, #tpu.memory_space<vmem>> -> memref<1024xi32, #tpu.memory_space<vmem>>
        %dma_start3A_300 = arith.constant 0 : i32
        %dma_start3A_301 = tpu.memref_slice %arg12[%dma_start3A_300] : memref<1048576xf32, #tpu.memory_space<vmem_shared>> -> memref<1048576xf32, #tpu.memory_space<vmem_shared>>
        tpu.enqueue_indirect_dma source(%dma_start3A_301 : memref<1048576xf32, #tpu.memory_space<vmem_shared>>) target(%dma_start3A_297 : memref<1024xf32, #tpu.memory_space<vmem>>) offsets(%dma_start3A_299 : memref<1024xi32, #tpu.memory_space<vmem>>) semaphore(%arg13 : memref<!tpu.dma_semaphore, #tpu.memory_space<semaphore_mem>>)
        %mul3A_302 = arith.constant 32768 : i32
        %mul3A_303 = arith.muli %add3A, %mul3A_302 : i32
        %mul3A_304 = arith.constant 512 : i32
        %mul3A_305 = arith.muli %add3A_221, %mul3A_304 : i32
        %add3A_306 = arith.addi %mul3A_303, %mul3A_305 : i32
        %add3A_307 = arith.constant 0 : i32
        %add3A_308 = arith.addi %add3A_307, %add3A_306 : i32
        %add3A_309 = arith.constant 1048576 : i32
        %add3A_310 = arith.addi %add3A_309, %add3A_306 : i32
        %add3A_311 = arith.constant 2097152 : i32
        %add3A_312 = arith.addi %add3A_311, %add3A_306 : i32
        %dma_start3A_313 = arith.constant 1536 : i32
        %dma_start3A_314 = tpu.memref_slice %arg6[%dma_start3A_313] : memref<3072xf32, #tpu.memory_space<vmem>> -> memref<512xf32, #tpu.memory_space<vmem>>
        %dma_start3A_315 = tpu.memref_slice %arg2[%add3A_308] : memref<3145728xf32, #tpu.memory_space<hbm>> -> memref<512xf32, #tpu.memory_space<hbm>>
        %dma_start3A_316 = arith.constant 1536 : i32
        %dma_start3A_317 = tpu.memref_slice %arg6[%dma_start3A_316] : memref<3072xf32, #tpu.memory_space<vmem>> -> memref<512xf32, #tpu.memory_space<vmem>>
        %dma_start3A_318 = tpu.memref_slice %arg2[%add3A_308] : memref<3145728xf32, #tpu.memory_space<hbm>> -> memref<512xf32, #tpu.memory_space<hbm>>
        tpu.enqueue_dma source(%dma_start3A_318 : memref<512xf32, #tpu.memory_space<hbm>>) target(%dma_start3A_317 : memref<512xf32, #tpu.memory_space<vmem>>) target_semaphore(%arg16 : memref<!tpu.dma_semaphore, #tpu.memory_space<semaphore_mem>>)
        %dma_start3A_319 = arith.constant 2048 : i32
        %dma_start3A_320 = tpu.memref_slice %arg6[%dma_start3A_319] : memref<3072xf32, #tpu.memory_space<vmem>> -> memref<512xf32, #tpu.memory_space<vmem>>
        %dma_start3A_321 = tpu.memref_slice %arg2[%add3A_310] : memref<3145728xf32, #tpu.memory_space<hbm>> -> memref<512xf32, #tpu.memory_space<hbm>>
        %dma_start3A_322 = arith.constant 2048 : i32
        %dma_start3A_323 = tpu.memref_slice %arg6[%dma_start3A_322] : memref<3072xf32, #tpu.memory_space<vmem>> -> memref<512xf32, #tpu.memory_space<vmem>>
        %dma_start3A_324 = tpu.memref_slice %arg2[%add3A_310] : memref<3145728xf32, #tpu.memory_space<hbm>> -> memref<512xf32, #tpu.memory_space<hbm>>
        tpu.enqueue_dma source(%dma_start3A_324 : memref<512xf32, #tpu.memory_space<hbm>>) target(%dma_start3A_323 : memref<512xf32, #tpu.memory_space<vmem>>) target_semaphore(%arg16 : memref<!tpu.dma_semaphore, #tpu.memory_space<semaphore_mem>>)
        %dma_start3A_325 = arith.constant 2560 : i32
        %dma_start3A_326 = tpu.memref_slice %arg6[%dma_start3A_325] : memref<3072xf32, #tpu.memory_space<vmem>> -> memref<512xf32, #tpu.memory_space<vmem>>
        %dma_start3A_327 = tpu.memref_slice %arg2[%add3A_312] : memref<3145728xf32, #tpu.memory_space<hbm>> -> memref<512xf32, #tpu.memory_space<hbm>>
        %dma_start3A_328 = arith.constant 2560 : i32
        %dma_start3A_329 = tpu.memref_slice %arg6[%dma_start3A_328] : memref<3072xf32, #tpu.memory_space<vmem>> -> memref<512xf32, #tpu.memory_space<vmem>>
        %dma_start3A_330 = tpu.memref_slice %arg2[%add3A_312] : memref<3145728xf32, #tpu.memory_space<hbm>> -> memref<512xf32, #tpu.memory_space<hbm>>
        tpu.enqueue_dma source(%dma_start3A_330 : memref<512xf32, #tpu.memory_space<hbm>>) target(%dma_start3A_329 : memref<512xf32, #tpu.memory_space<vmem>>) target_semaphore(%arg16 : memref<!tpu.dma_semaphore, #tpu.memory_space<semaphore_mem>>)
        %gt3A = arith.constant 0 : i32
        %gt3A_331 = arith.cmpi sgt, %scan3A_217, %gt3A : i32
        %convert_element_type3A = arith.extui %gt3A_331 : i1 to i32
        %cond3A = arith.constant 0 : i32
        %cond3A_332 = arith.cmpi ne, %convert_element_type3A, %cond3A : i32
        scf.if %cond3A_332 {
          %sub3A = arith.constant 1 : i32
          %sub3A_505 = arith.subi %mul3A_219, %sub3A : i32
          %dma_wait3A_506 = arith.constant 8192 : i32
          %dma_wait3A_507 = tpu.memref_slice %arg8[%dma_wait3A_506] : memref<16384xf32, #tpu.memory_space<vmem>> -> memref<1024xf32, #tpu.memory_space<vmem>>
          %dma_wait3A_508 = arith.constant 8192 : i32
          %dma_wait3A_509 = tpu.memref_slice %arg7[%dma_wait3A_508] : memref<16384xi32, #tpu.memory_space<vmem>> -> memref<1024xi32, #tpu.memory_space<vmem>>
          %dma_wait3A_510 = arith.constant 0 : i32
          %dma_wait3A_511 = tpu.memref_slice %arg12[%dma_wait3A_510] : memref<1048576xf32, #tpu.memory_space<vmem_shared>> -> memref<1048576xf32, #tpu.memory_space<vmem_shared>>
          tpu.wait_indirect_dma semaphore(%arg14 : memref<!tpu.dma_semaphore, #tpu.memory_space<semaphore_mem>>) src(%dma_wait3A_511 : memref<1048576xf32, #tpu.memory_space<vmem_shared>>) dst(%dma_wait3A_507 : memref<1024xf32, #tpu.memory_space<vmem>>)
          %dma_wait3A_512 = arith.constant 9216 : i32
          %dma_wait3A_513 = tpu.memref_slice %arg8[%dma_wait3A_512] : memref<16384xf32, #tpu.memory_space<vmem>> -> memref<1024xf32, #tpu.memory_space<vmem>>
          %dma_wait3A_514 = arith.constant 9216 : i32
          %dma_wait3A_515 = tpu.memref_slice %arg7[%dma_wait3A_514] : memref<16384xi32, #tpu.memory_space<vmem>> -> memref<1024xi32, #tpu.memory_space<vmem>>
          %dma_wait3A_516 = arith.constant 0 : i32
          %dma_wait3A_517 = tpu.memref_slice %arg12[%dma_wait3A_516] : memref<1048576xf32, #tpu.memory_space<vmem_shared>> -> memref<1048576xf32, #tpu.memory_space<vmem_shared>>
          tpu.wait_indirect_dma semaphore(%arg14 : memref<!tpu.dma_semaphore, #tpu.memory_space<semaphore_mem>>) src(%dma_wait3A_517 : memref<1048576xf32, #tpu.memory_space<vmem_shared>>) dst(%dma_wait3A_513 : memref<1024xf32, #tpu.memory_space<vmem>>)
          %dma_wait3A_518 = arith.constant 10240 : i32
          %dma_wait3A_519 = tpu.memref_slice %arg8[%dma_wait3A_518] : memref<16384xf32, #tpu.memory_space<vmem>> -> memref<1024xf32, #tpu.memory_space<vmem>>
          %dma_wait3A_520 = arith.constant 10240 : i32
          %dma_wait3A_521 = tpu.memref_slice %arg7[%dma_wait3A_520] : memref<16384xi32, #tpu.memory_space<vmem>> -> memref<1024xi32, #tpu.memory_space<vmem>>
          %dma_wait3A_522 = arith.constant 0 : i32
          %dma_wait3A_523 = tpu.memref_slice %arg12[%dma_wait3A_522] : memref<1048576xf32, #tpu.memory_space<vmem_shared>> -> memref<1048576xf32, #tpu.memory_space<vmem_shared>>
          tpu.wait_indirect_dma semaphore(%arg14 : memref<!tpu.dma_semaphore, #tpu.memory_space<semaphore_mem>>) src(%dma_wait3A_523 : memref<1048576xf32, #tpu.memory_space<vmem_shared>>) dst(%dma_wait3A_519 : memref<1024xf32, #tpu.memory_space<vmem>>)
          %dma_wait3A_524 = arith.constant 11264 : i32
          %dma_wait3A_525 = tpu.memref_slice %arg8[%dma_wait3A_524] : memref<16384xf32, #tpu.memory_space<vmem>> -> memref<1024xf32, #tpu.memory_space<vmem>>
          %dma_wait3A_526 = arith.constant 11264 : i32
          %dma_wait3A_527 = tpu.memref_slice %arg7[%dma_wait3A_526] : memref<16384xi32, #tpu.memory_space<vmem>> -> memref<1024xi32, #tpu.memory_space<vmem>>
          %dma_wait3A_528 = arith.constant 0 : i32
          %dma_wait3A_529 = tpu.memref_slice %arg12[%dma_wait3A_528] : memref<1048576xf32, #tpu.memory_space<vmem_shared>> -> memref<1048576xf32, #tpu.memory_space<vmem_shared>>
          tpu.wait_indirect_dma semaphore(%arg14 : memref<!tpu.dma_semaphore, #tpu.memory_space<semaphore_mem>>) src(%dma_wait3A_529 : memref<1048576xf32, #tpu.memory_space<vmem_shared>>) dst(%dma_wait3A_525 : memref<1024xf32, #tpu.memory_space<vmem>>)
          %dma_wait3A_530 = arith.constant 12288 : i32
          %dma_wait3A_531 = tpu.memref_slice %arg8[%dma_wait3A_530] : memref<16384xf32, #tpu.memory_space<vmem>> -> memref<1024xf32, #tpu.memory_space<vmem>>
          %dma_wait3A_532 = arith.constant 12288 : i32
          %dma_wait3A_533 = tpu.memref_slice %arg7[%dma_wait3A_532] : memref<16384xi32, #tpu.memory_space<vmem>> -> memref<1024xi32, #tpu.memory_space<vmem>>
          %dma_wait3A_534 = arith.constant 0 : i32
          %dma_wait3A_535 = tpu.memref_slice %arg12[%dma_wait3A_534] : memref<1048576xf32, #tpu.memory_space<vmem_shared>> -> memref<1048576xf32, #tpu.memory_space<vmem_shared>>
          tpu.wait_indirect_dma semaphore(%arg14 : memref<!tpu.dma_semaphore, #tpu.memory_space<semaphore_mem>>) src(%dma_wait3A_535 : memref<1048576xf32, #tpu.memory_space<vmem_shared>>) dst(%dma_wait3A_531 : memref<1024xf32, #tpu.memory_space<vmem>>)
          %dma_wait3A_536 = arith.constant 13312 : i32
          %dma_wait3A_537 = tpu.memref_slice %arg8[%dma_wait3A_536] : memref<16384xf32, #tpu.memory_space<vmem>> -> memref<1024xf32, #tpu.memory_space<vmem>>
          %dma_wait3A_538 = arith.constant 13312 : i32
          %dma_wait3A_539 = tpu.memref_slice %arg7[%dma_wait3A_538] : memref<16384xi32, #tpu.memory_space<vmem>> -> memref<1024xi32, #tpu.memory_space<vmem>>
          %dma_wait3A_540 = arith.constant 0 : i32
          %dma_wait3A_541 = tpu.memref_slice %arg12[%dma_wait3A_540] : memref<1048576xf32, #tpu.memory_space<vmem_shared>> -> memref<1048576xf32, #tpu.memory_space<vmem_shared>>
          tpu.wait_indirect_dma semaphore(%arg14 : memref<!tpu.dma_semaphore, #tpu.memory_space<semaphore_mem>>) src(%dma_wait3A_541 : memref<1048576xf32, #tpu.memory_space<vmem_shared>>) dst(%dma_wait3A_537 : memref<1024xf32, #tpu.memory_space<vmem>>)
          %dma_wait3A_542 = arith.constant 14336 : i32
          %dma_wait3A_543 = tpu.memref_slice %arg8[%dma_wait3A_542] : memref<16384xf32, #tpu.memory_space<vmem>> -> memref<1024xf32, #tpu.memory_space<vmem>>
          %dma_wait3A_544 = arith.constant 14336 : i32
          %dma_wait3A_545 = tpu.memref_slice %arg7[%dma_wait3A_544] : memref<16384xi32, #tpu.memory_space<vmem>> -> memref<1024xi32, #tpu.memory_space<vmem>>
          %dma_wait3A_546 = arith.constant 0 : i32
          %dma_wait3A_547 = tpu.memref_slice %arg12[%dma_wait3A_546] : memref<1048576xf32, #tpu.memory_space<vmem_shared>> -> memref<1048576xf32, #tpu.memory_space<vmem_shared>>
          tpu.wait_indirect_dma semaphore(%arg14 : memref<!tpu.dma_semaphore, #tpu.memory_space<semaphore_mem>>) src(%dma_wait3A_547 : memref<1048576xf32, #tpu.memory_space<vmem_shared>>) dst(%dma_wait3A_543 : memref<1024xf32, #tpu.memory_space<vmem>>)
          %dma_wait3A_548 = arith.constant 15360 : i32
          %dma_wait3A_549 = tpu.memref_slice %arg8[%dma_wait3A_548] : memref<16384xf32, #tpu.memory_space<vmem>> -> memref<1024xf32, #tpu.memory_space<vmem>>
          %dma_wait3A_550 = arith.constant 15360 : i32
          %dma_wait3A_551 = tpu.memref_slice %arg7[%dma_wait3A_550] : memref<16384xi32, #tpu.memory_space<vmem>> -> memref<1024xi32, #tpu.memory_space<vmem>>
          %dma_wait3A_552 = arith.constant 0 : i32
          %dma_wait3A_553 = tpu.memref_slice %arg12[%dma_wait3A_552] : memref<1048576xf32, #tpu.memory_space<vmem_shared>> -> memref<1048576xf32, #tpu.memory_space<vmem_shared>>
          tpu.wait_indirect_dma semaphore(%arg14 : memref<!tpu.dma_semaphore, #tpu.memory_space<semaphore_mem>>) src(%dma_wait3A_553 : memref<1048576xf32, #tpu.memory_space<vmem_shared>>) dst(%dma_wait3A_549 : memref<1024xf32, #tpu.memory_space<vmem>>)
          %ge3A_554 = arith.constant 2 : i32
          %ge3A_555 = arith.cmpi sge, %sub3A_505, %ge3A_554 : i32
          %convert_element_type3A_556 = arith.extui %ge3A_555 : i1 to i32
          %cond3A_557 = arith.constant 0 : i32
          %cond3A_558 = arith.cmpi ne, %convert_element_type3A_556, %cond3A_557 : i32
          scf.if %cond3A_558 {
            %mul3A_593 = arith.constant 32768 : i32
            %mul3A_594 = arith.muli %add3A, %mul3A_593 : i32
            %mul3A_595 = arith.constant 512 : i32
            %mul3A_596 = arith.muli %sub3A_505, %mul3A_595 : i32
            %add3A_597 = arith.addi %mul3A_594, %mul3A_596 : i32
            %mul3A_598 = arith.constant 2 : i32
            %mul3A_599 = arith.muli %mul3A_598, %scan3A_6 : i32
            %add3A_600 = arith.constant 0 : i32
            %add3A_601 = arith.addi %mul3A_599, %add3A_600 : i32
            %mul3A_602 = arith.constant 1048576 : i32
            %mul3A_603 = arith.muli %add3A_601, %mul3A_602 : i32
            %add3A_604 = arith.addi %mul3A_603, %add3A_597 : i32
            %mul3A_605 = arith.constant 2 : i32
            %mul3A_606 = arith.muli %mul3A_605, %scan3A_6 : i32
            %add3A_607 = arith.constant 1 : i32
            %add3A_608 = arith.addi %mul3A_606, %add3A_607 : i32
            %mul3A_609 = arith.constant 1048576 : i32
            %mul3A_610 = arith.muli %add3A_608, %mul3A_609 : i32
            %add3A_611 = arith.addi %mul3A_610, %add3A_597 : i32
            %dma_wait3A_612 = arith.constant 1024 : i32
            %dma_wait3A_613 = tpu.memref_slice %arg10[%dma_wait3A_612] : memref<2048xf32, #tpu.memory_space<vmem>> -> memref<512xf32, #tpu.memory_space<vmem>>
            %dma_wait3A_614 = tpu.memref_slice %arg5[%add3A_604] : memref<33554432xf32, #tpu.memory_space<hbm>> -> memref<512xf32, #tpu.memory_space<hbm>>
            %dma_wait3A_615 = tpu.memref_slice %arg5[%add3A_604] : memref<33554432xf32, #tpu.memory_space<hbm>> -> memref<512xf32, #tpu.memory_space<hbm>>
            %dma_wait3A_616 = arith.constant 1024 : i32
            %dma_wait3A_617 = tpu.memref_slice %arg10[%dma_wait3A_616] : memref<2048xf32, #tpu.memory_space<vmem>> -> memref<512xf32, #tpu.memory_space<vmem>>
            tpu.wait_dma2 semaphore(%arg18 : memref<!tpu.dma_semaphore, #tpu.memory_space<semaphore_mem>>) src(%dma_wait3A_617 : memref<512xf32, #tpu.memory_space<vmem>>) dst(%dma_wait3A_615 : memref<512xf32, #tpu.memory_space<hbm>>)
            %dma_wait3A_618 = arith.constant 1536 : i32
            %dma_wait3A_619 = tpu.memref_slice %arg10[%dma_wait3A_618] : memref<2048xf32, #tpu.memory_space<vmem>> -> memref<512xf32, #tpu.memory_space<vmem>>
            %dma_wait3A_620 = tpu.memref_slice %arg5[%add3A_611] : memref<33554432xf32, #tpu.memory_space<hbm>> -> memref<512xf32, #tpu.memory_space<hbm>>
            %dma_wait3A_621 = tpu.memref_slice %arg5[%add3A_611] : memref<33554432xf32, #tpu.memory_space<hbm>> -> memref<512xf32, #tpu.memory_space<hbm>>
            %dma_wait3A_622 = arith.constant 1536 : i32
            %dma_wait3A_623 = tpu.memref_slice %arg10[%dma_wait3A_622] : memref<2048xf32, #tpu.memory_space<vmem>> -> memref<512xf32, #tpu.memory_space<vmem>>
            tpu.wait_dma2 semaphore(%arg18 : memref<!tpu.dma_semaphore, #tpu.memory_space<semaphore_mem>>) src(%dma_wait3A_623 : memref<512xf32, #tpu.memory_space<vmem>>) dst(%dma_wait3A_621 : memref<512xf32, #tpu.memory_space<hbm>>)
          } else {
          }
          %parallel_loop3A_559 = arith.constant 0 : i32
          %parallel_loop3A_560 = arith.constant 32 : i32
          %parallel_loop3A_561 = arith.constant 1 : i32
          scf.for %parallel_loop3A_593 = %parallel_loop3A_559 to %parallel_loop3A_560 step %parallel_loop3A_561  : i32 {
            %parallel_loop3A_594 = arith.constant 16 : i32
            %parallel_loop3A_595 = arith.muli %parallel_loop3A_593, %parallel_loop3A_594 : i32
            %parallel_loop3A_596 = arith.constant 1536 : i32
            %parallel_loop3A_597 = arith.addi %parallel_loop3A_596, %parallel_loop3A_595 : i32
            %parallel_loop3A_598 = arith.index_cast %parallel_loop3A_597 : i32 to index
            %parallel_loop3A_599 = tpu.vector_load %arg9[%parallel_loop3A_598] {strides = array<i32>} : memref<3072xf32, #tpu.memory_space<vmem>>, vector<16xf32>,
            %parallel_loop3A_600 = arith.constant 2048 : i32
            %parallel_loop3A_601 = arith.addi %parallel_loop3A_600, %parallel_loop3A_595 : i32
            %parallel_loop3A_602 = arith.index_cast %parallel_loop3A_601 : i32 to index
            %parallel_loop3A_603 = tpu.vector_load %arg9[%parallel_loop3A_602] {strides = array<i32>} : memref<3072xf32, #tpu.memory_space<vmem>>, vector<16xf32>,
            %parallel_loop3A_604 = arith.constant 2560 : i32
            %parallel_loop3A_605 = arith.addi %parallel_loop3A_604, %parallel_loop3A_595 : i32
            %parallel_loop3A_606 = arith.index_cast %parallel_loop3A_605 : i32 to index
            %parallel_loop3A_607 = tpu.vector_load %arg9[%parallel_loop3A_606] {strides = array<i32>} : memref<3072xf32, #tpu.memory_space<vmem>>, vector<16xf32>,
            %parallel_loop3A_608 = arith.constant 1.000000e+00 : f32
            %parallel_loop3A_609 = vector.broadcast %parallel_loop3A_608 : f32 to vector<16xf32>
            %parallel_loop3A_610 = arith.subf %parallel_loop3A_609, %parallel_loop3A_599 : vector<16xf32>
            %parallel_loop3A_611 = arith.constant 1.000000e+00 : f32
            %parallel_loop3A_612 = vector.broadcast %parallel_loop3A_611 : f32 to vector<16xf32>
            %parallel_loop3A_613 = arith.subf %parallel_loop3A_612, %parallel_loop3A_603 : vector<16xf32>
            %parallel_loop3A_614 = arith.constant 1.000000e+00 : f32
            %parallel_loop3A_615 = vector.broadcast %parallel_loop3A_614 : f32 to vector<16xf32>
            %parallel_loop3A_616 = arith.subf %parallel_loop3A_615, %parallel_loop3A_607 : vector<16xf32>
            %parallel_loop3A_617 = arith.mulf %parallel_loop3A_613, %parallel_loop3A_616 : vector<16xf32>
            %parallel_loop3A_618 = arith.mulf %parallel_loop3A_603, %parallel_loop3A_616 : vector<16xf32>
            %parallel_loop3A_619 = arith.mulf %parallel_loop3A_613, %parallel_loop3A_607 : vector<16xf32>
            %parallel_loop3A_620 = arith.mulf %parallel_loop3A_603, %parallel_loop3A_607 : vector<16xf32>
            %parallel_loop3A_621 = arith.constant 0.000000e+00 : f32
            %parallel_loop3A_622 = vector.broadcast %parallel_loop3A_621 : f32 to vector<16xf32>
            %parallel_loop3A_623 = arith.constant 0.000000e+00 : f32
            %parallel_loop3A_624 = vector.broadcast %parallel_loop3A_623 : f32 to vector<16xf32>
            %parallel_loop3A_625 = arith.mulf %parallel_loop3A_610, %parallel_loop3A_617 : vector<16xf32>
            %parallel_loop3A_626 = arith.constant 8192 : i32
            %parallel_loop3A_627 = arith.addi %parallel_loop3A_626, %parallel_loop3A_595 : i32
            %parallel_loop3A_628 = arith.index_cast %parallel_loop3A_627 : i32 to index
            %parallel_loop3A_629 = tpu.vector_load %arg8[%parallel_loop3A_628] {strides = array<i32>} : memref<16384xf32, #tpu.memory_space<vmem>>, vector<16xf32>,
            %parallel_loop3A_630 = arith.constant 8704 : i32
            %parallel_loop3A_631 = arith.addi %parallel_loop3A_630, %parallel_loop3A_595 : i32
            %parallel_loop3A_632 = arith.index_cast %parallel_loop3A_631 : i32 to index
            %parallel_loop3A_633 = tpu.vector_load %arg8[%parallel_loop3A_632] {strides = array<i32>} : memref<16384xf32, #tpu.memory_space<vmem>>, vector<16xf32>,
            %parallel_loop3A_634 = arith.mulf %parallel_loop3A_625, %parallel_loop3A_629 : vector<16xf32>
            %parallel_loop3A_635 = arith.addf %parallel_loop3A_622, %parallel_loop3A_634 : vector<16xf32>
            %parallel_loop3A_636 = arith.mulf %parallel_loop3A_625, %parallel_loop3A_633 : vector<16xf32>
            %parallel_loop3A_637 = arith.addf %parallel_loop3A_624, %parallel_loop3A_636 : vector<16xf32>
            %parallel_loop3A_638 = arith.mulf %parallel_loop3A_599, %parallel_loop3A_617 : vector<16xf32>
            %parallel_loop3A_639 = arith.constant 9216 : i32
            %parallel_loop3A_640 = arith.addi %parallel_loop3A_639, %parallel_loop3A_595 : i32
            %parallel_loop3A_641 = arith.index_cast %parallel_loop3A_640 : i32 to index
            %parallel_loop3A_642 = tpu.vector_load %arg8[%parallel_loop3A_641] {strides = array<i32>} : memref<16384xf32, #tpu.memory_space<vmem>>, vector<16xf32>,
            %parallel_loop3A_643 = arith.constant 9728 : i32
            %parallel_loop3A_644 = arith.addi %parallel_loop3A_643, %parallel_loop3A_595 : i32
            %parallel_loop3A_645 = arith.index_cast %parallel_loop3A_644 : i32 to index
            %parallel_loop3A_646 = tpu.vector_load %arg8[%parallel_loop3A_645] {strides = array<i32>} : memref<16384xf32, #tpu.memory_space<vmem>>, vector<16xf32>,
            %parallel_loop3A_647 = arith.mulf %parallel_loop3A_638, %parallel_loop3A_642 : vector<16xf32>
            %parallel_loop3A_648 = arith.addf %parallel_loop3A_635, %parallel_loop3A_647 : vector<16xf32>
            %parallel_loop3A_649 = arith.mulf %parallel_loop3A_638, %parallel_loop3A_646 : vector<16xf32>
            %parallel_loop3A_650 = arith.addf %parallel_loop3A_637, %parallel_loop3A_649 : vector<16xf32>
            %parallel_loop3A_651 = arith.mulf %parallel_loop3A_610, %parallel_loop3A_618 : vector<16xf32>
            %parallel_loop3A_652 = arith.constant 10240 : i32
            %parallel_loop3A_653 = arith.addi %parallel_loop3A_652, %parallel_loop3A_595 : i32
            %parallel_loop3A_654 = arith.index_cast %parallel_loop3A_653 : i32 to index
            %parallel_loop3A_655 = tpu.vector_load %arg8[%parallel_loop3A_654] {strides = array<i32>} : memref<16384xf32, #tpu.memory_space<vmem>>, vector<16xf32>,
            %parallel_loop3A_656 = arith.constant 10752 : i32
            %parallel_loop3A_657 = arith.addi %parallel_loop3A_656, %parallel_loop3A_595 : i32
            %parallel_loop3A_658 = arith.index_cast %parallel_loop3A_657 : i32 to index
            %parallel_loop3A_659 = tpu.vector_load %arg8[%parallel_loop3A_658] {strides = array<i32>} : memref<16384xf32, #tpu.memory_space<vmem>>, vector<16xf32>,
            %parallel_loop3A_660 = arith.mulf %parallel_loop3A_651, %parallel_loop3A_655 : vector<16xf32>
            %parallel_loop3A_661 = arith.addf %parallel_loop3A_648, %parallel_loop3A_660 : vector<16xf32>
            %parallel_loop3A_662 = arith.mulf %parallel_loop3A_651, %parallel_loop3A_659 : vector<16xf32>
            %parallel_loop3A_663 = arith.addf %parallel_loop3A_650, %parallel_loop3A_662 : vector<16xf32>
            %parallel_loop3A_664 = arith.mulf %parallel_loop3A_599, %parallel_loop3A_618 : vector<16xf32>
            %parallel_loop3A_665 = arith.constant 11264 : i32
            %parallel_loop3A_666 = arith.addi %parallel_loop3A_665, %parallel_loop3A_595 : i32
            %parallel_loop3A_667 = arith.index_cast %parallel_loop3A_666 : i32 to index
            %parallel_loop3A_668 = tpu.vector_load %arg8[%parallel_loop3A_667] {strides = array<i32>} : memref<16384xf32, #tpu.memory_space<vmem>>, vector<16xf32>,
            %parallel_loop3A_669 = arith.constant 11776 : i32
            %parallel_loop3A_670 = arith.addi %parallel_loop3A_669, %parallel_loop3A_595 : i32
            %parallel_loop3A_671 = arith.index_cast %parallel_loop3A_670 : i32 to index
            %parallel_loop3A_672 = tpu.vector_load %arg8[%parallel_loop3A_671] {strides = array<i32>} : memref<16384xf32, #tpu.memory_space<vmem>>, vector<16xf32>,
            %parallel_loop3A_673 = arith.mulf %parallel_loop3A_664, %parallel_loop3A_668 : vector<16xf32>
            %parallel_loop3A_674 = arith.addf %parallel_loop3A_661, %parallel_loop3A_673 : vector<16xf32>
            %parallel_loop3A_675 = arith.mulf %parallel_loop3A_664, %parallel_loop3A_672 : vector<16xf32>
            %parallel_loop3A_676 = arith.addf %parallel_loop3A_663, %parallel_loop3A_675 : vector<16xf32>
            %parallel_loop3A_677 = arith.mulf %parallel_loop3A_610, %parallel_loop3A_619 : vector<16xf32>
            %parallel_loop3A_678 = arith.constant 12288 : i32
            %parallel_loop3A_679 = arith.addi %parallel_loop3A_678, %parallel_loop3A_595 : i32
            %parallel_loop3A_680 = arith.index_cast %parallel_loop3A_679 : i32 to index
            %parallel_loop3A_681 = tpu.vector_load %arg8[%parallel_loop3A_680] {strides = array<i32>} : memref<16384xf32, #tpu.memory_space<vmem>>, vector<16xf32>,
            %parallel_loop3A_682 = arith.constant 12800 : i32
            %parallel_loop3A_683 = arith.addi %parallel_loop3A_682, %parallel_loop3A_595 : i32
            %parallel_loop3A_684 = arith.index_cast %parallel_loop3A_683 : i32 to index
            %parallel_loop3A_685 = tpu.vector_load %arg8[%parallel_loop3A_684] {strides = array<i32>} : memref<16384xf32, #tpu.memory_space<vmem>>, vector<16xf32>,
            %parallel_loop3A_686 = arith.mulf %parallel_loop3A_677, %parallel_loop3A_681 : vector<16xf32>
            %parallel_loop3A_687 = arith.addf %parallel_loop3A_674, %parallel_loop3A_686 : vector<16xf32>
            %parallel_loop3A_688 = arith.mulf %parallel_loop3A_677, %parallel_loop3A_685 : vector<16xf32>
            %parallel_loop3A_689 = arith.addf %parallel_loop3A_676, %parallel_loop3A_688 : vector<16xf32>
            %parallel_loop3A_690 = arith.mulf %parallel_loop3A_599, %parallel_loop3A_619 : vector<16xf32>
            %parallel_loop3A_691 = arith.constant 13312 : i32
            %parallel_loop3A_692 = arith.addi %parallel_loop3A_691, %parallel_loop3A_595 : i32
            %parallel_loop3A_693 = arith.index_cast %parallel_loop3A_692 : i32 to index
            %parallel_loop3A_694 = tpu.vector_load %arg8[%parallel_loop3A_693] {strides = array<i32>} : memref<16384xf32, #tpu.memory_space<vmem>>, vector<16xf32>,
            %parallel_loop3A_695 = arith.constant 13824 : i32
            %parallel_loop3A_696 = arith.addi %parallel_loop3A_695, %parallel_loop3A_595 : i32
            %parallel_loop3A_697 = arith.index_cast %parallel_loop3A_696 : i32 to index
            %parallel_loop3A_698 = tpu.vector_load %arg8[%parallel_loop3A_697] {strides = array<i32>} : memref<16384xf32, #tpu.memory_space<vmem>>, vector<16xf32>,
            %parallel_loop3A_699 = arith.mulf %parallel_loop3A_690, %parallel_loop3A_694 : vector<16xf32>
            %parallel_loop3A_700 = arith.addf %parallel_loop3A_687, %parallel_loop3A_699 : vector<16xf32>
            %parallel_loop3A_701 = arith.mulf %parallel_loop3A_690, %parallel_loop3A_698 : vector<16xf32>
            %parallel_loop3A_702 = arith.addf %parallel_loop3A_689, %parallel_loop3A_701 : vector<16xf32>
            %parallel_loop3A_703 = arith.mulf %parallel_loop3A_610, %parallel_loop3A_620 : vector<16xf32>
            %parallel_loop3A_704 = arith.constant 14336 : i32
            %parallel_loop3A_705 = arith.addi %parallel_loop3A_704, %parallel_loop3A_595 : i32
            %parallel_loop3A_706 = arith.index_cast %parallel_loop3A_705 : i32 to index
            %parallel_loop3A_707 = tpu.vector_load %arg8[%parallel_loop3A_706] {strides = array<i32>} : memref<16384xf32, #tpu.memory_space<vmem>>, vector<16xf32>,
            %parallel_loop3A_708 = arith.constant 14848 : i32
            %parallel_loop3A_709 = arith.addi %parallel_loop3A_708, %parallel_loop3A_595 : i32
            %parallel_loop3A_710 = arith.index_cast %parallel_loop3A_709 : i32 to index
            %parallel_loop3A_711 = tpu.vector_load %arg8[%parallel_loop3A_710] {strides = array<i32>} : memref<16384xf32, #tpu.memory_space<vmem>>, vector<16xf32>,
            %parallel_loop3A_712 = arith.mulf %parallel_loop3A_703, %parallel_loop3A_707 : vector<16xf32>
            %parallel_loop3A_713 = arith.addf %parallel_loop3A_700, %parallel_loop3A_712 : vector<16xf32>
            %parallel_loop3A_714 = arith.mulf %parallel_loop3A_703, %parallel_loop3A_711 : vector<16xf32>
            %parallel_loop3A_715 = arith.addf %parallel_loop3A_702, %parallel_loop3A_714 : vector<16xf32>
            %parallel_loop3A_716 = arith.mulf %parallel_loop3A_599, %parallel_loop3A_620 : vector<16xf32>
            %parallel_loop3A_717 = arith.constant 15360 : i32
            %parallel_loop3A_718 = arith.addi %parallel_loop3A_717, %parallel_loop3A_595 : i32
            %parallel_loop3A_719 = arith.index_cast %parallel_loop3A_718 : i32 to index
            %parallel_loop3A_720 = tpu.vector_load %arg8[%parallel_loop3A_719] {strides = array<i32>} : memref<16384xf32, #tpu.memory_space<vmem>>, vector<16xf32>,
            %parallel_loop3A_721 = arith.constant 15872 : i32
            %parallel_loop3A_722 = arith.addi %parallel_loop3A_721, %parallel_loop3A_595 : i32
            %parallel_loop3A_723 = arith.index_cast %parallel_loop3A_722 : i32 to index
            %parallel_loop3A_724 = tpu.vector_load %arg8[%parallel_loop3A_723] {strides = array<i32>} : memref<16384xf32, #tpu.memory_space<vmem>>, vector<16xf32>,
            %parallel_loop3A_725 = arith.mulf %parallel_loop3A_716, %parallel_loop3A_720 : vector<16xf32>
            %parallel_loop3A_726 = arith.addf %parallel_loop3A_713, %parallel_loop3A_725 : vector<16xf32>
            %parallel_loop3A_727 = arith.mulf %parallel_loop3A_716, %parallel_loop3A_724 : vector<16xf32>
            %parallel_loop3A_728 = arith.addf %parallel_loop3A_715, %parallel_loop3A_727 : vector<16xf32>
            %parallel_loop3A_729 = arith.constant 1024 : i32
            %parallel_loop3A_730 = arith.addi %parallel_loop3A_729, %parallel_loop3A_595 : i32
            %parallel_loop3A_731 = arith.index_cast %parallel_loop3A_730 : i32 to index
            %parallel_loop3A_732 = tpu.vector_load %arg10[%parallel_loop3A_731] {strides = array<i32>} : memref<2048xf32, #tpu.memory_space<vmem>>, vector<16xf32>,
            tpu.vector_store %arg10[%parallel_loop3A_731], %parallel_loop3A_726 {strides = array<i32>} : memref<2048xf32, #tpu.memory_space<vmem>>, vector<16xf32>,
            %parallel_loop3A_733 = arith.constant 1536 : i32
            %parallel_loop3A_734 = arith.addi %parallel_loop3A_733, %parallel_loop3A_595 : i32
            %parallel_loop3A_735 = arith.index_cast %parallel_loop3A_734 : i32 to index
            %parallel_loop3A_736 = tpu.vector_load %arg10[%parallel_loop3A_735] {strides = array<i32>} : memref<2048xf32, #tpu.memory_space<vmem>>, vector<16xf32>,
            tpu.vector_store %arg10[%parallel_loop3A_735], %parallel_loop3A_728 {strides = array<i32>} : memref<2048xf32, #tpu.memory_space<vmem>>, vector<16xf32>,
          } {sc.loop_unroll_factor = 4 : i64, sc.parallel_access}
          %mul3A_562 = arith.constant 32768 : i32
          %mul3A_563 = arith.muli %add3A, %mul3A_562 : i32
          %mul3A_564 = arith.constant 512 : i32
          %mul3A_565 = arith.muli %sub3A_505, %mul3A_564 : i32
          %add3A_566 = arith.addi %mul3A_563, %mul3A_565 : i32
          %mul3A_567 = arith.constant 2 : i32
          %mul3A_568 = arith.muli %mul3A_567, %scan3A_6 : i32
          %add3A_569 = arith.constant 0 : i32
          %add3A_570 = arith.addi %mul3A_568, %add3A_569 : i32
          %mul3A_571 = arith.constant 1048576 : i32
          %mul3A_572 = arith.muli %add3A_570, %mul3A_571 : i32
          %add3A_573 = arith.addi %mul3A_572, %add3A_566 : i32
          %mul3A_574 = arith.constant 2 : i32
          %mul3A_575 = arith.muli %mul3A_574, %scan3A_6 : i32
          %add3A_576 = arith.constant 1 : i32
          %add3A_577 = arith.addi %mul3A_575, %add3A_576 : i32
          %mul3A_578 = arith.constant 1048576 : i32
          %mul3A_579 = arith.muli %add3A_577, %mul3A_578 : i32
          %add3A_580 = arith.addi %mul3A_579, %add3A_566 : i32
          %dma_start3A_581 = arith.constant 1024 : i32
          %dma_start3A_582 = tpu.memref_slice %arg10[%dma_start3A_581] : memref<2048xf32, #tpu.memory_space<vmem>> -> memref<512xf32, #tpu.memory_space<vmem>>
          %dma_start3A_583 = tpu.memref_slice %arg5[%add3A_573] : memref<33554432xf32, #tpu.memory_space<hbm>> -> memref<512xf32, #tpu.memory_space<hbm>>
          %dma_start3A_584 = tpu.memref_slice %arg5[%add3A_573] : memref<33554432xf32, #tpu.memory_space<hbm>> -> memref<512xf32, #tpu.memory_space<hbm>>
          %dma_start3A_585 = arith.constant 1024 : i32
          %dma_start3A_586 = tpu.memref_slice %arg10[%dma_start3A_585] : memref<2048xf32, #tpu.memory_space<vmem>> -> memref<512xf32, #tpu.memory_space<vmem>>
          tpu.enqueue_dma source(%dma_start3A_586 : memref<512xf32, #tpu.memory_space<vmem>>) target(%dma_start3A_584 : memref<512xf32, #tpu.memory_space<hbm>>) target_semaphore(%arg18 : memref<!tpu.dma_semaphore, #tpu.memory_space<semaphore_mem>>)
          %dma_start3A_587 = arith.constant 1536 : i32
          %dma_start3A_588 = tpu.memref_slice %arg10[%dma_start3A_587] : memref<2048xf32, #tpu.memory_space<vmem>> -> memref<512xf32, #tpu.memory_space<vmem>>
          %dma_start3A_589 = tpu.memref_slice %arg5[%add3A_580] : memref<33554432xf32, #tpu.memory_space<hbm>> -> memref<512xf32, #tpu.memory_space<hbm>>
          %dma_start3A_590 = tpu.memref_slice %arg5[%add3A_580] : memref<33554432xf32, #tpu.memory_space<hbm>> -> memref<512xf32, #tpu.memory_space<hbm>>
          %dma_start3A_591 = arith.constant 1536 : i32
          %dma_start3A_592 = tpu.memref_slice %arg10[%dma_start3A_591] : memref<2048xf32, #tpu.memory_space<vmem>> -> memref<512xf32, #tpu.memory_space<vmem>>
          tpu.enqueue_dma source(%dma_start3A_592 : memref<512xf32, #tpu.memory_space<vmem>>) target(%dma_start3A_590 : memref<512xf32, #tpu.memory_space<hbm>>) target_semaphore(%arg18 : memref<!tpu.dma_semaphore, #tpu.memory_space<semaphore_mem>>)
        } else {
        }
        %mul3A_333 = arith.constant 32768 : i32
        %mul3A_334 = arith.muli %add3A, %mul3A_333 : i32
        %mul3A_335 = arith.constant 512 : i32
        %mul3A_336 = arith.muli %add3A_221, %mul3A_335 : i32
        %add3A_337 = arith.addi %mul3A_334, %mul3A_336 : i32
        %add3A_338 = arith.constant 0 : i32
        %add3A_339 = arith.addi %add3A_338, %add3A_337 : i32
        %add3A_340 = arith.constant 1048576 : i32
        %add3A_341 = arith.addi %add3A_340, %add3A_337 : i32
        %add3A_342 = arith.constant 2097152 : i32
        %add3A_343 = arith.addi %add3A_342, %add3A_337 : i32
        %dma_wait3A_344 = arith.constant 1536 : i32
        %dma_wait3A_345 = tpu.memref_slice %arg6[%dma_wait3A_344] : memref<3072xf32, #tpu.memory_space<vmem>> -> memref<512xf32, #tpu.memory_space<vmem>>
        %dma_wait3A_346 = tpu.memref_slice %arg2[%add3A_339] : memref<3145728xf32, #tpu.memory_space<hbm>> -> memref<512xf32, #tpu.memory_space<hbm>>
        %dma_wait3A_347 = arith.constant 1536 : i32
        %dma_wait3A_348 = tpu.memref_slice %arg6[%dma_wait3A_347] : memref<3072xf32, #tpu.memory_space<vmem>> -> memref<512xf32, #tpu.memory_space<vmem>>
        %dma_wait3A_349 = tpu.memref_slice %arg2[%add3A_339] : memref<3145728xf32, #tpu.memory_space<hbm>> -> memref<512xf32, #tpu.memory_space<hbm>>
        tpu.wait_dma2 semaphore(%arg16 : memref<!tpu.dma_semaphore, #tpu.memory_space<semaphore_mem>>) src(%dma_wait3A_349 : memref<512xf32, #tpu.memory_space<hbm>>) dst(%dma_wait3A_348 : memref<512xf32, #tpu.memory_space<vmem>>)
        %dma_wait3A_350 = arith.constant 2048 : i32
        %dma_wait3A_351 = tpu.memref_slice %arg6[%dma_wait3A_350] : memref<3072xf32, #tpu.memory_space<vmem>> -> memref<512xf32, #tpu.memory_space<vmem>>
        %dma_wait3A_352 = tpu.memref_slice %arg2[%add3A_341] : memref<3145728xf32, #tpu.memory_space<hbm>> -> memref<512xf32, #tpu.memory_space<hbm>>
        %dma_wait3A_353 = arith.constant 2048 : i32
        %dma_wait3A_354 = tpu.memref_slice %arg6[%dma_wait3A_353] : memref<3072xf32, #tpu.memory_space<vmem>> -> memref<512xf32, #tpu.memory_space<vmem>>
        %dma_wait3A_355 = tpu.memref_slice %arg2[%add3A_341] : memref<3145728xf32, #tpu.memory_space<hbm>> -> memref<512xf32, #tpu.memory_space<hbm>>
        tpu.wait_dma2 semaphore(%arg16 : memref<!tpu.dma_semaphore, #tpu.memory_space<semaphore_mem>>) src(%dma_wait3A_355 : memref<512xf32, #tpu.memory_space<hbm>>) dst(%dma_wait3A_354 : memref<512xf32, #tpu.memory_space<vmem>>)
        %dma_wait3A_356 = arith.constant 2560 : i32
        %dma_wait3A_357 = tpu.memref_slice %arg6[%dma_wait3A_356] : memref<3072xf32, #tpu.memory_space<vmem>> -> memref<512xf32, #tpu.memory_space<vmem>>
        %dma_wait3A_358 = tpu.memref_slice %arg2[%add3A_343] : memref<3145728xf32, #tpu.memory_space<hbm>> -> memref<512xf32, #tpu.memory_space<hbm>>
        %dma_wait3A_359 = arith.constant 2560 : i32
        %dma_wait3A_360 = tpu.memref_slice %arg6[%dma_wait3A_359] : memref<3072xf32, #tpu.memory_space<vmem>> -> memref<512xf32, #tpu.memory_space<vmem>>
        %dma_wait3A_361 = tpu.memref_slice %arg2[%add3A_343] : memref<3145728xf32, #tpu.memory_space<hbm>> -> memref<512xf32, #tpu.memory_space<hbm>>
        tpu.wait_dma2 semaphore(%arg16 : memref<!tpu.dma_semaphore, #tpu.memory_space<semaphore_mem>>) src(%dma_wait3A_361 : memref<512xf32, #tpu.memory_space<hbm>>) dst(%dma_wait3A_360 : memref<512xf32, #tpu.memory_space<vmem>>)
        %parallel_loop3A_362 = arith.constant 0 : i32
        %parallel_loop3A_363 = arith.constant 32 : i32
        %parallel_loop3A_364 = arith.constant 1 : i32
        scf.for %parallel_loop3A_505 = %parallel_loop3A_362 to %parallel_loop3A_363 step %parallel_loop3A_364  : i32 {
          %parallel_loop3A_506 = arith.constant 16 : i32
          %parallel_loop3A_507 = arith.muli %parallel_loop3A_505, %parallel_loop3A_506 : i32
          %parallel_loop3A_508 = arith.constant 1536 : i32
          %parallel_loop3A_509 = arith.addi %parallel_loop3A_508, %parallel_loop3A_507 : i32
          %parallel_loop3A_510 = arith.index_cast %parallel_loop3A_509 : i32 to index
          %parallel_loop3A_511 = tpu.vector_load %arg6[%parallel_loop3A_510] {strides = array<i32>} : memref<3072xf32, #tpu.memory_space<vmem>>, vector<16xf32>,
          %parallel_loop3A_512 = arith.constant 2.000000e+00 : f32
          %parallel_loop3A_513 = vector.broadcast %parallel_loop3A_512 : f32 to vector<16xf32>
          %parallel_loop3A_514 = arith.addf %parallel_loop3A_511, %parallel_loop3A_513 : vector<16xf32>
          %parallel_loop3A_515 = arith.constant 2.500000e-01 : f32
          %parallel_loop3A_516 = vector.broadcast %parallel_loop3A_515 : f32 to vector<16xf32>
          %parallel_loop3A_517 = arith.mulf %parallel_loop3A_514, %parallel_loop3A_516 : vector<16xf32>
          %parallel_loop3A_518 = arith.constant 2048 : i32
          %parallel_loop3A_519 = arith.addi %parallel_loop3A_518, %parallel_loop3A_507 : i32
          %parallel_loop3A_520 = arith.index_cast %parallel_loop3A_519 : i32 to index
          %parallel_loop3A_521 = tpu.vector_load %arg6[%parallel_loop3A_520] {strides = array<i32>} : memref<3072xf32, #tpu.memory_space<vmem>>, vector<16xf32>,
          %parallel_loop3A_522 = arith.constant 2.000000e+00 : f32
          %parallel_loop3A_523 = vector.broadcast %parallel_loop3A_522 : f32 to vector<16xf32>
          %parallel_loop3A_524 = arith.addf %parallel_loop3A_521, %parallel_loop3A_523 : vector<16xf32>
          %parallel_loop3A_525 = arith.constant 2.500000e-01 : f32
          %parallel_loop3A_526 = vector.broadcast %parallel_loop3A_525 : f32 to vector<16xf32>
          %parallel_loop3A_527 = arith.mulf %parallel_loop3A_524, %parallel_loop3A_526 : vector<16xf32>
          %parallel_loop3A_528 = arith.constant 2560 : i32
          %parallel_loop3A_529 = arith.addi %parallel_loop3A_528, %parallel_loop3A_507 : i32
          %parallel_loop3A_530 = arith.index_cast %parallel_loop3A_529 : i32 to index
          %parallel_loop3A_531 = tpu.vector_load %arg6[%parallel_loop3A_530] {strides = array<i32>} : memref<3072xf32, #tpu.memory_space<vmem>>, vector<16xf32>,
          %parallel_loop3A_532 = arith.constant 2.000000e+00 : f32
          %parallel_loop3A_533 = vector.broadcast %parallel_loop3A_532 : f32 to vector<16xf32>
          %parallel_loop3A_534 = arith.addf %parallel_loop3A_531, %parallel_loop3A_533 : vector<16xf32>
          %parallel_loop3A_535 = arith.constant 2.500000e-01 : f32
          %parallel_loop3A_536 = vector.broadcast %parallel_loop3A_535 : f32 to vector<16xf32>
          %parallel_loop3A_537 = arith.mulf %parallel_loop3A_534, %parallel_loop3A_536 : vector<16xf32>
          %parallel_loop3A_538 = arith.mulf %parallel_loop3A_517, %gather3A : vector<16xf32>
          %parallel_loop3A_539 = arith.mulf %parallel_loop3A_527, %gather3A : vector<16xf32>
          %parallel_loop3A_540 = arith.mulf %parallel_loop3A_537, %gather3A : vector<16xf32>
          %parallel_loop3A_541 = arith.fptosi %parallel_loop3A_538 : vector<16xf32> to vector<16xi32>
          %parallel_loop3A_542 = arith.fptosi %parallel_loop3A_539 : vector<16xf32> to vector<16xi32>
          %parallel_loop3A_543 = arith.fptosi %parallel_loop3A_540 : vector<16xf32> to vector<16xi32>
          %parallel_loop3A_544 = arith.sitofp %parallel_loop3A_541 : vector<16xi32> to vector<16xf32>
          %parallel_loop3A_545 = arith.subf %parallel_loop3A_538, %parallel_loop3A_544 : vector<16xf32>
          %parallel_loop3A_546 = arith.constant 1536 : i32
          %parallel_loop3A_547 = arith.addi %parallel_loop3A_546, %parallel_loop3A_507 : i32
          %parallel_loop3A_548 = arith.index_cast %parallel_loop3A_547 : i32 to index
          %parallel_loop3A_549 = tpu.vector_load %arg9[%parallel_loop3A_548] {strides = array<i32>} : memref<3072xf32, #tpu.memory_space<vmem>>, vector<16xf32>,
          tpu.vector_store %arg9[%parallel_loop3A_548], %parallel_loop3A_545 {strides = array<i32>} : memref<3072xf32, #tpu.memory_space<vmem>>, vector<16xf32>,
          %parallel_loop3A_550 = arith.sitofp %parallel_loop3A_542 : vector<16xi32> to vector<16xf32>
          %parallel_loop3A_551 = arith.subf %parallel_loop3A_539, %parallel_loop3A_550 : vector<16xf32>
          %parallel_loop3A_552 = arith.constant 2048 : i32
          %parallel_loop3A_553 = arith.addi %parallel_loop3A_552, %parallel_loop3A_507 : i32
          %parallel_loop3A_554 = arith.index_cast %parallel_loop3A_553 : i32 to index
          %parallel_loop3A_555 = tpu.vector_load %arg9[%parallel_loop3A_554] {strides = array<i32>} : memref<3072xf32, #tpu.memory_space<vmem>>, vector<16xf32>,
          tpu.vector_store %arg9[%parallel_loop3A_554], %parallel_loop3A_551 {strides = array<i32>} : memref<3072xf32, #tpu.memory_space<vmem>>, vector<16xf32>,
          %parallel_loop3A_556 = arith.sitofp %parallel_loop3A_543 : vector<16xi32> to vector<16xf32>
          %parallel_loop3A_557 = arith.subf %parallel_loop3A_540, %parallel_loop3A_556 : vector<16xf32>
          %parallel_loop3A_558 = arith.constant 2560 : i32
          %parallel_loop3A_559 = arith.addi %parallel_loop3A_558, %parallel_loop3A_507 : i32
          %parallel_loop3A_560 = arith.index_cast %parallel_loop3A_559 : i32 to index
          %parallel_loop3A_561 = tpu.vector_load %arg9[%parallel_loop3A_560] {strides = array<i32>} : memref<3072xf32, #tpu.memory_space<vmem>>, vector<16xf32>,
          tpu.vector_store %arg9[%parallel_loop3A_560], %parallel_loop3A_557 {strides = array<i32>} : memref<3072xf32, #tpu.memory_space<vmem>>, vector<16xf32>,
          %parallel_loop3A_562 = arith.constant -1640531535 : i32
          %parallel_loop3A_563 = vector.broadcast %parallel_loop3A_562 : i32 to vector<16xi32>
          %parallel_loop3A_564 = arith.muli %parallel_loop3A_542, %parallel_loop3A_563 : vector<16xi32>
          %parallel_loop3A_565 = arith.constant 805459861 : i32
          %parallel_loop3A_566 = vector.broadcast %parallel_loop3A_565 : i32 to vector<16xi32>
          %parallel_loop3A_567 = arith.muli %parallel_loop3A_543, %parallel_loop3A_566 : vector<16xi32>
          %parallel_loop3A_568 = arith.constant 1 : i32
          %parallel_loop3A_569 = vector.broadcast %parallel_loop3A_568 : i32 to vector<16xi32>
          %parallel_loop3A_570 = arith.addi %parallel_loop3A_541, %parallel_loop3A_569 : vector<16xi32>
          %parallel_loop3A_571 = arith.constant -1640531535 : i32
          %parallel_loop3A_572 = vector.broadcast %parallel_loop3A_571 : i32 to vector<16xi32>
          %parallel_loop3A_573 = arith.addi %parallel_loop3A_564, %parallel_loop3A_572 : vector<16xi32>
          %parallel_loop3A_574 = arith.constant 805459861 : i32
          %parallel_loop3A_575 = vector.broadcast %parallel_loop3A_574 : i32 to vector<16xi32>
          %parallel_loop3A_576 = arith.addi %parallel_loop3A_567, %parallel_loop3A_575 : vector<16xi32>
          %parallel_loop3A_577 = arith.xori %parallel_loop3A_541, %parallel_loop3A_564 : vector<16xi32>
          %parallel_loop3A_578 = arith.xori %parallel_loop3A_577, %parallel_loop3A_567 : vector<16xi32>
          %parallel_loop3A_579 = arith.constant 524287 : i32
          %parallel_loop3A_580 = vector.broadcast %parallel_loop3A_579 : i32 to vector<16xi32>
          %parallel_loop3A_581 = arith.andi %parallel_loop3A_578, %parallel_loop3A_580 : vector<16xi32>
          %parallel_loop3A_582 = arith.constant -128 : i32
          %parallel_loop3A_583 = vector.broadcast %parallel_loop3A_582 : i32 to vector<16xi32>
          %parallel_loop3A_584 = arith.andi %parallel_loop3A_581, %parallel_loop3A_583 : vector<16xi32>
          %parallel_loop3A_585 = arith.addi %parallel_loop3A_581, %parallel_loop3A_584 : vector<16xi32>
          %parallel_loop3A_586 = arith.constant 8192 : i32
          %parallel_loop3A_587 = arith.addi %parallel_loop3A_586, %parallel_loop3A_507 : i32
          %parallel_loop3A_588 = arith.index_cast %parallel_loop3A_587 : i32 to index
          %parallel_loop3A_589 = tpu.vector_load %arg7[%parallel_loop3A_588] {strides = array<i32>} : memref<16384xi32, #tpu.memory_space<vmem>>, vector<16xi32>,
          tpu.vector_store %arg7[%parallel_loop3A_588], %parallel_loop3A_585 {strides = array<i32>} : memref<16384xi32, #tpu.memory_space<vmem>>, vector<16xi32>,
          %parallel_loop3A_590 = arith.constant 128 : i32
          %parallel_loop3A_591 = vector.broadcast %parallel_loop3A_590 : i32 to vector<16xi32>
          %parallel_loop3A_592 = arith.addi %parallel_loop3A_585, %parallel_loop3A_591 : vector<16xi32>
          %parallel_loop3A_593 = arith.constant 8704 : i32
          %parallel_loop3A_594 = arith.addi %parallel_loop3A_593, %parallel_loop3A_507 : i32
          %parallel_loop3A_595 = arith.index_cast %parallel_loop3A_594 : i32 to index
          %parallel_loop3A_596 = tpu.vector_load %arg7[%parallel_loop3A_595] {strides = array<i32>} : memref<16384xi32, #tpu.memory_space<vmem>>, vector<16xi32>,
          tpu.vector_store %arg7[%parallel_loop3A_595], %parallel_loop3A_592 {strides = array<i32>} : memref<16384xi32, #tpu.memory_space<vmem>>, vector<16xi32>,
          %parallel_loop3A_597 = arith.xori %parallel_loop3A_570, %parallel_loop3A_564 : vector<16xi32>
          %parallel_loop3A_598 = arith.xori %parallel_loop3A_597, %parallel_loop3A_567 : vector<16xi32>
          %parallel_loop3A_599 = arith.constant 524287 : i32
          %parallel_loop3A_600 = vector.broadcast %parallel_loop3A_599 : i32 to vector<16xi32>
          %parallel_loop3A_601 = arith.andi %parallel_loop3A_598, %parallel_loop3A_600 : vector<16xi32>
          %parallel_loop3A_602 = arith.constant -128 : i32
          %parallel_loop3A_603 = vector.broadcast %parallel_loop3A_602 : i32 to vector<16xi32>
          %parallel_loop3A_604 = arith.andi %parallel_loop3A_601, %parallel_loop3A_603 : vector<16xi32>
          %parallel_loop3A_605 = arith.addi %parallel_loop3A_601, %parallel_loop3A_604 : vector<16xi32>
          %parallel_loop3A_606 = arith.constant 9216 : i32
          %parallel_loop3A_607 = arith.addi %parallel_loop3A_606, %parallel_loop3A_507 : i32
          %parallel_loop3A_608 = arith.index_cast %parallel_loop3A_607 : i32 to index
          %parallel_loop3A_609 = tpu.vector_load %arg7[%parallel_loop3A_608] {strides = array<i32>} : memref<16384xi32, #tpu.memory_space<vmem>>, vector<16xi32>,
          tpu.vector_store %arg7[%parallel_loop3A_608], %parallel_loop3A_605 {strides = array<i32>} : memref<16384xi32, #tpu.memory_space<vmem>>, vector<16xi32>,
          %parallel_loop3A_610 = arith.constant 128 : i32
          %parallel_loop3A_611 = vector.broadcast %parallel_loop3A_610 : i32 to vector<16xi32>
          %parallel_loop3A_612 = arith.addi %parallel_loop3A_605, %parallel_loop3A_611 : vector<16xi32>
          %parallel_loop3A_613 = arith.constant 9728 : i32
          %parallel_loop3A_614 = arith.addi %parallel_loop3A_613, %parallel_loop3A_507 : i32
          %parallel_loop3A_615 = arith.index_cast %parallel_loop3A_614 : i32 to index
          %parallel_loop3A_616 = tpu.vector_load %arg7[%parallel_loop3A_615] {strides = array<i32>} : memref<16384xi32, #tpu.memory_space<vmem>>, vector<16xi32>,
          tpu.vector_store %arg7[%parallel_loop3A_615], %parallel_loop3A_612 {strides = array<i32>} : memref<16384xi32, #tpu.memory_space<vmem>>, vector<16xi32>,
          %parallel_loop3A_617 = arith.xori %parallel_loop3A_541, %parallel_loop3A_573 : vector<16xi32>
          %parallel_loop3A_618 = arith.xori %parallel_loop3A_617, %parallel_loop3A_567 : vector<16xi32>
          %parallel_loop3A_619 = arith.constant 524287 : i32
          %parallel_loop3A_620 = vector.broadcast %parallel_loop3A_619 : i32 to vector<16xi32>
          %parallel_loop3A_621 = arith.andi %parallel_loop3A_618, %parallel_loop3A_620 : vector<16xi32>
          %parallel_loop3A_622 = arith.constant -128 : i32
          %parallel_loop3A_623 = vector.broadcast %parallel_loop3A_622 : i32 to vector<16xi32>
          %parallel_loop3A_624 = arith.andi %parallel_loop3A_621, %parallel_loop3A_623 : vector<16xi32>
          %parallel_loop3A_625 = arith.addi %parallel_loop3A_621, %parallel_loop3A_624 : vector<16xi32>
          %parallel_loop3A_626 = arith.constant 10240 : i32
          %parallel_loop3A_627 = arith.addi %parallel_loop3A_626, %parallel_loop3A_507 : i32
          %parallel_loop3A_628 = arith.index_cast %parallel_loop3A_627 : i32 to index
          %parallel_loop3A_629 = tpu.vector_load %arg7[%parallel_loop3A_628] {strides = array<i32>} : memref<16384xi32, #tpu.memory_space<vmem>>, vector<16xi32>,
          tpu.vector_store %arg7[%parallel_loop3A_628], %parallel_loop3A_625 {strides = array<i32>} : memref<16384xi32, #tpu.memory_space<vmem>>, vector<16xi32>,
          %parallel_loop3A_630 = arith.constant 128 : i32
          %parallel_loop3A_631 = vector.broadcast %parallel_loop3A_630 : i32 to vector<16xi32>
          %parallel_loop3A_632 = arith.addi %parallel_loop3A_625, %parallel_loop3A_631 : vector<16xi32>
          %parallel_loop3A_633 = arith.constant 10752 : i32
          %parallel_loop3A_634 = arith.addi %parallel_loop3A_633, %parallel_loop3A_507 : i32
          %parallel_loop3A_635 = arith.index_cast %parallel_loop3A_634 : i32 to index
          %parallel_loop3A_636 = tpu.vector_load %arg7[%parallel_loop3A_635] {strides = array<i32>} : memref<16384xi32, #tpu.memory_space<vmem>>, vector<16xi32>,
          tpu.vector_store %arg7[%parallel_loop3A_635], %parallel_loop3A_632 {strides = array<i32>} : memref<16384xi32, #tpu.memory_space<vmem>>, vector<16xi32>,
          %parallel_loop3A_637 = arith.xori %parallel_loop3A_570, %parallel_loop3A_573 : vector<16xi32>
          %parallel_loop3A_638 = arith.xori %parallel_loop3A_637, %parallel_loop3A_567 : vector<16xi32>
          %parallel_loop3A_639 = arith.constant 524287 : i32
          %parallel_loop3A_640 = vector.broadcast %parallel_loop3A_639 : i32 to vector<16xi32>
          %parallel_loop3A_641 = arith.andi %parallel_loop3A_638, %parallel_loop3A_640 : vector<16xi32>
          %parallel_loop3A_642 = arith.constant -128 : i32
          %parallel_loop3A_643 = vector.broadcast %parallel_loop3A_642 : i32 to vector<16xi32>
          %parallel_loop3A_644 = arith.andi %parallel_loop3A_641, %parallel_loop3A_643 : vector<16xi32>
          %parallel_loop3A_645 = arith.addi %parallel_loop3A_641, %parallel_loop3A_644 : vector<16xi32>
          %parallel_loop3A_646 = arith.constant 11264 : i32
          %parallel_loop3A_647 = arith.addi %parallel_loop3A_646, %parallel_loop3A_507 : i32
          %parallel_loop3A_648 = arith.index_cast %parallel_loop3A_647 : i32 to index
          %parallel_loop3A_649 = tpu.vector_load %arg7[%parallel_loop3A_648] {strides = array<i32>} : memref<16384xi32, #tpu.memory_space<vmem>>, vector<16xi32>,
          tpu.vector_store %arg7[%parallel_loop3A_648], %parallel_loop3A_645 {strides = array<i32>} : memref<16384xi32, #tpu.memory_space<vmem>>, vector<16xi32>,
          %parallel_loop3A_650 = arith.constant 128 : i32
          %parallel_loop3A_651 = vector.broadcast %parallel_loop3A_650 : i32 to vector<16xi32>
          %parallel_loop3A_652 = arith.addi %parallel_loop3A_645, %parallel_loop3A_651 : vector<16xi32>
          %parallel_loop3A_653 = arith.constant 11776 : i32
          %parallel_loop3A_654 = arith.addi %parallel_loop3A_653, %parallel_loop3A_507 : i32
          %parallel_loop3A_655 = arith.index_cast %parallel_loop3A_654 : i32 to index
          %parallel_loop3A_656 = tpu.vector_load %arg7[%parallel_loop3A_655] {strides = array<i32>} : memref<16384xi32, #tpu.memory_space<vmem>>, vector<16xi32>,
          tpu.vector_store %arg7[%parallel_loop3A_655], %parallel_loop3A_652 {strides = array<i32>} : memref<16384xi32, #tpu.memory_space<vmem>>, vector<16xi32>,
          %parallel_loop3A_657 = arith.xori %parallel_loop3A_541, %parallel_loop3A_564 : vector<16xi32>
          %parallel_loop3A_658 = arith.xori %parallel_loop3A_657, %parallel_loop3A_576 : vector<16xi32>
          %parallel_loop3A_659 = arith.constant 524287 : i32
          %parallel_loop3A_660 = vector.broadcast %parallel_loop3A_659 : i32 to vector<16xi32>
          %parallel_loop3A_661 = arith.andi %parallel_loop3A_658, %parallel_loop3A_660 : vector<16xi32>
          %parallel_loop3A_662 = arith.constant -128 : i32
          %parallel_loop3A_663 = vector.broadcast %parallel_loop3A_662 : i32 to vector<16xi32>
          %parallel_loop3A_664 = arith.andi %parallel_loop3A_661, %parallel_loop3A_663 : vector<16xi32>
          %parallel_loop3A_665 = arith.addi %parallel_loop3A_661, %parallel_loop3A_664 : vector<16xi32>
          %parallel_loop3A_666 = arith.constant 12288 : i32
          %parallel_loop3A_667 = arith.addi %parallel_loop3A_666, %parallel_loop3A_507 : i32
          %parallel_loop3A_668 = arith.index_cast %parallel_loop3A_667 : i32 to index
          %parallel_loop3A_669 = tpu.vector_load %arg7[%parallel_loop3A_668] {strides = array<i32>} : memref<16384xi32, #tpu.memory_space<vmem>>, vector<16xi32>,
          tpu.vector_store %arg7[%parallel_loop3A_668], %parallel_loop3A_665 {strides = array<i32>} : memref<16384xi32, #tpu.memory_space<vmem>>, vector<16xi32>,
          %parallel_loop3A_670 = arith.constant 128 : i32
          %parallel_loop3A_671 = vector.broadcast %parallel_loop3A_670 : i32 to vector<16xi32>
          %parallel_loop3A_672 = arith.addi %parallel_loop3A_665, %parallel_loop3A_671 : vector<16xi32>
          %parallel_loop3A_673 = arith.constant 12800 : i32
          %parallel_loop3A_674 = arith.addi %parallel_loop3A_673, %parallel_loop3A_507 : i32
          %parallel_loop3A_675 = arith.index_cast %parallel_loop3A_674 : i32 to index
          %parallel_loop3A_676 = tpu.vector_load %arg7[%parallel_loop3A_675] {strides = array<i32>} : memref<16384xi32, #tpu.memory_space<vmem>>, vector<16xi32>,
          tpu.vector_store %arg7[%parallel_loop3A_675], %parallel_loop3A_672 {strides = array<i32>} : memref<16384xi32, #tpu.memory_space<vmem>>, vector<16xi32>,
          %parallel_loop3A_677 = arith.xori %parallel_loop3A_570, %parallel_loop3A_564 : vector<16xi32>
          %parallel_loop3A_678 = arith.xori %parallel_loop3A_677, %parallel_loop3A_576 : vector<16xi32>
          %parallel_loop3A_679 = arith.constant 524287 : i32
          %parallel_loop3A_680 = vector.broadcast %parallel_loop3A_679 : i32 to vector<16xi32>
          %parallel_loop3A_681 = arith.andi %parallel_loop3A_678, %parallel_loop3A_680 : vector<16xi32>
          %parallel_loop3A_682 = arith.constant -128 : i32
          %parallel_loop3A_683 = vector.broadcast %parallel_loop3A_682 : i32 to vector<16xi32>
          %parallel_loop3A_684 = arith.andi %parallel_loop3A_681, %parallel_loop3A_683 : vector<16xi32>
          %parallel_loop3A_685 = arith.addi %parallel_loop3A_681, %parallel_loop3A_684 : vector<16xi32>
          %parallel_loop3A_686 = arith.constant 13312 : i32
          %parallel_loop3A_687 = arith.addi %parallel_loop3A_686, %parallel_loop3A_507 : i32
          %parallel_loop3A_688 = arith.index_cast %parallel_loop3A_687 : i32 to index
          %parallel_loop3A_689 = tpu.vector_load %arg7[%parallel_loop3A_688] {strides = array<i32>} : memref<16384xi32, #tpu.memory_space<vmem>>, vector<16xi32>,
          tpu.vector_store %arg7[%parallel_loop3A_688], %parallel_loop3A_685 {strides = array<i32>} : memref<16384xi32, #tpu.memory_space<vmem>>, vector<16xi32>,
          %parallel_loop3A_690 = arith.constant 128 : i32
          %parallel_loop3A_691 = vector.broadcast %parallel_loop3A_690 : i32 to vector<16xi32>
          %parallel_loop3A_692 = arith.addi %parallel_loop3A_685, %parallel_loop3A_691 : vector<16xi32>
          %parallel_loop3A_693 = arith.constant 13824 : i32
          %parallel_loop3A_694 = arith.addi %parallel_loop3A_693, %parallel_loop3A_507 : i32
          %parallel_loop3A_695 = arith.index_cast %parallel_loop3A_694 : i32 to index
          %parallel_loop3A_696 = tpu.vector_load %arg7[%parallel_loop3A_695] {strides = array<i32>} : memref<16384xi32, #tpu.memory_space<vmem>>, vector<16xi32>,
          tpu.vector_store %arg7[%parallel_loop3A_695], %parallel_loop3A_692 {strides = array<i32>} : memref<16384xi32, #tpu.memory_space<vmem>>, vector<16xi32>,
          %parallel_loop3A_697 = arith.xori %parallel_loop3A_541, %parallel_loop3A_573 : vector<16xi32>
          %parallel_loop3A_698 = arith.xori %parallel_loop3A_697, %parallel_loop3A_576 : vector<16xi32>
          %parallel_loop3A_699 = arith.constant 524287 : i32
          %parallel_loop3A_700 = vector.broadcast %parallel_loop3A_699 : i32 to vector<16xi32>
          %parallel_loop3A_701 = arith.andi %parallel_loop3A_698, %parallel_loop3A_700 : vector<16xi32>
          %parallel_loop3A_702 = arith.constant -128 : i32
          %parallel_loop3A_703 = vector.broadcast %parallel_loop3A_702 : i32 to vector<16xi32>
          %parallel_loop3A_704 = arith.andi %parallel_loop3A_701, %parallel_loop3A_703 : vector<16xi32>
          %parallel_loop3A_705 = arith.addi %parallel_loop3A_701, %parallel_loop3A_704 : vector<16xi32>
          %parallel_loop3A_706 = arith.constant 14336 : i32
          %parallel_loop3A_707 = arith.addi %parallel_loop3A_706, %parallel_loop3A_507 : i32
          %parallel_loop3A_708 = arith.index_cast %parallel_loop3A_707 : i32 to index
          %parallel_loop3A_709 = tpu.vector_load %arg7[%parallel_loop3A_708] {strides = array<i32>} : memref<16384xi32, #tpu.memory_space<vmem>>, vector<16xi32>,
          tpu.vector_store %arg7[%parallel_loop3A_708], %parallel_loop3A_705 {strides = array<i32>} : memref<16384xi32, #tpu.memory_space<vmem>>, vector<16xi32>,
          %parallel_loop3A_710 = arith.constant 128 : i32
          %parallel_loop3A_711 = vector.broadcast %parallel_loop3A_710 : i32 to vector<16xi32>
          %parallel_loop3A_712 = arith.addi %parallel_loop3A_705, %parallel_loop3A_711 : vector<16xi32>
          %parallel_loop3A_713 = arith.constant 14848 : i32
          %parallel_loop3A_714 = arith.addi %parallel_loop3A_713, %parallel_loop3A_507 : i32
          %parallel_loop3A_715 = arith.index_cast %parallel_loop3A_714 : i32 to index
          %parallel_loop3A_716 = tpu.vector_load %arg7[%parallel_loop3A_715] {strides = array<i32>} : memref<16384xi32, #tpu.memory_space<vmem>>, vector<16xi32>,
          tpu.vector_store %arg7[%parallel_loop3A_715], %parallel_loop3A_712 {strides = array<i32>} : memref<16384xi32, #tpu.memory_space<vmem>>, vector<16xi32>,
          %parallel_loop3A_717 = arith.xori %parallel_loop3A_570, %parallel_loop3A_573 : vector<16xi32>
          %parallel_loop3A_718 = arith.xori %parallel_loop3A_717, %parallel_loop3A_576 : vector<16xi32>
          %parallel_loop3A_719 = arith.constant 524287 : i32
          %parallel_loop3A_720 = vector.broadcast %parallel_loop3A_719 : i32 to vector<16xi32>
          %parallel_loop3A_721 = arith.andi %parallel_loop3A_718, %parallel_loop3A_720 : vector<16xi32>
          %parallel_loop3A_722 = arith.constant -128 : i32
          %parallel_loop3A_723 = vector.broadcast %parallel_loop3A_722 : i32 to vector<16xi32>
          %parallel_loop3A_724 = arith.andi %parallel_loop3A_721, %parallel_loop3A_723 : vector<16xi32>
          %parallel_loop3A_725 = arith.addi %parallel_loop3A_721, %parallel_loop3A_724 : vector<16xi32>
          %parallel_loop3A_726 = arith.constant 15360 : i32
          %parallel_loop3A_727 = arith.addi %parallel_loop3A_726, %parallel_loop3A_507 : i32
          %parallel_loop3A_728 = arith.index_cast %parallel_loop3A_727 : i32 to index
          %parallel_loop3A_729 = tpu.vector_load %arg7[%parallel_loop3A_728] {strides = array<i32>} : memref<16384xi32, #tpu.memory_space<vmem>>, vector<16xi32>,
          tpu.vector_store %arg7[%parallel_loop3A_728], %parallel_loop3A_725 {strides = array<i32>} : memref<16384xi32, #tpu.memory_space<vmem>>, vector<16xi32>,
          %parallel_loop3A_730 = arith.constant 128 : i32
          %parallel_loop3A_731 = vector.broadcast %parallel_loop3A_730 : i32 to vector<16xi32>
          %parallel_loop3A_732 = arith.addi %parallel_loop3A_725, %parallel_loop3A_731 : vector<16xi32>
          %parallel_loop3A_733 = arith.constant 15872 : i32
          %parallel_loop3A_734 = arith.addi %parallel_loop3A_733, %parallel_loop3A_507 : i32
          %parallel_loop3A_735 = arith.index_cast %parallel_loop3A_734 : i32 to index
          %parallel_loop3A_736 = tpu.vector_load %arg7[%parallel_loop3A_735] {strides = array<i32>} : memref<16384xi32, #tpu.memory_space<vmem>>, vector<16xi32>,
          tpu.vector_store %arg7[%parallel_loop3A_735], %parallel_loop3A_732 {strides = array<i32>} : memref<16384xi32, #tpu.memory_space<vmem>>, vector<16xi32>,
        } {sc.loop_unroll_factor = 4 : i64, sc.parallel_access}
        %dma_start3A_365 = arith.constant 8192 : i32
        %dma_start3A_366 = tpu.memref_slice %arg8[%dma_start3A_365] : memref<16384xf32, #tpu.memory_space<vmem>> -> memref<1024xf32, #tpu.memory_space<vmem>>
        %dma_start3A_367 = arith.constant 8192 : i32
        %dma_start3A_368 = tpu.memref_slice %arg7[%dma_start3A_367] : memref<16384xi32, #tpu.memory_space<vmem>> -> memref<1024xi32, #tpu.memory_space<vmem>>
        %dma_start3A_369 = arith.constant 0 : i32
        %dma_start3A_370 = tpu.memref_slice %arg12[%dma_start3A_369] : memref<1048576xf32, #tpu.memory_space<vmem_shared>> -> memref<1048576xf32, #tpu.memory_space<vmem_shared>>
        tpu.enqueue_indirect_dma source(%dma_start3A_370 : memref<1048576xf32, #tpu.memory_space<vmem_shared>>) target(%dma_start3A_366 : memref<1024xf32, #tpu.memory_space<vmem>>) offsets(%dma_start3A_368 : memref<1024xi32, #tpu.memory_space<vmem>>) semaphore(%arg14 : memref<!tpu.dma_semaphore, #tpu.memory_space<semaphore_mem>>)
        %dma_start3A_371 = arith.constant 9216 : i32
        %dma_start3A_372 = tpu.memref_slice %arg8[%dma_start3A_371] : memref<16384xf32, #tpu.memory_space<vmem>> -> memref<1024xf32, #tpu.memory_space<vmem>>
        %dma_start3A_373 = arith.constant 9216 : i32
        %dma_start3A_374 = tpu.memref_slice %arg7[%dma_start3A_373] : memref<16384xi32, #tpu.memory_space<vmem>> -> memref<1024xi32, #tpu.memory_space<vmem>>
        %dma_start3A_375 = arith.constant 0 : i32
        %dma_start3A_376 = tpu.memref_slice %arg12[%dma_start3A_375] : memref<1048576xf32, #tpu.memory_space<vmem_shared>> -> memref<1048576xf32, #tpu.memory_space<vmem_shared>>
        tpu.enqueue_indirect_dma source(%dma_start3A_376 : memref<1048576xf32, #tpu.memory_space<vmem_shared>>) target(%dma_start3A_372 : memref<1024xf32, #tpu.memory_space<vmem>>) offsets(%dma_start3A_374 : memref<1024xi32, #tpu.memory_space<vmem>>) semaphore(%arg14 : memref<!tpu.dma_semaphore, #tpu.memory_space<semaphore_mem>>)
        %dma_start3A_377 = arith.constant 10240 : i32
        %dma_start3A_378 = tpu.memref_slice %arg8[%dma_start3A_377] : memref<16384xf32, #tpu.memory_space<vmem>> -> memref<1024xf32, #tpu.memory_space<vmem>>
        %dma_start3A_379 = arith.constant 10240 : i32
        %dma_start3A_380 = tpu.memref_slice %arg7[%dma_start3A_379] : memref<16384xi32, #tpu.memory_space<vmem>> -> memref<1024xi32, #tpu.memory_space<vmem>>
        %dma_start3A_381 = arith.constant 0 : i32
        %dma_start3A_382 = tpu.memref_slice %arg12[%dma_start3A_381] : memref<1048576xf32, #tpu.memory_space<vmem_shared>> -> memref<1048576xf32, #tpu.memory_space<vmem_shared>>
        tpu.enqueue_indirect_dma source(%dma_start3A_382 : memref<1048576xf32, #tpu.memory_space<vmem_shared>>) target(%dma_start3A_378 : memref<1024xf32, #tpu.memory_space<vmem>>) offsets(%dma_start3A_380 : memref<1024xi32, #tpu.memory_space<vmem>>) semaphore(%arg14 : memref<!tpu.dma_semaphore, #tpu.memory_space<semaphore_mem>>)
        %dma_start3A_383 = arith.constant 11264 : i32
        %dma_start3A_384 = tpu.memref_slice %arg8[%dma_start3A_383] : memref<16384xf32, #tpu.memory_space<vmem>> -> memref<1024xf32, #tpu.memory_space<vmem>>
        %dma_start3A_385 = arith.constant 11264 : i32
        %dma_start3A_386 = tpu.memref_slice %arg7[%dma_start3A_385] : memref<16384xi32, #tpu.memory_space<vmem>> -> memref<1024xi32, #tpu.memory_space<vmem>>
        %dma_start3A_387 = arith.constant 0 : i32
        %dma_start3A_388 = tpu.memref_slice %arg12[%dma_start3A_387] : memref<1048576xf32, #tpu.memory_space<vmem_shared>> -> memref<1048576xf32, #tpu.memory_space<vmem_shared>>
        tpu.enqueue_indirect_dma source(%dma_start3A_388 : memref<1048576xf32, #tpu.memory_space<vmem_shared>>) target(%dma_start3A_384 : memref<1024xf32, #tpu.memory_space<vmem>>) offsets(%dma_start3A_386 : memref<1024xi32, #tpu.memory_space<vmem>>) semaphore(%arg14 : memref<!tpu.dma_semaphore, #tpu.memory_space<semaphore_mem>>)
        %dma_start3A_389 = arith.constant 12288 : i32
        %dma_start3A_390 = tpu.memref_slice %arg8[%dma_start3A_389] : memref<16384xf32, #tpu.memory_space<vmem>> -> memref<1024xf32, #tpu.memory_space<vmem>>
        %dma_start3A_391 = arith.constant 12288 : i32
        %dma_start3A_392 = tpu.memref_slice %arg7[%dma_start3A_391] : memref<16384xi32, #tpu.memory_space<vmem>> -> memref<1024xi32, #tpu.memory_space<vmem>>
        %dma_start3A_393 = arith.constant 0 : i32
        %dma_start3A_394 = tpu.memref_slice %arg12[%dma_start3A_393] : memref<1048576xf32, #tpu.memory_space<vmem_shared>> -> memref<1048576xf32, #tpu.memory_space<vmem_shared>>
        tpu.enqueue_indirect_dma source(%dma_start3A_394 : memref<1048576xf32, #tpu.memory_space<vmem_shared>>) target(%dma_start3A_390 : memref<1024xf32, #tpu.memory_space<vmem>>) offsets(%dma_start3A_392 : memref<1024xi32, #tpu.memory_space<vmem>>) semaphore(%arg14 : memref<!tpu.dma_semaphore, #tpu.memory_space<semaphore_mem>>)
        %dma_start3A_395 = arith.constant 13312 : i32
        %dma_start3A_396 = tpu.memref_slice %arg8[%dma_start3A_395] : memref<16384xf32, #tpu.memory_space<vmem>> -> memref<1024xf32, #tpu.memory_space<vmem>>
        %dma_start3A_397 = arith.constant 13312 : i32
        %dma_start3A_398 = tpu.memref_slice %arg7[%dma_start3A_397] : memref<16384xi32, #tpu.memory_space<vmem>> -> memref<1024xi32, #tpu.memory_space<vmem>>
        %dma_start3A_399 = arith.constant 0 : i32
        %dma_start3A_400 = tpu.memref_slice %arg12[%dma_start3A_399] : memref<1048576xf32, #tpu.memory_space<vmem_shared>> -> memref<1048576xf32, #tpu.memory_space<vmem_shared>>
        tpu.enqueue_indirect_dma source(%dma_start3A_400 : memref<1048576xf32, #tpu.memory_space<vmem_shared>>) target(%dma_start3A_396 : memref<1024xf32, #tpu.memory_space<vmem>>) offsets(%dma_start3A_398 : memref<1024xi32, #tpu.memory_space<vmem>>) semaphore(%arg14 : memref<!tpu.dma_semaphore, #tpu.memory_space<semaphore_mem>>)
        %dma_start3A_401 = arith.constant 14336 : i32
        %dma_start3A_402 = tpu.memref_slice %arg8[%dma_start3A_401] : memref<16384xf32, #tpu.memory_space<vmem>> -> memref<1024xf32, #tpu.memory_space<vmem>>
        %dma_start3A_403 = arith.constant 14336 : i32
        %dma_start3A_404 = tpu.memref_slice %arg7[%dma_start3A_403] : memref<16384xi32, #tpu.memory_space<vmem>> -> memref<1024xi32, #tpu.memory_space<vmem>>
        %dma_start3A_405 = arith.constant 0 : i32
        %dma_start3A_406 = tpu.memref_slice %arg12[%dma_start3A_405] : memref<1048576xf32, #tpu.memory_space<vmem_shared>> -> memref<1048576xf32, #tpu.memory_space<vmem_shared>>
        tpu.enqueue_indirect_dma source(%dma_start3A_406 : memref<1048576xf32, #tpu.memory_space<vmem_shared>>) target(%dma_start3A_402 : memref<1024xf32, #tpu.memory_space<vmem>>) offsets(%dma_start3A_404 : memref<1024xi32, #tpu.memory_space<vmem>>) semaphore(%arg14 : memref<!tpu.dma_semaphore, #tpu.memory_space<semaphore_mem>>)
        %dma_start3A_407 = arith.constant 15360 : i32
        %dma_start3A_408 = tpu.memref_slice %arg8[%dma_start3A_407] : memref<16384xf32, #tpu.memory_space<vmem>> -> memref<1024xf32, #tpu.memory_space<vmem>>
        %dma_start3A_409 = arith.constant 15360 : i32
        %dma_start3A_410 = tpu.memref_slice %arg7[%dma_start3A_409] : memref<16384xi32, #tpu.memory_space<vmem>> -> memref<1024xi32, #tpu.memory_space<vmem>>
        %dma_start3A_411 = arith.constant 0 : i32
        %dma_start3A_412 = tpu.memref_slice %arg12[%dma_start3A_411] : memref<1048576xf32, #tpu.memory_space<vmem_shared>> -> memref<1048576xf32, #tpu.memory_space<vmem_shared>>
        tpu.enqueue_indirect_dma source(%dma_start3A_412 : memref<1048576xf32, #tpu.memory_space<vmem_shared>>) target(%dma_start3A_408 : memref<1024xf32, #tpu.memory_space<vmem>>) offsets(%dma_start3A_410 : memref<1024xi32, #tpu.memory_space<vmem>>) semaphore(%arg14 : memref<!tpu.dma_semaphore, #tpu.memory_space<semaphore_mem>>)
        %add3A_413 = arith.constant 1 : i32
        %add3A_414 = arith.addi %add3A_221, %add3A_413 : i32
        %lt3A = arith.constant 64 : i32
        %lt3A_415 = arith.cmpi slt, %add3A_414, %lt3A : i32
        %convert_element_type3A_416 = arith.extui %lt3A_415 : i1 to i32
        %cond3A_417 = arith.constant 0 : i32
        %cond3A_418 = arith.cmpi ne, %convert_element_type3A_416, %cond3A_417 : i32
        scf.if %cond3A_418 {
          %add3A_505 = arith.constant 1 : i32
          %add3A_506 = arith.addi %add3A_221, %add3A_505 : i32
          %mul3A_507 = arith.constant 32768 : i32
          %mul3A_508 = arith.muli %add3A, %mul3A_507 : i32
          %mul3A_509 = arith.constant 512 : i32
          %mul3A_510 = arith.muli %add3A_506, %mul3A_509 : i32
          %add3A_511 = arith.addi %mul3A_508, %mul3A_510 : i32
          %add3A_512 = arith.constant 0 : i32
          %add3A_513 = arith.addi %add3A_512, %add3A_511 : i32
          %add3A_514 = arith.constant 1048576 : i32
          %add3A_515 = arith.addi %add3A_514, %add3A_511 : i32
          %add3A_516 = arith.constant 2097152 : i32
          %add3A_517 = arith.addi %add3A_516, %add3A_511 : i32
          %dma_start3A_518 = arith.constant 0 : i32
          %dma_start3A_519 = tpu.memref_slice %arg6[%dma_start3A_518] : memref<3072xf32, #tpu.memory_space<vmem>> -> memref<512xf32, #tpu.memory_space<vmem>>
          %dma_start3A_520 = tpu.memref_slice %arg2[%add3A_513] : memref<3145728xf32, #tpu.memory_space<hbm>> -> memref<512xf32, #tpu.memory_space<hbm>>
          %dma_start3A_521 = arith.constant 0 : i32
          %dma_start3A_522 = tpu.memref_slice %arg6[%dma_start3A_521] : memref<3072xf32, #tpu.memory_space<vmem>> -> memref<512xf32, #tpu.memory_space<vmem>>
          %dma_start3A_523 = tpu.memref_slice %arg2[%add3A_513] : memref<3145728xf32, #tpu.memory_space<hbm>> -> memref<512xf32, #tpu.memory_space<hbm>>
          tpu.enqueue_dma source(%dma_start3A_523 : memref<512xf32, #tpu.memory_space<hbm>>) target(%dma_start3A_522 : memref<512xf32, #tpu.memory_space<vmem>>) target_semaphore(%arg15 : memref<!tpu.dma_semaphore, #tpu.memory_space<semaphore_mem>>)
          %dma_start3A_524 = arith.constant 512 : i32
          %dma_start3A_525 = tpu.memref_slice %arg6[%dma_start3A_524] : memref<3072xf32, #tpu.memory_space<vmem>> -> memref<512xf32, #tpu.memory_space<vmem>>
          %dma_start3A_526 = tpu.memref_slice %arg2[%add3A_515] : memref<3145728xf32, #tpu.memory_space<hbm>> -> memref<512xf32, #tpu.memory_space<hbm>>
          %dma_start3A_527 = arith.constant 512 : i32
          %dma_start3A_528 = tpu.memref_slice %arg6[%dma_start3A_527] : memref<3072xf32, #tpu.memory_space<vmem>> -> memref<512xf32, #tpu.memory_space<vmem>>
          %dma_start3A_529 = tpu.memref_slice %arg2[%add3A_515] : memref<3145728xf32, #tpu.memory_space<hbm>> -> memref<512xf32, #tpu.memory_space<hbm>>
          tpu.enqueue_dma source(%dma_start3A_529 : memref<512xf32, #tpu.memory_space<hbm>>) target(%dma_start3A_528 : memref<512xf32, #tpu.memory_space<vmem>>) target_semaphore(%arg15 : memref<!tpu.dma_semaphore, #tpu.memory_space<semaphore_mem>>)
          %dma_start3A_530 = arith.constant 1024 : i32
          %dma_start3A_531 = tpu.memref_slice %arg6[%dma_start3A_530] : memref<3072xf32, #tpu.memory_space<vmem>> -> memref<512xf32, #tpu.memory_space<vmem>>
          %dma_start3A_532 = tpu.memref_slice %arg2[%add3A_517] : memref<3145728xf32, #tpu.memory_space<hbm>> -> memref<512xf32, #tpu.memory_space<hbm>>
          %dma_start3A_533 = arith.constant 1024 : i32
          %dma_start3A_534 = tpu.memref_slice %arg6[%dma_start3A_533] : memref<3072xf32, #tpu.memory_space<vmem>> -> memref<512xf32, #tpu.memory_space<vmem>>
          %dma_start3A_535 = tpu.memref_slice %arg2[%add3A_517] : memref<3145728xf32, #tpu.memory_space<hbm>> -> memref<512xf32, #tpu.memory_space<hbm>>
          tpu.enqueue_dma source(%dma_start3A_535 : memref<512xf32, #tpu.memory_space<hbm>>) target(%dma_start3A_534 : memref<512xf32, #tpu.memory_space<vmem>>) target_semaphore(%arg15 : memref<!tpu.dma_semaphore, #tpu.memory_space<semaphore_mem>>)
        } else {
        }
        %dma_wait3A_419 = arith.constant 0 : i32
        %dma_wait3A_420 = tpu.memref_slice %arg8[%dma_wait3A_419] : memref<16384xf32, #tpu.memory_space<vmem>> -> memref<1024xf32, #tpu.memory_space<vmem>>
        %dma_wait3A_421 = arith.constant 0 : i32
        %dma_wait3A_422 = tpu.memref_slice %arg7[%dma_wait3A_421] : memref<16384xi32, #tpu.memory_space<vmem>> -> memref<1024xi32, #tpu.memory_space<vmem>>
        %dma_wait3A_423 = arith.constant 0 : i32
        %dma_wait3A_424 = tpu.memref_slice %arg12[%dma_wait3A_423] : memref<1048576xf32, #tpu.memory_space<vmem_shared>> -> memref<1048576xf32, #tpu.memory_space<vmem_shared>>
        tpu.wait_indirect_dma semaphore(%arg13 : memref<!tpu.dma_semaphore, #tpu.memory_space<semaphore_mem>>) src(%dma_wait3A_424 : memref<1048576xf32, #tpu.memory_space<vmem_shared>>) dst(%dma_wait3A_420 : memref<1024xf32, #tpu.memory_space<vmem>>)
        %dma_wait3A_425 = arith.constant 1024 : i32
        %dma_wait3A_426 = tpu.memref_slice %arg8[%dma_wait3A_425] : memref<16384xf32, #tpu.memory_space<vmem>> -> memref<1024xf32, #tpu.memory_space<vmem>>
        %dma_wait3A_427 = arith.constant 1024 : i32
        %dma_wait3A_428 = tpu.memref_slice %arg7[%dma_wait3A_427] : memref<16384xi32, #tpu.memory_space<vmem>> -> memref<1024xi32, #tpu.memory_space<vmem>>
        %dma_wait3A_429 = arith.constant 0 : i32
        %dma_wait3A_430 = tpu.memref_slice %arg12[%dma_wait3A_429] : memref<1048576xf32, #tpu.memory_space<vmem_shared>> -> memref<1048576xf32, #tpu.memory_space<vmem_shared>>
        tpu.wait_indirect_dma semaphore(%arg13 : memref<!tpu.dma_semaphore, #tpu.memory_space<semaphore_mem>>) src(%dma_wait3A_430 : memref<1048576xf32, #tpu.memory_space<vmem_shared>>) dst(%dma_wait3A_426 : memref<1024xf32, #tpu.memory_space<vmem>>)
        %dma_wait3A_431 = arith.constant 2048 : i32
        %dma_wait3A_432 = tpu.memref_slice %arg8[%dma_wait3A_431] : memref<16384xf32, #tpu.memory_space<vmem>> -> memref<1024xf32, #tpu.memory_space<vmem>>
        %dma_wait3A_433 = arith.constant 2048 : i32
        %dma_wait3A_434 = tpu.memref_slice %arg7[%dma_wait3A_433] : memref<16384xi32, #tpu.memory_space<vmem>> -> memref<1024xi32, #tpu.memory_space<vmem>>
        %dma_wait3A_435 = arith.constant 0 : i32
        %dma_wait3A_436 = tpu.memref_slice %arg12[%dma_wait3A_435] : memref<1048576xf32, #tpu.memory_space<vmem_shared>> -> memref<1048576xf32, #tpu.memory_space<vmem_shared>>
        tpu.wait_indirect_dma semaphore(%arg13 : memref<!tpu.dma_semaphore, #tpu.memory_space<semaphore_mem>>) src(%dma_wait3A_436 : memref<1048576xf32, #tpu.memory_space<vmem_shared>>) dst(%dma_wait3A_432 : memref<1024xf32, #tpu.memory_space<vmem>>)
        %dma_wait3A_437 = arith.constant 3072 : i32
        %dma_wait3A_438 = tpu.memref_slice %arg8[%dma_wait3A_437] : memref<16384xf32, #tpu.memory_space<vmem>> -> memref<1024xf32, #tpu.memory_space<vmem>>
        %dma_wait3A_439 = arith.constant 3072 : i32
        %dma_wait3A_440 = tpu.memref_slice %arg7[%dma_wait3A_439] : memref<16384xi32, #tpu.memory_space<vmem>> -> memref<1024xi32, #tpu.memory_space<vmem>>
        %dma_wait3A_441 = arith.constant 0 : i32
        %dma_wait3A_442 = tpu.memref_slice %arg12[%dma_wait3A_441] : memref<1048576xf32, #tpu.memory_space<vmem_shared>> -> memref<1048576xf32, #tpu.memory_space<vmem_shared>>
        tpu.wait_indirect_dma semaphore(%arg13 : memref<!tpu.dma_semaphore, #tpu.memory_space<semaphore_mem>>) src(%dma_wait3A_442 : memref<1048576xf32, #tpu.memory_space<vmem_shared>>) dst(%dma_wait3A_438 : memref<1024xf32, #tpu.memory_space<vmem>>)
        %dma_wait3A_443 = arith.constant 4096 : i32
        %dma_wait3A_444 = tpu.memref_slice %arg8[%dma_wait3A_443] : memref<16384xf32, #tpu.memory_space<vmem>> -> memref<1024xf32, #tpu.memory_space<vmem>>
        %dma_wait3A_445 = arith.constant 4096 : i32
        %dma_wait3A_446 = tpu.memref_slice %arg7[%dma_wait3A_445] : memref<16384xi32, #tpu.memory_space<vmem>> -> memref<1024xi32, #tpu.memory_space<vmem>>
        %dma_wait3A_447 = arith.constant 0 : i32
        %dma_wait3A_448 = tpu.memref_slice %arg12[%dma_wait3A_447] : memref<1048576xf32, #tpu.memory_space<vmem_shared>> -> memref<1048576xf32, #tpu.memory_space<vmem_shared>>
        tpu.wait_indirect_dma semaphore(%arg13 : memref<!tpu.dma_semaphore, #tpu.memory_space<semaphore_mem>>) src(%dma_wait3A_448 : memref<1048576xf32, #tpu.memory_space<vmem_shared>>) dst(%dma_wait3A_444 : memref<1024xf32, #tpu.memory_space<vmem>>)
        %dma_wait3A_449 = arith.constant 5120 : i32
        %dma_wait3A_450 = tpu.memref_slice %arg8[%dma_wait3A_449] : memref<16384xf32, #tpu.memory_space<vmem>> -> memref<1024xf32, #tpu.memory_space<vmem>>
        %dma_wait3A_451 = arith.constant 5120 : i32
        %dma_wait3A_452 = tpu.memref_slice %arg7[%dma_wait3A_451] : memref<16384xi32, #tpu.memory_space<vmem>> -> memref<1024xi32, #tpu.memory_space<vmem>>
        %dma_wait3A_453 = arith.constant 0 : i32
        %dma_wait3A_454 = tpu.memref_slice %arg12[%dma_wait3A_453] : memref<1048576xf32, #tpu.memory_space<vmem_shared>> -> memref<1048576xf32, #tpu.memory_space<vmem_shared>>
        tpu.wait_indirect_dma semaphore(%arg13 : memref<!tpu.dma_semaphore, #tpu.memory_space<semaphore_mem>>) src(%dma_wait3A_454 : memref<1048576xf32, #tpu.memory_space<vmem_shared>>) dst(%dma_wait3A_450 : memref<1024xf32, #tpu.memory_space<vmem>>)
        %dma_wait3A_455 = arith.constant 6144 : i32
        %dma_wait3A_456 = tpu.memref_slice %arg8[%dma_wait3A_455] : memref<16384xf32, #tpu.memory_space<vmem>> -> memref<1024xf32, #tpu.memory_space<vmem>>
        %dma_wait3A_457 = arith.constant 6144 : i32
        %dma_wait3A_458 = tpu.memref_slice %arg7[%dma_wait3A_457] : memref<16384xi32, #tpu.memory_space<vmem>> -> memref<1024xi32, #tpu.memory_space<vmem>>
        %dma_wait3A_459 = arith.constant 0 : i32
        %dma_wait3A_460 = tpu.memref_slice %arg12[%dma_wait3A_459] : memref<1048576xf32, #tpu.memory_space<vmem_shared>> -> memref<1048576xf32, #tpu.memory_space<vmem_shared>>
        tpu.wait_indirect_dma semaphore(%arg13 : memref<!tpu.dma_semaphore, #tpu.memory_space<semaphore_mem>>) src(%dma_wait3A_460 : memref<1048576xf32, #tpu.memory_space<vmem_shared>>) dst(%dma_wait3A_456 : memref<1024xf32, #tpu.memory_space<vmem>>)
        %dma_wait3A_461 = arith.constant 7168 : i32
        %dma_wait3A_462 = tpu.memref_slice %arg8[%dma_wait3A_461] : memref<16384xf32, #tpu.memory_space<vmem>> -> memref<1024xf32, #tpu.memory_space<vmem>>
        %dma_wait3A_463 = arith.constant 7168 : i32
        %dma_wait3A_464 = tpu.memref_slice %arg7[%dma_wait3A_463] : memref<16384xi32, #tpu.memory_space<vmem>> -> memref<1024xi32, #tpu.memory_space<vmem>>
        %dma_wait3A_465 = arith.constant 0 : i32
        %dma_wait3A_466 = tpu.memref_slice %arg12[%dma_wait3A_465] : memref<1048576xf32, #tpu.memory_space<vmem_shared>> -> memref<1048576xf32, #tpu.memory_space<vmem_shared>>
        tpu.wait_indirect_dma semaphore(%arg13 : memref<!tpu.dma_semaphore, #tpu.memory_space<semaphore_mem>>) src(%dma_wait3A_466 : memref<1048576xf32, #tpu.memory_space<vmem_shared>>) dst(%dma_wait3A_462 : memref<1024xf32, #tpu.memory_space<vmem>>)
        %ge3A = arith.constant 2 : i32
        %ge3A_467 = arith.cmpi sge, %mul3A_219, %ge3A : i32
        %convert_element_type3A_468 = arith.extui %ge3A_467 : i1 to i32
        %cond3A_469 = arith.constant 0 : i32
        %cond3A_470 = arith.cmpi ne, %convert_element_type3A_468, %cond3A_469 : i32
        scf.if %cond3A_470 {
          %mul3A_505 = arith.constant 32768 : i32
          %mul3A_506 = arith.muli %add3A, %mul3A_505 : i32
          %mul3A_507 = arith.constant 512 : i32
          %mul3A_508 = arith.muli %mul3A_219, %mul3A_507 : i32
          %add3A_509 = arith.addi %mul3A_506, %mul3A_508 : i32
          %mul3A_510 = arith.constant 2 : i32
          %mul3A_511 = arith.muli %mul3A_510, %scan3A_6 : i32
          %add3A_512 = arith.constant 0 : i32
          %add3A_513 = arith.addi %mul3A_511, %add3A_512 : i32
          %mul3A_514 = arith.constant 1048576 : i32
          %mul3A_515 = arith.muli %add3A_513, %mul3A_514 : i32
          %add3A_516 = arith.addi %mul3A_515, %add3A_509 : i32
          %mul3A_517 = arith.constant 2 : i32
          %mul3A_518 = arith.muli %mul3A_517, %scan3A_6 : i32
          %add3A_519 = arith.constant 1 : i32
          %add3A_520 = arith.addi %mul3A_518, %add3A_519 : i32
          %mul3A_521 = arith.constant 1048576 : i32
          %mul3A_522 = arith.muli %add3A_520, %mul3A_521 : i32
          %add3A_523 = arith.addi %mul3A_522, %add3A_509 : i32
          %dma_wait3A_524 = arith.constant 0 : i32
          %dma_wait3A_525 = tpu.memref_slice %arg10[%dma_wait3A_524] : memref<2048xf32, #tpu.memory_space<vmem>> -> memref<512xf32, #tpu.memory_space<vmem>>
          %dma_wait3A_526 = tpu.memref_slice %arg5[%add3A_516] : memref<33554432xf32, #tpu.memory_space<hbm>> -> memref<512xf32, #tpu.memory_space<hbm>>
          %dma_wait3A_527 = tpu.memref_slice %arg5[%add3A_516] : memref<33554432xf32, #tpu.memory_space<hbm>> -> memref<512xf32, #tpu.memory_space<hbm>>
          %dma_wait3A_528 = arith.constant 0 : i32
          %dma_wait3A_529 = tpu.memref_slice %arg10[%dma_wait3A_528] : memref<2048xf32, #tpu.memory_space<vmem>> -> memref<512xf32, #tpu.memory_space<vmem>>
          tpu.wait_dma2 semaphore(%arg17 : memref<!tpu.dma_semaphore, #tpu.memory_space<semaphore_mem>>) src(%dma_wait3A_529 : memref<512xf32, #tpu.memory_space<vmem>>) dst(%dma_wait3A_527 : memref<512xf32, #tpu.memory_space<hbm>>)
          %dma_wait3A_530 = arith.constant 512 : i32
          %dma_wait3A_531 = tpu.memref_slice %arg10[%dma_wait3A_530] : memref<2048xf32, #tpu.memory_space<vmem>> -> memref<512xf32, #tpu.memory_space<vmem>>
          %dma_wait3A_532 = tpu.memref_slice %arg5[%add3A_523] : memref<33554432xf32, #tpu.memory_space<hbm>> -> memref<512xf32, #tpu.memory_space<hbm>>
          %dma_wait3A_533 = tpu.memref_slice %arg5[%add3A_523] : memref<33554432xf32, #tpu.memory_space<hbm>> -> memref<512xf32, #tpu.memory_space<hbm>>
          %dma_wait3A_534 = arith.constant 512 : i32
          %dma_wait3A_535 = tpu.memref_slice %arg10[%dma_wait3A_534] : memref<2048xf32, #tpu.memory_space<vmem>> -> memref<512xf32, #tpu.memory_space<vmem>>
          tpu.wait_dma2 semaphore(%arg17 : memref<!tpu.dma_semaphore, #tpu.memory_space<semaphore_mem>>) src(%dma_wait3A_535 : memref<512xf32, #tpu.memory_space<vmem>>) dst(%dma_wait3A_533 : memref<512xf32, #tpu.memory_space<hbm>>)
        } else {
        }
        %parallel_loop3A_471 = arith.constant 0 : i32
        %parallel_loop3A_472 = arith.constant 32 : i32
        %parallel_loop3A_473 = arith.constant 1 : i32
        scf.for %parallel_loop3A_505 = %parallel_loop3A_471 to %parallel_loop3A_472 step %parallel_loop3A_473  : i32 {
          %parallel_loop3A_506 = arith.constant 16 : i32
          %parallel_loop3A_507 = arith.muli %parallel_loop3A_505, %parallel_loop3A_506 : i32
          %parallel_loop3A_508 = arith.constant 0 : i32
          %parallel_loop3A_509 = arith.addi %parallel_loop3A_508, %parallel_loop3A_507 : i32
          %parallel_loop3A_510 = arith.index_cast %parallel_loop3A_509 : i32 to index
          %parallel_loop3A_511 = tpu.vector_load %arg9[%parallel_loop3A_510] {strides = array<i32>} : memref<3072xf32, #tpu.memory_space<vmem>>, vector<16xf32>,
          %parallel_loop3A_512 = arith.constant 512 : i32
          %parallel_loop3A_513 = arith.addi %parallel_loop3A_512, %parallel_loop3A_507 : i32
          %parallel_loop3A_514 = arith.index_cast %parallel_loop3A_513 : i32 to index
          %parallel_loop3A_515 = tpu.vector_load %arg9[%parallel_loop3A_514] {strides = array<i32>} : memref<3072xf32, #tpu.memory_space<vmem>>, vector<16xf32>,
          %parallel_loop3A_516 = arith.constant 1024 : i32
          %parallel_loop3A_517 = arith.addi %parallel_loop3A_516, %parallel_loop3A_507 : i32
          %parallel_loop3A_518 = arith.index_cast %parallel_loop3A_517 : i32 to index
          %parallel_loop3A_519 = tpu.vector_load %arg9[%parallel_loop3A_518] {strides = array<i32>} : memref<3072xf32, #tpu.memory_space<vmem>>, vector<16xf32>,
          %parallel_loop3A_520 = arith.constant 1.000000e+00 : f32
          %parallel_loop3A_521 = vector.broadcast %parallel_loop3A_520 : f32 to vector<16xf32>
          %parallel_loop3A_522 = arith.subf %parallel_loop3A_521, %parallel_loop3A_511 : vector<16xf32>
          %parallel_loop3A_523 = arith.constant 1.000000e+00 : f32
          %parallel_loop3A_524 = vector.broadcast %parallel_loop3A_523 : f32 to vector<16xf32>
          %parallel_loop3A_525 = arith.subf %parallel_loop3A_524, %parallel_loop3A_515 : vector<16xf32>
          %parallel_loop3A_526 = arith.constant 1.000000e+00 : f32
          %parallel_loop3A_527 = vector.broadcast %parallel_loop3A_526 : f32 to vector<16xf32>
          %parallel_loop3A_528 = arith.subf %parallel_loop3A_527, %parallel_loop3A_519 : vector<16xf32>
          %parallel_loop3A_529 = arith.mulf %parallel_loop3A_525, %parallel_loop3A_528 : vector<16xf32>
          %parallel_loop3A_530 = arith.mulf %parallel_loop3A_515, %parallel_loop3A_528 : vector<16xf32>
          %parallel_loop3A_531 = arith.mulf %parallel_loop3A_525, %parallel_loop3A_519 : vector<16xf32>
          %parallel_loop3A_532 = arith.mulf %parallel_loop3A_515, %parallel_loop3A_519 : vector<16xf32>
          %parallel_loop3A_533 = arith.constant 0.000000e+00 : f32
          %parallel_loop3A_534 = vector.broadcast %parallel_loop3A_533 : f32 to vector<16xf32>
          %parallel_loop3A_535 = arith.constant 0.000000e+00 : f32
          %parallel_loop3A_536 = vector.broadcast %parallel_loop3A_535 : f32 to vector<16xf32>
          %parallel_loop3A_537 = arith.mulf %parallel_loop3A_522, %parallel_loop3A_529 : vector<16xf32>
          %parallel_loop3A_538 = arith.constant 0 : i32
          %parallel_loop3A_539 = arith.addi %parallel_loop3A_538, %parallel_loop3A_507 : i32
          %parallel_loop3A_540 = arith.index_cast %parallel_loop3A_539 : i32 to index
          %parallel_loop3A_541 = tpu.vector_load %arg8[%parallel_loop3A_540] {strides = array<i32>} : memref<16384xf32, #tpu.memory_space<vmem>>, vector<16xf32>,
          %parallel_loop3A_542 = arith.constant 512 : i32
          %parallel_loop3A_543 = arith.addi %parallel_loop3A_542, %parallel_loop3A_507 : i32
          %parallel_loop3A_544 = arith.index_cast %parallel_loop3A_543 : i32 to index
          %parallel_loop3A_545 = tpu.vector_load %arg8[%parallel_loop3A_544] {strides = array<i32>} : memref<16384xf32, #tpu.memory_space<vmem>>, vector<16xf32>,
          %parallel_loop3A_546 = arith.mulf %parallel_loop3A_537, %parallel_loop3A_541 : vector<16xf32>
          %parallel_loop3A_547 = arith.addf %parallel_loop3A_534, %parallel_loop3A_546 : vector<16xf32>
          %parallel_loop3A_548 = arith.mulf %parallel_loop3A_537, %parallel_loop3A_545 : vector<16xf32>
          %parallel_loop3A_549 = arith.addf %parallel_loop3A_536, %parallel_loop3A_548 : vector<16xf32>
          %parallel_loop3A_550 = arith.mulf %parallel_loop3A_511, %parallel_loop3A_529 : vector<16xf32>
          %parallel_loop3A_551 = arith.constant 1024 : i32
          %parallel_loop3A_552 = arith.addi %parallel_loop3A_551, %parallel_loop3A_507 : i32
          %parallel_loop3A_553 = arith.index_cast %parallel_loop3A_552 : i32 to index
          %parallel_loop3A_554 = tpu.vector_load %arg8[%parallel_loop3A_553] {strides = array<i32>} : memref<16384xf32, #tpu.memory_space<vmem>>, vector<16xf32>,
          %parallel_loop3A_555 = arith.constant 1536 : i32
          %parallel_loop3A_556 = arith.addi %parallel_loop3A_555, %parallel_loop3A_507 : i32
          %parallel_loop3A_557 = arith.index_cast %parallel_loop3A_556 : i32 to index
          %parallel_loop3A_558 = tpu.vector_load %arg8[%parallel_loop3A_557] {strides = array<i32>} : memref<16384xf32, #tpu.memory_space<vmem>>, vector<16xf32>,
          %parallel_loop3A_559 = arith.mulf %parallel_loop3A_550, %parallel_loop3A_554 : vector<16xf32>
          %parallel_loop3A_560 = arith.addf %parallel_loop3A_547, %parallel_loop3A_559 : vector<16xf32>
          %parallel_loop3A_561 = arith.mulf %parallel_loop3A_550, %parallel_loop3A_558 : vector<16xf32>
          %parallel_loop3A_562 = arith.addf %parallel_loop3A_549, %parallel_loop3A_561 : vector<16xf32>
          %parallel_loop3A_563 = arith.mulf %parallel_loop3A_522, %parallel_loop3A_530 : vector<16xf32>
          %parallel_loop3A_564 = arith.constant 2048 : i32
          %parallel_loop3A_565 = arith.addi %parallel_loop3A_564, %parallel_loop3A_507 : i32
          %parallel_loop3A_566 = arith.index_cast %parallel_loop3A_565 : i32 to index
          %parallel_loop3A_567 = tpu.vector_load %arg8[%parallel_loop3A_566] {strides = array<i32>} : memref<16384xf32, #tpu.memory_space<vmem>>, vector<16xf32>,
          %parallel_loop3A_568 = arith.constant 2560 : i32
          %parallel_loop3A_569 = arith.addi %parallel_loop3A_568, %parallel_loop3A_507 : i32
          %parallel_loop3A_570 = arith.index_cast %parallel_loop3A_569 : i32 to index
          %parallel_loop3A_571 = tpu.vector_load %arg8[%parallel_loop3A_570] {strides = array<i32>} : memref<16384xf32, #tpu.memory_space<vmem>>, vector<16xf32>,
          %parallel_loop3A_572 = arith.mulf %parallel_loop3A_563, %parallel_loop3A_567 : vector<16xf32>
          %parallel_loop3A_573 = arith.addf %parallel_loop3A_560, %parallel_loop3A_572 : vector<16xf32>
          %parallel_loop3A_574 = arith.mulf %parallel_loop3A_563, %parallel_loop3A_571 : vector<16xf32>
          %parallel_loop3A_575 = arith.addf %parallel_loop3A_562, %parallel_loop3A_574 : vector<16xf32>
          %parallel_loop3A_576 = arith.mulf %parallel_loop3A_511, %parallel_loop3A_530 : vector<16xf32>
          %parallel_loop3A_577 = arith.constant 3072 : i32
          %parallel_loop3A_578 = arith.addi %parallel_loop3A_577, %parallel_loop3A_507 : i32
          %parallel_loop3A_579 = arith.index_cast %parallel_loop3A_578 : i32 to index
          %parallel_loop3A_580 = tpu.vector_load %arg8[%parallel_loop3A_579] {strides = array<i32>} : memref<16384xf32, #tpu.memory_space<vmem>>, vector<16xf32>,
          %parallel_loop3A_581 = arith.constant 3584 : i32
          %parallel_loop3A_582 = arith.addi %parallel_loop3A_581, %parallel_loop3A_507 : i32
          %parallel_loop3A_583 = arith.index_cast %parallel_loop3A_582 : i32 to index
          %parallel_loop3A_584 = tpu.vector_load %arg8[%parallel_loop3A_583] {strides = array<i32>} : memref<16384xf32, #tpu.memory_space<vmem>>, vector<16xf32>,
          %parallel_loop3A_585 = arith.mulf %parallel_loop3A_576, %parallel_loop3A_580 : vector<16xf32>
          %parallel_loop3A_586 = arith.addf %parallel_loop3A_573, %parallel_loop3A_585 : vector<16xf32>
          %parallel_loop3A_587 = arith.mulf %parallel_loop3A_576, %parallel_loop3A_584 : vector<16xf32>
          %parallel_loop3A_588 = arith.addf %parallel_loop3A_575, %parallel_loop3A_587 : vector<16xf32>
          %parallel_loop3A_589 = arith.mulf %parallel_loop3A_522, %parallel_loop3A_531 : vector<16xf32>
          %parallel_loop3A_590 = arith.constant 4096 : i32
          %parallel_loop3A_591 = arith.addi %parallel_loop3A_590, %parallel_loop3A_507 : i32
          %parallel_loop3A_592 = arith.index_cast %parallel_loop3A_591 : i32 to index
          %parallel_loop3A_593 = tpu.vector_load %arg8[%parallel_loop3A_592] {strides = array<i32>} : memref<16384xf32, #tpu.memory_space<vmem>>, vector<16xf32>,
          %parallel_loop3A_594 = arith.constant 4608 : i32
          %parallel_loop3A_595 = arith.addi %parallel_loop3A_594, %parallel_loop3A_507 : i32
          %parallel_loop3A_596 = arith.index_cast %parallel_loop3A_595 : i32 to index
          %parallel_loop3A_597 = tpu.vector_load %arg8[%parallel_loop3A_596] {strides = array<i32>} : memref<16384xf32, #tpu.memory_space<vmem>>, vector<16xf32>,
          %parallel_loop3A_598 = arith.mulf %parallel_loop3A_589, %parallel_loop3A_593 : vector<16xf32>
          %parallel_loop3A_599 = arith.addf %parallel_loop3A_586, %parallel_loop3A_598 : vector<16xf32>
          %parallel_loop3A_600 = arith.mulf %parallel_loop3A_589, %parallel_loop3A_597 : vector<16xf32>
          %parallel_loop3A_601 = arith.addf %parallel_loop3A_588, %parallel_loop3A_600 : vector<16xf32>
          %parallel_loop3A_602 = arith.mulf %parallel_loop3A_511, %parallel_loop3A_531 : vector<16xf32>
          %parallel_loop3A_603 = arith.constant 5120 : i32
          %parallel_loop3A_604 = arith.addi %parallel_loop3A_603, %parallel_loop3A_507 : i32
          %parallel_loop3A_605 = arith.index_cast %parallel_loop3A_604 : i32 to index
          %parallel_loop3A_606 = tpu.vector_load %arg8[%parallel_loop3A_605] {strides = array<i32>} : memref<16384xf32, #tpu.memory_space<vmem>>, vector<16xf32>,
          %parallel_loop3A_607 = arith.constant 5632 : i32
          %parallel_loop3A_608 = arith.addi %parallel_loop3A_607, %parallel_loop3A_507 : i32
          %parallel_loop3A_609 = arith.index_cast %parallel_loop3A_608 : i32 to index
          %parallel_loop3A_610 = tpu.vector_load %arg8[%parallel_loop3A_609] {strides = array<i32>} : memref<16384xf32, #tpu.memory_space<vmem>>, vector<16xf32>,
          %parallel_loop3A_611 = arith.mulf %parallel_loop3A_602, %parallel_loop3A_606 : vector<16xf32>
          %parallel_loop3A_612 = arith.addf %parallel_loop3A_599, %parallel_loop3A_611 : vector<16xf32>
          %parallel_loop3A_613 = arith.mulf %parallel_loop3A_602, %parallel_loop3A_610 : vector<16xf32>
          %parallel_loop3A_614 = arith.addf %parallel_loop3A_601, %parallel_loop3A_613 : vector<16xf32>
          %parallel_loop3A_615 = arith.mulf %parallel_loop3A_522, %parallel_loop3A_532 : vector<16xf32>
          %parallel_loop3A_616 = arith.constant 6144 : i32
          %parallel_loop3A_617 = arith.addi %parallel_loop3A_616, %parallel_loop3A_507 : i32
          %parallel_loop3A_618 = arith.index_cast %parallel_loop3A_617 : i32 to index
          %parallel_loop3A_619 = tpu.vector_load %arg8[%parallel_loop3A_618] {strides = array<i32>} : memref<16384xf32, #tpu.memory_space<vmem>>, vector<16xf32>,
          %parallel_loop3A_620 = arith.constant 6656 : i32
          %parallel_loop3A_621 = arith.addi %parallel_loop3A_620, %parallel_loop3A_507 : i32
          %parallel_loop3A_622 = arith.index_cast %parallel_loop3A_621 : i32 to index
          %parallel_loop3A_623 = tpu.vector_load %arg8[%parallel_loop3A_622] {strides = array<i32>} : memref<16384xf32, #tpu.memory_space<vmem>>, vector<16xf32>,
          %parallel_loop3A_624 = arith.mulf %parallel_loop3A_615, %parallel_loop3A_619 : vector<16xf32>
          %parallel_loop3A_625 = arith.addf %parallel_loop3A_612, %parallel_loop3A_624 : vector<16xf32>
          %parallel_loop3A_626 = arith.mulf %parallel_loop3A_615, %parallel_loop3A_623 : vector<16xf32>
          %parallel_loop3A_627 = arith.addf %parallel_loop3A_614, %parallel_loop3A_626 : vector<16xf32>
          %parallel_loop3A_628 = arith.mulf %parallel_loop3A_511, %parallel_loop3A_532 : vector<16xf32>
          %parallel_loop3A_629 = arith.constant 7168 : i32
          %parallel_loop3A_630 = arith.addi %parallel_loop3A_629, %parallel_loop3A_507 : i32
          %parallel_loop3A_631 = arith.index_cast %parallel_loop3A_630 : i32 to index
          %parallel_loop3A_632 = tpu.vector_load %arg8[%parallel_loop3A_631] {strides = array<i32>} : memref<16384xf32, #tpu.memory_space<vmem>>, vector<16xf32>,
          %parallel_loop3A_633 = arith.constant 7680 : i32
          %parallel_loop3A_634 = arith.addi %parallel_loop3A_633, %parallel_loop3A_507 : i32
          %parallel_loop3A_635 = arith.index_cast %parallel_loop3A_634 : i32 to index
          %parallel_loop3A_636 = tpu.vector_load %arg8[%parallel_loop3A_635] {strides = array<i32>} : memref<16384xf32, #tpu.memory_space<vmem>>, vector<16xf32>,
          %parallel_loop3A_637 = arith.mulf %parallel_loop3A_628, %parallel_loop3A_632 : vector<16xf32>
          %parallel_loop3A_638 = arith.addf %parallel_loop3A_625, %parallel_loop3A_637 : vector<16xf32>
          %parallel_loop3A_639 = arith.mulf %parallel_loop3A_628, %parallel_loop3A_636 : vector<16xf32>
          %parallel_loop3A_640 = arith.addf %parallel_loop3A_627, %parallel_loop3A_639 : vector<16xf32>
          %parallel_loop3A_641 = arith.constant 0 : i32
          %parallel_loop3A_642 = arith.addi %parallel_loop3A_641, %parallel_loop3A_507 : i32
          %parallel_loop3A_643 = arith.index_cast %parallel_loop3A_642 : i32 to index
          %parallel_loop3A_644 = tpu.vector_load %arg10[%parallel_loop3A_643] {strides = array<i32>} : memref<2048xf32, #tpu.memory_space<vmem>>, vector<16xf32>,
          tpu.vector_store %arg10[%parallel_loop3A_643], %parallel_loop3A_638 {strides = array<i32>} : memref<2048xf32, #tpu.memory_space<vmem>>, vector<16xf32>,
          %parallel_loop3A_645 = arith.constant 512 : i32
          %parallel_loop3A_646 = arith.addi %parallel_loop3A_645, %parallel_loop3A_507 : i32
          %parallel_loop3A_647 = arith.index_cast %parallel_loop3A_646 : i32 to index
          %parallel_loop3A_648 = tpu.vector_load %arg10[%parallel_loop3A_647] {strides = array<i32>} : memref<2048xf32, #tpu.memory_space<vmem>>, vector<16xf32>,
          tpu.vector_store %arg10[%parallel_loop3A_647], %parallel_loop3A_640 {strides = array<i32>} : memref<2048xf32, #tpu.memory_space<vmem>>, vector<16xf32>,
        } {sc.loop_unroll_factor = 4 : i64, sc.parallel_access}
        %mul3A_474 = arith.constant 32768 : i32
        %mul3A_475 = arith.muli %add3A, %mul3A_474 : i32
        %mul3A_476 = arith.constant 512 : i32
        %mul3A_477 = arith.muli %mul3A_219, %mul3A_476 : i32
        %add3A_478 = arith.addi %mul3A_475, %mul3A_477 : i32
        %mul3A_479 = arith.constant 2 : i32
        %mul3A_480 = arith.muli %mul3A_479, %scan3A_6 : i32
        %add3A_481 = arith.constant 0 : i32
        %add3A_482 = arith.addi %mul3A_480, %add3A_481 : i32
        %mul3A_483 = arith.constant 1048576 : i32
        %mul3A_484 = arith.muli %add3A_482, %mul3A_483 : i32
        %add3A_485 = arith.addi %mul3A_484, %add3A_478 : i32
        %mul3A_486 = arith.constant 2 : i32
        %mul3A_487 = arith.muli %mul3A_486, %scan3A_6 : i32
        %add3A_488 = arith.constant 1 : i32
        %add3A_489 = arith.addi %mul3A_487, %add3A_488 : i32
        %mul3A_490 = arith.constant 1048576 : i32
        %mul3A_491 = arith.muli %add3A_489, %mul3A_490 : i32
        %add3A_492 = arith.addi %mul3A_491, %add3A_478 : i32
        %dma_start3A_493 = arith.constant 0 : i32
        %dma_start3A_494 = tpu.memref_slice %arg10[%dma_start3A_493] : memref<2048xf32, #tpu.memory_space<vmem>> -> memref<512xf32, #tpu.memory_space<vmem>>
        %dma_start3A_495 = tpu.memref_slice %arg5[%add3A_485] : memref<33554432xf32, #tpu.memory_space<hbm>> -> memref<512xf32, #tpu.memory_space<hbm>>
        %dma_start3A_496 = tpu.memref_slice %arg5[%add3A_485] : memref<33554432xf32, #tpu.memory_space<hbm>> -> memref<512xf32, #tpu.memory_space<hbm>>
        %dma_start3A_497 = arith.constant 0 : i32
        %dma_start3A_498 = tpu.memref_slice %arg10[%dma_start3A_497] : memref<2048xf32, #tpu.memory_space<vmem>> -> memref<512xf32, #tpu.memory_space<vmem>>
        tpu.enqueue_dma source(%dma_start3A_498 : memref<512xf32, #tpu.memory_space<vmem>>) target(%dma_start3A_496 : memref<512xf32, #tpu.memory_space<hbm>>) target_semaphore(%arg17 : memref<!tpu.dma_semaphore, #tpu.memory_space<semaphore_mem>>)
        %dma_start3A_499 = arith.constant 512 : i32
        %dma_start3A_500 = tpu.memref_slice %arg10[%dma_start3A_499] : memref<2048xf32, #tpu.memory_space<vmem>> -> memref<512xf32, #tpu.memory_space<vmem>>
        %dma_start3A_501 = tpu.memref_slice %arg5[%add3A_492] : memref<33554432xf32, #tpu.memory_space<hbm>> -> memref<512xf32, #tpu.memory_space<hbm>>
        %dma_start3A_502 = tpu.memref_slice %arg5[%add3A_492] : memref<33554432xf32, #tpu.memory_space<hbm>> -> memref<512xf32, #tpu.memory_space<hbm>>
        %dma_start3A_503 = arith.constant 512 : i32
        %dma_start3A_504 = tpu.memref_slice %arg10[%dma_start3A_503] : memref<2048xf32, #tpu.memory_space<vmem>> -> memref<512xf32, #tpu.memory_space<vmem>>
        tpu.enqueue_dma source(%dma_start3A_504 : memref<512xf32, #tpu.memory_space<vmem>>) target(%dma_start3A_502 : memref<512xf32, #tpu.memory_space<hbm>>) target_semaphore(%arg17 : memref<!tpu.dma_semaphore, #tpu.memory_space<semaphore_mem>>)
      }
      %scan3A_47 = arith.constant 32 : i32
      %dma_wait3A = arith.constant 8192 : i32
      %dma_wait3A_48 = tpu.memref_slice %arg8[%dma_wait3A] : memref<16384xf32, #tpu.memory_space<vmem>> -> memref<1024xf32, #tpu.memory_space<vmem>>
      %dma_wait3A_49 = arith.constant 8192 : i32
      %dma_wait3A_50 = tpu.memref_slice %arg7[%dma_wait3A_49] : memref<16384xi32, #tpu.memory_space<vmem>> -> memref<1024xi32, #tpu.memory_space<vmem>>
      %dma_wait3A_51 = arith.constant 0 : i32
      %dma_wait3A_52 = tpu.memref_slice %arg12[%dma_wait3A_51] : memref<1048576xf32, #tpu.memory_space<vmem_shared>> -> memref<1048576xf32, #tpu.memory_space<vmem_shared>>
      tpu.wait_indirect_dma semaphore(%arg14 : memref<!tpu.dma_semaphore, #tpu.memory_space<semaphore_mem>>) src(%dma_wait3A_52 : memref<1048576xf32, #tpu.memory_space<vmem_shared>>) dst(%dma_wait3A_48 : memref<1024xf32, #tpu.memory_space<vmem>>)
      %dma_wait3A_53 = arith.constant 9216 : i32
      %dma_wait3A_54 = tpu.memref_slice %arg8[%dma_wait3A_53] : memref<16384xf32, #tpu.memory_space<vmem>> -> memref<1024xf32, #tpu.memory_space<vmem>>
      %dma_wait3A_55 = arith.constant 9216 : i32
      %dma_wait3A_56 = tpu.memref_slice %arg7[%dma_wait3A_55] : memref<16384xi32, #tpu.memory_space<vmem>> -> memref<1024xi32, #tpu.memory_space<vmem>>
      %dma_wait3A_57 = arith.constant 0 : i32
      %dma_wait3A_58 = tpu.memref_slice %arg12[%dma_wait3A_57] : memref<1048576xf32, #tpu.memory_space<vmem_shared>> -> memref<1048576xf32, #tpu.memory_space<vmem_shared>>
      tpu.wait_indirect_dma semaphore(%arg14 : memref<!tpu.dma_semaphore, #tpu.memory_space<semaphore_mem>>) src(%dma_wait3A_58 : memref<1048576xf32, #tpu.memory_space<vmem_shared>>) dst(%dma_wait3A_54 : memref<1024xf32, #tpu.memory_space<vmem>>)
      %dma_wait3A_59 = arith.constant 10240 : i32
      %dma_wait3A_60 = tpu.memref_slice %arg8[%dma_wait3A_59] : memref<16384xf32, #tpu.memory_space<vmem>> -> memref<1024xf32, #tpu.memory_space<vmem>>
      %dma_wait3A_61 = arith.constant 10240 : i32
      %dma_wait3A_62 = tpu.memref_slice %arg7[%dma_wait3A_61] : memref<16384xi32, #tpu.memory_space<vmem>> -> memref<1024xi32, #tpu.memory_space<vmem>>
      %dma_wait3A_63 = arith.constant 0 : i32
      %dma_wait3A_64 = tpu.memref_slice %arg12[%dma_wait3A_63] : memref<1048576xf32, #tpu.memory_space<vmem_shared>> -> memref<1048576xf32, #tpu.memory_space<vmem_shared>>
      tpu.wait_indirect_dma semaphore(%arg14 : memref<!tpu.dma_semaphore, #tpu.memory_space<semaphore_mem>>) src(%dma_wait3A_64 : memref<1048576xf32, #tpu.memory_space<vmem_shared>>) dst(%dma_wait3A_60 : memref<1024xf32, #tpu.memory_space<vmem>>)
      %dma_wait3A_65 = arith.constant 11264 : i32
      %dma_wait3A_66 = tpu.memref_slice %arg8[%dma_wait3A_65] : memref<16384xf32, #tpu.memory_space<vmem>> -> memref<1024xf32, #tpu.memory_space<vmem>>
      %dma_wait3A_67 = arith.constant 11264 : i32
      %dma_wait3A_68 = tpu.memref_slice %arg7[%dma_wait3A_67] : memref<16384xi32, #tpu.memory_space<vmem>> -> memref<1024xi32, #tpu.memory_space<vmem>>
      %dma_wait3A_69 = arith.constant 0 : i32
      %dma_wait3A_70 = tpu.memref_slice %arg12[%dma_wait3A_69] : memref<1048576xf32, #tpu.memory_space<vmem_shared>> -> memref<1048576xf32, #tpu.memory_space<vmem_shared>>
      tpu.wait_indirect_dma semaphore(%arg14 : memref<!tpu.dma_semaphore, #tpu.memory_space<semaphore_mem>>) src(%dma_wait3A_70 : memref<1048576xf32, #tpu.memory_space<vmem_shared>>) dst(%dma_wait3A_66 : memref<1024xf32, #tpu.memory_space<vmem>>)
      %dma_wait3A_71 = arith.constant 12288 : i32
      %dma_wait3A_72 = tpu.memref_slice %arg8[%dma_wait3A_71] : memref<16384xf32, #tpu.memory_space<vmem>> -> memref<1024xf32, #tpu.memory_space<vmem>>
      %dma_wait3A_73 = arith.constant 12288 : i32
      %dma_wait3A_74 = tpu.memref_slice %arg7[%dma_wait3A_73] : memref<16384xi32, #tpu.memory_space<vmem>> -> memref<1024xi32, #tpu.memory_space<vmem>>
      %dma_wait3A_75 = arith.constant 0 : i32
      %dma_wait3A_76 = tpu.memref_slice %arg12[%dma_wait3A_75] : memref<1048576xf32, #tpu.memory_space<vmem_shared>> -> memref<1048576xf32, #tpu.memory_space<vmem_shared>>
      tpu.wait_indirect_dma semaphore(%arg14 : memref<!tpu.dma_semaphore, #tpu.memory_space<semaphore_mem>>) src(%dma_wait3A_76 : memref<1048576xf32, #tpu.memory_space<vmem_shared>>) dst(%dma_wait3A_72 : memref<1024xf32, #tpu.memory_space<vmem>>)
      %dma_wait3A_77 = arith.constant 13312 : i32
      %dma_wait3A_78 = tpu.memref_slice %arg8[%dma_wait3A_77] : memref<16384xf32, #tpu.memory_space<vmem>> -> memref<1024xf32, #tpu.memory_space<vmem>>
      %dma_wait3A_79 = arith.constant 13312 : i32
      %dma_wait3A_80 = tpu.memref_slice %arg7[%dma_wait3A_79] : memref<16384xi32, #tpu.memory_space<vmem>> -> memref<1024xi32, #tpu.memory_space<vmem>>
      %dma_wait3A_81 = arith.constant 0 : i32
      %dma_wait3A_82 = tpu.memref_slice %arg12[%dma_wait3A_81] : memref<1048576xf32, #tpu.memory_space<vmem_shared>> -> memref<1048576xf32, #tpu.memory_space<vmem_shared>>
      tpu.wait_indirect_dma semaphore(%arg14 : memref<!tpu.dma_semaphore, #tpu.memory_space<semaphore_mem>>) src(%dma_wait3A_82 : memref<1048576xf32, #tpu.memory_space<vmem_shared>>) dst(%dma_wait3A_78 : memref<1024xf32, #tpu.memory_space<vmem>>)
      %dma_wait3A_83 = arith.constant 14336 : i32
      %dma_wait3A_84 = tpu.memref_slice %arg8[%dma_wait3A_83] : memref<16384xf32, #tpu.memory_space<vmem>> -> memref<1024xf32, #tpu.memory_space<vmem>>
      %dma_wait3A_85 = arith.constant 14336 : i32
      %dma_wait3A_86 = tpu.memref_slice %arg7[%dma_wait3A_85] : memref<16384xi32, #tpu.memory_space<vmem>> -> memref<1024xi32, #tpu.memory_space<vmem>>
      %dma_wait3A_87 = arith.constant 0 : i32
      %dma_wait3A_88 = tpu.memref_slice %arg12[%dma_wait3A_87] : memref<1048576xf32, #tpu.memory_space<vmem_shared>> -> memref<1048576xf32, #tpu.memory_space<vmem_shared>>
      tpu.wait_indirect_dma semaphore(%arg14 : memref<!tpu.dma_semaphore, #tpu.memory_space<semaphore_mem>>) src(%dma_wait3A_88 : memref<1048576xf32, #tpu.memory_space<vmem_shared>>) dst(%dma_wait3A_84 : memref<1024xf32, #tpu.memory_space<vmem>>)
      %dma_wait3A_89 = arith.constant 15360 : i32
      %dma_wait3A_90 = tpu.memref_slice %arg8[%dma_wait3A_89] : memref<16384xf32, #tpu.memory_space<vmem>> -> memref<1024xf32, #tpu.memory_space<vmem>>
      %dma_wait3A_91 = arith.constant 15360 : i32
      %dma_wait3A_92 = tpu.memref_slice %arg7[%dma_wait3A_91] : memref<16384xi32, #tpu.memory_space<vmem>> -> memref<1024xi32, #tpu.memory_space<vmem>>
      %dma_wait3A_93 = arith.constant 0 : i32
      %dma_wait3A_94 = tpu.memref_slice %arg12[%dma_wait3A_93] : memref<1048576xf32, #tpu.memory_space<vmem_shared>> -> memref<1048576xf32, #tpu.memory_space<vmem_shared>>
      tpu.wait_indirect_dma semaphore(%arg14 : memref<!tpu.dma_semaphore, #tpu.memory_space<semaphore_mem>>) src(%dma_wait3A_94 : memref<1048576xf32, #tpu.memory_space<vmem_shared>>) dst(%dma_wait3A_90 : memref<1024xf32, #tpu.memory_space<vmem>>)
      %mul3A_95 = arith.constant 32768 : i32
      %mul3A_96 = arith.muli %add3A, %mul3A_95 : i32
      %add3A_97 = arith.constant 32256 : i32
      %add3A_98 = arith.addi %mul3A_96, %add3A_97 : i32
      %mul3A_99 = arith.constant 2 : i32
      %mul3A_100 = arith.muli %mul3A_99, %scan3A_6 : i32
      %add3A_101 = arith.constant 0 : i32
      %add3A_102 = arith.addi %mul3A_100, %add3A_101 : i32
      %mul3A_103 = arith.constant 1048576 : i32
      %mul3A_104 = arith.muli %add3A_102, %mul3A_103 : i32
      %add3A_105 = arith.addi %mul3A_104, %add3A_98 : i32
      %mul3A_106 = arith.constant 2 : i32
      %mul3A_107 = arith.muli %mul3A_106, %scan3A_6 : i32
      %add3A_108 = arith.constant 1 : i32
      %add3A_109 = arith.addi %mul3A_107, %add3A_108 : i32
      %mul3A_110 = arith.constant 1048576 : i32
      %mul3A_111 = arith.muli %add3A_109, %mul3A_110 : i32
      %add3A_112 = arith.addi %mul3A_111, %add3A_98 : i32
      %dma_wait3A_113 = arith.constant 1024 : i32
      %dma_wait3A_114 = tpu.memref_slice %arg10[%dma_wait3A_113] : memref<2048xf32, #tpu.memory_space<vmem>> -> memref<512xf32, #tpu.memory_space<vmem>>
      %dma_wait3A_115 = tpu.memref_slice %arg5[%add3A_105] : memref<33554432xf32, #tpu.memory_space<hbm>> -> memref<512xf32, #tpu.memory_space<hbm>>
      %dma_wait3A_116 = tpu.memref_slice %arg5[%add3A_105] : memref<33554432xf32, #tpu.memory_space<hbm>> -> memref<512xf32, #tpu.memory_space<hbm>>
      %dma_wait3A_117 = arith.constant 1024 : i32
      %dma_wait3A_118 = tpu.memref_slice %arg10[%dma_wait3A_117] : memref<2048xf32, #tpu.memory_space<vmem>> -> memref<512xf32, #tpu.memory_space<vmem>>
      tpu.wait_dma2 semaphore(%arg18 : memref<!tpu.dma_semaphore, #tpu.memory_space<semaphore_mem>>) src(%dma_wait3A_118 : memref<512xf32, #tpu.memory_space<vmem>>) dst(%dma_wait3A_116 : memref<512xf32, #tpu.memory_space<hbm>>)
      %dma_wait3A_119 = arith.constant 1536 : i32
      %dma_wait3A_120 = tpu.memref_slice %arg10[%dma_wait3A_119] : memref<2048xf32, #tpu.memory_space<vmem>> -> memref<512xf32, #tpu.memory_space<vmem>>
      %dma_wait3A_121 = tpu.memref_slice %arg5[%add3A_112] : memref<33554432xf32, #tpu.memory_space<hbm>> -> memref<512xf32, #tpu.memory_space<hbm>>
      %dma_wait3A_122 = tpu.memref_slice %arg5[%add3A_112] : memref<33554432xf32, #tpu.memory_space<hbm>> -> memref<512xf32, #tpu.memory_space<hbm>>
      %dma_wait3A_123 = arith.constant 1536 : i32
      %dma_wait3A_124 = tpu.memref_slice %arg10[%dma_wait3A_123] : memref<2048xf32, #tpu.memory_space<vmem>> -> memref<512xf32, #tpu.memory_space<vmem>>
      tpu.wait_dma2 semaphore(%arg18 : memref<!tpu.dma_semaphore, #tpu.memory_space<semaphore_mem>>) src(%dma_wait3A_124 : memref<512xf32, #tpu.memory_space<vmem>>) dst(%dma_wait3A_122 : memref<512xf32, #tpu.memory_space<hbm>>)
      %parallel_loop3A = arith.constant 0 : i32
      %parallel_loop3A_125 = arith.constant 32 : i32
      %parallel_loop3A_126 = arith.constant 1 : i32
      scf.for %parallel_loop3A_217 = %parallel_loop3A to %parallel_loop3A_125 step %parallel_loop3A_126  : i32 {
        %parallel_loop3A_218 = arith.constant 16 : i32
        %parallel_loop3A_219 = arith.muli %parallel_loop3A_217, %parallel_loop3A_218 : i32
        %parallel_loop3A_220 = arith.constant 1536 : i32
        %parallel_loop3A_221 = arith.addi %parallel_loop3A_220, %parallel_loop3A_219 : i32
        %parallel_loop3A_222 = arith.index_cast %parallel_loop3A_221 : i32 to index
        %parallel_loop3A_223 = tpu.vector_load %arg9[%parallel_loop3A_222] {strides = array<i32>} : memref<3072xf32, #tpu.memory_space<vmem>>, vector<16xf32>,
        %parallel_loop3A_224 = arith.constant 2048 : i32
        %parallel_loop3A_225 = arith.addi %parallel_loop3A_224, %parallel_loop3A_219 : i32
        %parallel_loop3A_226 = arith.index_cast %parallel_loop3A_225 : i32 to index
        %parallel_loop3A_227 = tpu.vector_load %arg9[%parallel_loop3A_226] {strides = array<i32>} : memref<3072xf32, #tpu.memory_space<vmem>>, vector<16xf32>,
        %parallel_loop3A_228 = arith.constant 2560 : i32
        %parallel_loop3A_229 = arith.addi %parallel_loop3A_228, %parallel_loop3A_219 : i32
        %parallel_loop3A_230 = arith.index_cast %parallel_loop3A_229 : i32 to index
        %parallel_loop3A_231 = tpu.vector_load %arg9[%parallel_loop3A_230] {strides = array<i32>} : memref<3072xf32, #tpu.memory_space<vmem>>, vector<16xf32>,
        %parallel_loop3A_232 = arith.constant 1.000000e+00 : f32
        %parallel_loop3A_233 = vector.broadcast %parallel_loop3A_232 : f32 to vector<16xf32>
        %parallel_loop3A_234 = arith.subf %parallel_loop3A_233, %parallel_loop3A_223 : vector<16xf32>
        %parallel_loop3A_235 = arith.constant 1.000000e+00 : f32
        %parallel_loop3A_236 = vector.broadcast %parallel_loop3A_235 : f32 to vector<16xf32>
        %parallel_loop3A_237 = arith.subf %parallel_loop3A_236, %parallel_loop3A_227 : vector<16xf32>
        %parallel_loop3A_238 = arith.constant 1.000000e+00 : f32
        %parallel_loop3A_239 = vector.broadcast %parallel_loop3A_238 : f32 to vector<16xf32>
        %parallel_loop3A_240 = arith.subf %parallel_loop3A_239, %parallel_loop3A_231 : vector<16xf32>
        %parallel_loop3A_241 = arith.mulf %parallel_loop3A_237, %parallel_loop3A_240 : vector<16xf32>
        %parallel_loop3A_242 = arith.mulf %parallel_loop3A_227, %parallel_loop3A_240 : vector<16xf32>
        %parallel_loop3A_243 = arith.mulf %parallel_loop3A_237, %parallel_loop3A_231 : vector<16xf32>
        %parallel_loop3A_244 = arith.mulf %parallel_loop3A_227, %parallel_loop3A_231 : vector<16xf32>
        %parallel_loop3A_245 = arith.constant 0.000000e+00 : f32
        %parallel_loop3A_246 = vector.broadcast %parallel_loop3A_245 : f32 to vector<16xf32>
        %parallel_loop3A_247 = arith.constant 0.000000e+00 : f32
        %parallel_loop3A_248 = vector.broadcast %parallel_loop3A_247 : f32 to vector<16xf32>
        %parallel_loop3A_249 = arith.mulf %parallel_loop3A_234, %parallel_loop3A_241 : vector<16xf32>
        %parallel_loop3A_250 = arith.constant 8192 : i32
        %parallel_loop3A_251 = arith.addi %parallel_loop3A_250, %parallel_loop3A_219 : i32
        %parallel_loop3A_252 = arith.index_cast %parallel_loop3A_251 : i32 to index
        %parallel_loop3A_253 = tpu.vector_load %arg8[%parallel_loop3A_252] {strides = array<i32>} : memref<16384xf32, #tpu.memory_space<vmem>>, vector<16xf32>,
        %parallel_loop3A_254 = arith.constant 8704 : i32
        %parallel_loop3A_255 = arith.addi %parallel_loop3A_254, %parallel_loop3A_219 : i32
        %parallel_loop3A_256 = arith.index_cast %parallel_loop3A_255 : i32 to index
        %parallel_loop3A_257 = tpu.vector_load %arg8[%parallel_loop3A_256] {strides = array<i32>} : memref<16384xf32, #tpu.memory_space<vmem>>, vector<16xf32>,
        %parallel_loop3A_258 = arith.mulf %parallel_loop3A_249, %parallel_loop3A_253 : vector<16xf32>
        %parallel_loop3A_259 = arith.addf %parallel_loop3A_246, %parallel_loop3A_258 : vector<16xf32>
        %parallel_loop3A_260 = arith.mulf %parallel_loop3A_249, %parallel_loop3A_257 : vector<16xf32>
        %parallel_loop3A_261 = arith.addf %parallel_loop3A_248, %parallel_loop3A_260 : vector<16xf32>
        %parallel_loop3A_262 = arith.mulf %parallel_loop3A_223, %parallel_loop3A_241 : vector<16xf32>
        %parallel_loop3A_263 = arith.constant 9216 : i32
        %parallel_loop3A_264 = arith.addi %parallel_loop3A_263, %parallel_loop3A_219 : i32
        %parallel_loop3A_265 = arith.index_cast %parallel_loop3A_264 : i32 to index
        %parallel_loop3A_266 = tpu.vector_load %arg8[%parallel_loop3A_265] {strides = array<i32>} : memref<16384xf32, #tpu.memory_space<vmem>>, vector<16xf32>,
        %parallel_loop3A_267 = arith.constant 9728 : i32
        %parallel_loop3A_268 = arith.addi %parallel_loop3A_267, %parallel_loop3A_219 : i32
        %parallel_loop3A_269 = arith.index_cast %parallel_loop3A_268 : i32 to index
        %parallel_loop3A_270 = tpu.vector_load %arg8[%parallel_loop3A_269] {strides = array<i32>} : memref<16384xf32, #tpu.memory_space<vmem>>, vector<16xf32>,
        %parallel_loop3A_271 = arith.mulf %parallel_loop3A_262, %parallel_loop3A_266 : vector<16xf32>
        %parallel_loop3A_272 = arith.addf %parallel_loop3A_259, %parallel_loop3A_271 : vector<16xf32>
        %parallel_loop3A_273 = arith.mulf %parallel_loop3A_262, %parallel_loop3A_270 : vector<16xf32>
        %parallel_loop3A_274 = arith.addf %parallel_loop3A_261, %parallel_loop3A_273 : vector<16xf32>
        %parallel_loop3A_275 = arith.mulf %parallel_loop3A_234, %parallel_loop3A_242 : vector<16xf32>
        %parallel_loop3A_276 = arith.constant 10240 : i32
        %parallel_loop3A_277 = arith.addi %parallel_loop3A_276, %parallel_loop3A_219 : i32
        %parallel_loop3A_278 = arith.index_cast %parallel_loop3A_277 : i32 to index
        %parallel_loop3A_279 = tpu.vector_load %arg8[%parallel_loop3A_278] {strides = array<i32>} : memref<16384xf32, #tpu.memory_space<vmem>>, vector<16xf32>,
        %parallel_loop3A_280 = arith.constant 10752 : i32
        %parallel_loop3A_281 = arith.addi %parallel_loop3A_280, %parallel_loop3A_219 : i32
        %parallel_loop3A_282 = arith.index_cast %parallel_loop3A_281 : i32 to index
        %parallel_loop3A_283 = tpu.vector_load %arg8[%parallel_loop3A_282] {strides = array<i32>} : memref<16384xf32, #tpu.memory_space<vmem>>, vector<16xf32>,
        %parallel_loop3A_284 = arith.mulf %parallel_loop3A_275, %parallel_loop3A_279 : vector<16xf32>
        %parallel_loop3A_285 = arith.addf %parallel_loop3A_272, %parallel_loop3A_284 : vector<16xf32>
        %parallel_loop3A_286 = arith.mulf %parallel_loop3A_275, %parallel_loop3A_283 : vector<16xf32>
        %parallel_loop3A_287 = arith.addf %parallel_loop3A_274, %parallel_loop3A_286 : vector<16xf32>
        %parallel_loop3A_288 = arith.mulf %parallel_loop3A_223, %parallel_loop3A_242 : vector<16xf32>
        %parallel_loop3A_289 = arith.constant 11264 : i32
        %parallel_loop3A_290 = arith.addi %parallel_loop3A_289, %parallel_loop3A_219 : i32
        %parallel_loop3A_291 = arith.index_cast %parallel_loop3A_290 : i32 to index
        %parallel_loop3A_292 = tpu.vector_load %arg8[%parallel_loop3A_291] {strides = array<i32>} : memref<16384xf32, #tpu.memory_space<vmem>>, vector<16xf32>,
        %parallel_loop3A_293 = arith.constant 11776 : i32
        %parallel_loop3A_294 = arith.addi %parallel_loop3A_293, %parallel_loop3A_219 : i32
        %parallel_loop3A_295 = arith.index_cast %parallel_loop3A_294 : i32 to index
        %parallel_loop3A_296 = tpu.vector_load %arg8[%parallel_loop3A_295] {strides = array<i32>} : memref<16384xf32, #tpu.memory_space<vmem>>, vector<16xf32>,
        %parallel_loop3A_297 = arith.mulf %parallel_loop3A_288, %parallel_loop3A_292 : vector<16xf32>
        %parallel_loop3A_298 = arith.addf %parallel_loop3A_285, %parallel_loop3A_297 : vector<16xf32>
        %parallel_loop3A_299 = arith.mulf %parallel_loop3A_288, %parallel_loop3A_296 : vector<16xf32>
        %parallel_loop3A_300 = arith.addf %parallel_loop3A_287, %parallel_loop3A_299 : vector<16xf32>
        %parallel_loop3A_301 = arith.mulf %parallel_loop3A_234, %parallel_loop3A_243 : vector<16xf32>
        %parallel_loop3A_302 = arith.constant 12288 : i32
        %parallel_loop3A_303 = arith.addi %parallel_loop3A_302, %parallel_loop3A_219 : i32
        %parallel_loop3A_304 = arith.index_cast %parallel_loop3A_303 : i32 to index
        %parallel_loop3A_305 = tpu.vector_load %arg8[%parallel_loop3A_304] {strides = array<i32>} : memref<16384xf32, #tpu.memory_space<vmem>>, vector<16xf32>,
        %parallel_loop3A_306 = arith.constant 12800 : i32
        %parallel_loop3A_307 = arith.addi %parallel_loop3A_306, %parallel_loop3A_219 : i32
        %parallel_loop3A_308 = arith.index_cast %parallel_loop3A_307 : i32 to index
        %parallel_loop3A_309 = tpu.vector_load %arg8[%parallel_loop3A_308] {strides = array<i32>} : memref<16384xf32, #tpu.memory_space<vmem>>, vector<16xf32>,
        %parallel_loop3A_310 = arith.mulf %parallel_loop3A_301, %parallel_loop3A_305 : vector<16xf32>
        %parallel_loop3A_311 = arith.addf %parallel_loop3A_298, %parallel_loop3A_310 : vector<16xf32>
        %parallel_loop3A_312 = arith.mulf %parallel_loop3A_301, %parallel_loop3A_309 : vector<16xf32>
        %parallel_loop3A_313 = arith.addf %parallel_loop3A_300, %parallel_loop3A_312 : vector<16xf32>
        %parallel_loop3A_314 = arith.mulf %parallel_loop3A_223, %parallel_loop3A_243 : vector<16xf32>
        %parallel_loop3A_315 = arith.constant 13312 : i32
        %parallel_loop3A_316 = arith.addi %parallel_loop3A_315, %parallel_loop3A_219 : i32
        %parallel_loop3A_317 = arith.index_cast %parallel_loop3A_316 : i32 to index
        %parallel_loop3A_318 = tpu.vector_load %arg8[%parallel_loop3A_317] {strides = array<i32>} : memref<16384xf32, #tpu.memory_space<vmem>>, vector<16xf32>,
        %parallel_loop3A_319 = arith.constant 13824 : i32
        %parallel_loop3A_320 = arith.addi %parallel_loop3A_319, %parallel_loop3A_219 : i32
        %parallel_loop3A_321 = arith.index_cast %parallel_loop3A_320 : i32 to index
        %parallel_loop3A_322 = tpu.vector_load %arg8[%parallel_loop3A_321] {strides = array<i32>} : memref<16384xf32, #tpu.memory_space<vmem>>, vector<16xf32>,
        %parallel_loop3A_323 = arith.mulf %parallel_loop3A_314, %parallel_loop3A_318 : vector<16xf32>
        %parallel_loop3A_324 = arith.addf %parallel_loop3A_311, %parallel_loop3A_323 : vector<16xf32>
        %parallel_loop3A_325 = arith.mulf %parallel_loop3A_314, %parallel_loop3A_322 : vector<16xf32>
        %parallel_loop3A_326 = arith.addf %parallel_loop3A_313, %parallel_loop3A_325 : vector<16xf32>
        %parallel_loop3A_327 = arith.mulf %parallel_loop3A_234, %parallel_loop3A_244 : vector<16xf32>
        %parallel_loop3A_328 = arith.constant 14336 : i32
        %parallel_loop3A_329 = arith.addi %parallel_loop3A_328, %parallel_loop3A_219 : i32
        %parallel_loop3A_330 = arith.index_cast %parallel_loop3A_329 : i32 to index
        %parallel_loop3A_331 = tpu.vector_load %arg8[%parallel_loop3A_330] {strides = array<i32>} : memref<16384xf32, #tpu.memory_space<vmem>>, vector<16xf32>,
        %parallel_loop3A_332 = arith.constant 14848 : i32
        %parallel_loop3A_333 = arith.addi %parallel_loop3A_332, %parallel_loop3A_219 : i32
        %parallel_loop3A_334 = arith.index_cast %parallel_loop3A_333 : i32 to index
        %parallel_loop3A_335 = tpu.vector_load %arg8[%parallel_loop3A_334] {strides = array<i32>} : memref<16384xf32, #tpu.memory_space<vmem>>, vector<16xf32>,
        %parallel_loop3A_336 = arith.mulf %parallel_loop3A_327, %parallel_loop3A_331 : vector<16xf32>
        %parallel_loop3A_337 = arith.addf %parallel_loop3A_324, %parallel_loop3A_336 : vector<16xf32>
        %parallel_loop3A_338 = arith.mulf %parallel_loop3A_327, %parallel_loop3A_335 : vector<16xf32>
        %parallel_loop3A_339 = arith.addf %parallel_loop3A_326, %parallel_loop3A_338 : vector<16xf32>
        %parallel_loop3A_340 = arith.mulf %parallel_loop3A_223, %parallel_loop3A_244 : vector<16xf32>
        %parallel_loop3A_341 = arith.constant 15360 : i32
        %parallel_loop3A_342 = arith.addi %parallel_loop3A_341, %parallel_loop3A_219 : i32
        %parallel_loop3A_343 = arith.index_cast %parallel_loop3A_342 : i32 to index
        %parallel_loop3A_344 = tpu.vector_load %arg8[%parallel_loop3A_343] {strides = array<i32>} : memref<16384xf32, #tpu.memory_space<vmem>>, vector<16xf32>,
        %parallel_loop3A_345 = arith.constant 15872 : i32
        %parallel_loop3A_346 = arith.addi %parallel_loop3A_345, %parallel_loop3A_219 : i32
        %parallel_loop3A_347 = arith.index_cast %parallel_loop3A_346 : i32 to index
        %parallel_loop3A_348 = tpu.vector_load %arg8[%parallel_loop3A_347] {strides = array<i32>} : memref<16384xf32, #tpu.memory_space<vmem>>, vector<16xf32>,
        %parallel_loop3A_349 = arith.mulf %parallel_loop3A_340, %parallel_loop3A_344 : vector<16xf32>
        %parallel_loop3A_350 = arith.addf %parallel_loop3A_337, %parallel_loop3A_349 : vector<16xf32>
        %parallel_loop3A_351 = arith.mulf %parallel_loop3A_340, %parallel_loop3A_348 : vector<16xf32>
        %parallel_loop3A_352 = arith.addf %parallel_loop3A_339, %parallel_loop3A_351 : vector<16xf32>
        %parallel_loop3A_353 = arith.constant 1024 : i32
        %parallel_loop3A_354 = arith.addi %parallel_loop3A_353, %parallel_loop3A_219 : i32
        %parallel_loop3A_355 = arith.index_cast %parallel_loop3A_354 : i32 to index
        %parallel_loop3A_356 = tpu.vector_load %arg10[%parallel_loop3A_355] {strides = array<i32>} : memref<2048xf32, #tpu.memory_space<vmem>>, vector<16xf32>,
        tpu.vector_store %arg10[%parallel_loop3A_355], %parallel_loop3A_350 {strides = array<i32>} : memref<2048xf32, #tpu.memory_space<vmem>>, vector<16xf32>,
        %parallel_loop3A_357 = arith.constant 1536 : i32
        %parallel_loop3A_358 = arith.addi %parallel_loop3A_357, %parallel_loop3A_219 : i32
        %parallel_loop3A_359 = arith.index_cast %parallel_loop3A_358 : i32 to index
        %parallel_loop3A_360 = tpu.vector_load %arg10[%parallel_loop3A_359] {strides = array<i32>} : memref<2048xf32, #tpu.memory_space<vmem>>, vector<16xf32>,
        tpu.vector_store %arg10[%parallel_loop3A_359], %parallel_loop3A_352 {strides = array<i32>} : memref<2048xf32, #tpu.memory_space<vmem>>, vector<16xf32>,
      } {sc.loop_unroll_factor = 4 : i64, sc.parallel_access}
      %mul3A_127 = arith.constant 32768 : i32
      %mul3A_128 = arith.muli %add3A, %mul3A_127 : i32
      %add3A_129 = arith.constant 32256 : i32
      %add3A_130 = arith.addi %mul3A_128, %add3A_129 : i32
      %mul3A_131 = arith.constant 2 : i32
      %mul3A_132 = arith.muli %mul3A_131, %scan3A_6 : i32
      %add3A_133 = arith.constant 0 : i32
      %add3A_134 = arith.addi %mul3A_132, %add3A_133 : i32
      %mul3A_135 = arith.constant 1048576 : i32
      %mul3A_136 = arith.muli %add3A_134, %mul3A_135 : i32
      %add3A_137 = arith.addi %mul3A_136, %add3A_130 : i32
      %mul3A_138 = arith.constant 2 : i32
      %mul3A_139 = arith.muli %mul3A_138, %scan3A_6 : i32
      %add3A_140 = arith.constant 1 : i32
      %add3A_141 = arith.addi %mul3A_139, %add3A_140 : i32
      %mul3A_142 = arith.constant 1048576 : i32
      %mul3A_143 = arith.muli %add3A_141, %mul3A_142 : i32
      %add3A_144 = arith.addi %mul3A_143, %add3A_130 : i32
      %dma_start3A_145 = arith.constant 1024 : i32
      %dma_start3A_146 = tpu.memref_slice %arg10[%dma_start3A_145] : memref<2048xf32, #tpu.memory_space<vmem>> -> memref<512xf32, #tpu.memory_space<vmem>>
      %dma_start3A_147 = tpu.memref_slice %arg5[%add3A_137] : memref<33554432xf32, #tpu.memory_space<hbm>> -> memref<512xf32, #tpu.memory_space<hbm>>
      %dma_start3A_148 = tpu.memref_slice %arg5[%add3A_137] : memref<33554432xf32, #tpu.memory_space<hbm>> -> memref<512xf32, #tpu.memory_space<hbm>>
      %dma_start3A_149 = arith.constant 1024 : i32
      %dma_start3A_150 = tpu.memref_slice %arg10[%dma_start3A_149] : memref<2048xf32, #tpu.memory_space<vmem>> -> memref<512xf32, #tpu.memory_space<vmem>>
      tpu.enqueue_dma source(%dma_start3A_150 : memref<512xf32, #tpu.memory_space<vmem>>) target(%dma_start3A_148 : memref<512xf32, #tpu.memory_space<hbm>>) target_semaphore(%arg18 : memref<!tpu.dma_semaphore, #tpu.memory_space<semaphore_mem>>)
      %dma_start3A_151 = arith.constant 1536 : i32
      %dma_start3A_152 = tpu.memref_slice %arg10[%dma_start3A_151] : memref<2048xf32, #tpu.memory_space<vmem>> -> memref<512xf32, #tpu.memory_space<vmem>>
      %dma_start3A_153 = tpu.memref_slice %arg5[%add3A_144] : memref<33554432xf32, #tpu.memory_space<hbm>> -> memref<512xf32, #tpu.memory_space<hbm>>
      %dma_start3A_154 = tpu.memref_slice %arg5[%add3A_144] : memref<33554432xf32, #tpu.memory_space<hbm>> -> memref<512xf32, #tpu.memory_space<hbm>>
      %dma_start3A_155 = arith.constant 1536 : i32
      %dma_start3A_156 = tpu.memref_slice %arg10[%dma_start3A_155] : memref<2048xf32, #tpu.memory_space<vmem>> -> memref<512xf32, #tpu.memory_space<vmem>>
      tpu.enqueue_dma source(%dma_start3A_156 : memref<512xf32, #tpu.memory_space<vmem>>) target(%dma_start3A_154 : memref<512xf32, #tpu.memory_space<hbm>>) target_semaphore(%arg18 : memref<!tpu.dma_semaphore, #tpu.memory_space<semaphore_mem>>)
      %mul3A_157 = arith.constant 32768 : i32
      %mul3A_158 = arith.muli %add3A, %mul3A_157 : i32
      %add3A_159 = arith.constant 31744 : i32
      %add3A_160 = arith.addi %mul3A_158, %add3A_159 : i32
      %mul3A_161 = arith.constant 2 : i32
      %mul3A_162 = arith.muli %mul3A_161, %scan3A_6 : i32
      %add3A_163 = arith.constant 0 : i32
      %add3A_164 = arith.addi %mul3A_162, %add3A_163 : i32
      %mul3A_165 = arith.constant 1048576 : i32
      %mul3A_166 = arith.muli %add3A_164, %mul3A_165 : i32
      %add3A_167 = arith.addi %mul3A_166, %add3A_160 : i32
      %mul3A_168 = arith.constant 2 : i32
      %mul3A_169 = arith.muli %mul3A_168, %scan3A_6 : i32
      %add3A_170 = arith.constant 1 : i32
      %add3A_171 = arith.addi %mul3A_169, %add3A_170 : i32
      %mul3A_172 = arith.constant 1048576 : i32
      %mul3A_173 = arith.muli %add3A_171, %mul3A_172 : i32
      %add3A_174 = arith.addi %mul3A_173, %add3A_160 : i32
      %dma_wait3A_175 = arith.constant 0 : i32
      %dma_wait3A_176 = tpu.memref_slice %arg10[%dma_wait3A_175] : memref<2048xf32, #tpu.memory_space<vmem>> -> memref<512xf32, #tpu.memory_space<vmem>>
      %dma_wait3A_177 = tpu.memref_slice %arg5[%add3A_167] : memref<33554432xf32, #tpu.memory_space<hbm>> -> memref<512xf32, #tpu.memory_space<hbm>>
      %dma_wait3A_178 = tpu.memref_slice %arg5[%add3A_167] : memref<33554432xf32, #tpu.memory_space<hbm>> -> memref<512xf32, #tpu.memory_space<hbm>>
      %dma_wait3A_179 = arith.constant 0 : i32
      %dma_wait3A_180 = tpu.memref_slice %arg10[%dma_wait3A_179] : memref<2048xf32, #tpu.memory_space<vmem>> -> memref<512xf32, #tpu.memory_space<vmem>>
      tpu.wait_dma2 semaphore(%arg17 : memref<!tpu.dma_semaphore, #tpu.memory_space<semaphore_mem>>) src(%dma_wait3A_180 : memref<512xf32, #tpu.memory_space<vmem>>) dst(%dma_wait3A_178 : memref<512xf32, #tpu.memory_space<hbm>>)
      %dma_wait3A_181 = arith.constant 512 : i32
      %dma_wait3A_182 = tpu.memref_slice %arg10[%dma_wait3A_181] : memref<2048xf32, #tpu.memory_space<vmem>> -> memref<512xf32, #tpu.memory_space<vmem>>
      %dma_wait3A_183 = tpu.memref_slice %arg5[%add3A_174] : memref<33554432xf32, #tpu.memory_space<hbm>> -> memref<512xf32, #tpu.memory_space<hbm>>
      %dma_wait3A_184 = tpu.memref_slice %arg5[%add3A_174] : memref<33554432xf32, #tpu.memory_space<hbm>> -> memref<512xf32, #tpu.memory_space<hbm>>
      %dma_wait3A_185 = arith.constant 512 : i32
      %dma_wait3A_186 = tpu.memref_slice %arg10[%dma_wait3A_185] : memref<2048xf32, #tpu.memory_space<vmem>> -> memref<512xf32, #tpu.memory_space<vmem>>
      tpu.wait_dma2 semaphore(%arg17 : memref<!tpu.dma_semaphore, #tpu.memory_space<semaphore_mem>>) src(%dma_wait3A_186 : memref<512xf32, #tpu.memory_space<vmem>>) dst(%dma_wait3A_184 : memref<512xf32, #tpu.memory_space<hbm>>)
      %mul3A_187 = arith.constant 32768 : i32
      %mul3A_188 = arith.muli %add3A, %mul3A_187 : i32
      %add3A_189 = arith.constant 32256 : i32
      %add3A_190 = arith.addi %mul3A_188, %add3A_189 : i32
      %mul3A_191 = arith.constant 2 : i32
      %mul3A_192 = arith.muli %mul3A_191, %scan3A_6 : i32
      %add3A_193 = arith.constant 0 : i32
      %add3A_194 = arith.addi %mul3A_192, %add3A_193 : i32
      %mul3A_195 = arith.constant 1048576 : i32
      %mul3A_196 = arith.muli %add3A_194, %mul3A_195 : i32
      %add3A_197 = arith.addi %mul3A_196, %add3A_190 : i32
      %mul3A_198 = arith.constant 2 : i32
      %mul3A_199 = arith.muli %mul3A_198, %scan3A_6 : i32
      %add3A_200 = arith.constant 1 : i32
      %add3A_201 = arith.addi %mul3A_199, %add3A_200 : i32
      %mul3A_202 = arith.constant 1048576 : i32
      %mul3A_203 = arith.muli %add3A_201, %mul3A_202 : i32
      %add3A_204 = arith.addi %mul3A_203, %add3A_190 : i32
      %dma_wait3A_205 = arith.constant 1024 : i32
      %dma_wait3A_206 = tpu.memref_slice %arg10[%dma_wait3A_205] : memref<2048xf32, #tpu.memory_space<vmem>> -> memref<512xf32, #tpu.memory_space<vmem>>
      %dma_wait3A_207 = tpu.memref_slice %arg5[%add3A_197] : memref<33554432xf32, #tpu.memory_space<hbm>> -> memref<512xf32, #tpu.memory_space<hbm>>
      %dma_wait3A_208 = tpu.memref_slice %arg5[%add3A_197] : memref<33554432xf32, #tpu.memory_space<hbm>> -> memref<512xf32, #tpu.memory_space<hbm>>
      %dma_wait3A_209 = arith.constant 1024 : i32
      %dma_wait3A_210 = tpu.memref_slice %arg10[%dma_wait3A_209] : memref<2048xf32, #tpu.memory_space<vmem>> -> memref<512xf32, #tpu.memory_space<vmem>>
      tpu.wait_dma2 semaphore(%arg18 : memref<!tpu.dma_semaphore, #tpu.memory_space<semaphore_mem>>) src(%dma_wait3A_210 : memref<512xf32, #tpu.memory_space<vmem>>) dst(%dma_wait3A_208 : memref<512xf32, #tpu.memory_space<hbm>>)
      %dma_wait3A_211 = arith.constant 1536 : i32
      %dma_wait3A_212 = tpu.memref_slice %arg10[%dma_wait3A_211] : memref<2048xf32, #tpu.memory_space<vmem>> -> memref<512xf32, #tpu.memory_space<vmem>>
      %dma_wait3A_213 = tpu.memref_slice %arg5[%add3A_204] : memref<33554432xf32, #tpu.memory_space<hbm>> -> memref<512xf32, #tpu.memory_space<hbm>>
      %dma_wait3A_214 = tpu.memref_slice %arg5[%add3A_204] : memref<33554432xf32, #tpu.memory_space<hbm>> -> memref<512xf32, #tpu.memory_space<hbm>>
      %dma_wait3A_215 = arith.constant 1536 : i32
      %dma_wait3A_216 = tpu.memref_slice %arg10[%dma_wait3A_215] : memref<2048xf32, #tpu.memory_space<vmem>> -> memref<512xf32, #tpu.memory_space<vmem>>
      tpu.wait_dma2 semaphore(%arg18 : memref<!tpu.dma_semaphore, #tpu.memory_space<semaphore_mem>>) src(%dma_wait3A_216 : memref<512xf32, #tpu.memory_space<vmem>>) dst(%dma_wait3A_214 : memref<512xf32, #tpu.memory_space<hbm>>)
    }
    %scan3A_5 = arith.constant 16 : i32
    return
  }
}

module attributes {stable_mosaic.version = 14 : i64} {
  func.func @_mlp_body(%arg0: i32, %arg1: memref<32x8192xf32, #tpu.memory_space<vmem>>, %arg2: memref<32x128xf32, #tpu.memory_space<vmem>>, %arg3: memref<128x3xf32, #tpu.memory_space<vmem>>, %arg4: memref<8192x3xf32, #tpu.memory_space<vmem>>) attributes {dimension_semantics = [#tpu.dimension_semantics<arbitrary>], iteration_bounds = array<i64: 128>, scalar_prefetch = 0 : i64, scratch_operands = 0 : i64, tpu.core_type = #tpu.core_type<tc>, window_params = [{transform_indices = @transform_0, window_bounds = array<i64: 32, 8192>}, {pipeline_mode = #tpu.pipeline_mode<synchronous>, transform_indices = @transform_1, window_bounds = array<i64: 32, 128>}, {pipeline_mode = #tpu.pipeline_mode<synchronous>, transform_indices = @transform_2, window_bounds = array<i64: 128, 3>}, {transform_indices = @transform_3, window_bounds = array<i64: 8192, 3>}]} {
    %get3A = arith.constant 0 : index
    %get3A_0 = arith.constant 0 : index
    %get3A_1 = vector.load %arg1[%get3A, %get3A_0] : memref<32x8192xf32, #tpu.memory_space<vmem>>, vector<32x8192xf32>
    %get3A_2 = arith.constant 0 : index
    %get3A_3 = arith.constant 0 : index
    %get3A_4 = vector.load %arg2[%get3A_2, %get3A_3] : memref<32x128xf32, #tpu.memory_space<vmem>>, vector<32x128xf32>
    %dot_general3A = arith.constant dense<0.000000e+00> : vector<8192x128xf32>
    %dot_general3A_5 = tpu.matmul %get3A_1, %get3A_4, %dot_general3A {dimension_numbers = #tpu.dot_dimension_numbers<[0], [0], [1], [1], [0, 1, 1, 1], [], []>, transpose_lhs_hint = false} : vector<32x8192xf32>, vector<32x128xf32>, vector<8192x128xf32> -> vector<8192x128xf32>
    %max3A = arith.constant 0.000000e+00 : f32
    %max3A_6 = vector.broadcast %max3A : f32 to vector<8192x128xf32>
    %max3A_7 = arith.maximumf %dot_general3A_5, %max3A_6 : vector<8192x128xf32>
    %get3A_8 = arith.constant 0 : index
    %get3A_9 = arith.constant 0 : index
    %get3A_10 = vector.load %arg3[%get3A_8, %get3A_9] : memref<128x3xf32, #tpu.memory_space<vmem>>, vector<128x3xf32>
    %dot_general3A_11 = arith.constant dense<0.000000e+00> : vector<8192x3xf32>
    %dot_general3A_12 = tpu.matmul %max3A_7, %get3A_10, %dot_general3A_11 {dimension_numbers = #tpu.dot_dimension_numbers<[1], [0], [0], [1], [0, 0, 1, 1], [], []>, transpose_lhs_hint = false} : vector<8192x128xf32>, vector<128x3xf32>, vector<8192x3xf32> -> vector<8192x3xf32>
    %logistic3A = arith.negf %dot_general3A_12 : vector<8192x3xf32>
    %logistic3A_13 = math.exp %logistic3A : vector<8192x3xf32>
    %logistic3A_14 = arith.constant 1.000000e+00 : f32
    %logistic3A_15 = vector.broadcast %logistic3A_14 : f32 to vector<8192x3xf32>
    %logistic3A_16 = arith.addf %logistic3A_15, %logistic3A_13 : vector<8192x3xf32>
    %logistic3A_17 = arith.divf %logistic3A_15, %logistic3A_16 : vector<8192x3xf32>
    %mul3A = arith.constant 2.000000e+00 : f32
    %mul3A_18 = vector.broadcast %mul3A : f32 to vector<8192x3xf32>
    %mul3A_19 = arith.mulf %logistic3A_17, %mul3A_18 : vector<8192x3xf32>
    %sub3A = arith.constant 1.000000e+00 : f32
    %sub3A_20 = vector.broadcast %sub3A : f32 to vector<8192x3xf32>
    %sub3A_21 = arith.subf %mul3A_19, %sub3A_20 : vector<8192x3xf32>
    %swap3A = arith.constant 0 : index
    %swap3A_22 = arith.constant 0 : index
    %swap3A_23 = vector.load %arg4[%swap3A, %swap3A_22] : memref<8192x3xf32, #tpu.memory_space<vmem>>, vector<8192x3xf32>
    tpu.vector_store %arg4[%swap3A, %swap3A_22], %sub3A_21 {strides = array<i32>} : memref<8192x3xf32, #tpu.memory_space<vmem>>, vector<8192x3xf32>,
    return
  }
  func.func @transform_0(%arg0: i32) -> (i32, i32) {
    %c0_i32 = arith.constant 0 : i32
    %c0_i32_0 = arith.constant 0 : i32
    return %c0_i32, %arg0 : i32, i32
  }
  func.func @transform_1(%arg0: i32) -> (i32, i32) {
    %c0_i32 = arith.constant 0 : i32
    %c0_i32_0 = arith.constant 0 : i32
    %c0_i32_1 = arith.constant 0 : i32
    return %c0_i32, %c0_i32_0 : i32, i32
  }
  func.func @transform_2(%arg0: i32) -> (i32, i32) {
    %c0_i32 = arith.constant 0 : i32
    %c0_i32_0 = arith.constant 0 : i32
    %c0_i32_1 = arith.constant 0 : i32
    return %c0_i32, %c0_i32_0 : i32, i32
  }
  func.func @transform_3(%arg0: i32) -> (i32, i32) {
    %c0_i32 = arith.constant 0 : i32
    %c0_i32_0 = arith.constant 0 : i32
    return %arg0, %c0_i32 : i32, i32
  }
}

</mosaic_0001>

<sc_bundles>
// kernel: kernel.4.cloned.1.call-start
scs
__scs_entry_jumppad:
0x0: {  	(pc) =	sbr.rel $0x88, $3  }
0x1: {  	(tag) =	ssettag $0x0;
	lr =	simm.s32 $0x1  }
0x2: {  	[smem:$0x3F9D] =	sst lr;
	_ =	strace $0xD0000000  }
0x3: {  	_ = 	snop  }
0x4: {  	_ = 	snop  }
0x5: {  	_ = 	snop  }
0x6: {  	_ = 	snop  }
0x7: {  	_ = 	snop  }
__scs_overlays_trampoline_lowered:
0x8: {  	[smem:$0x3FAC] =	sst s0  }
0x9: {  	[smem:$0x3FAD] =	sst s1  }
0xa: {  	[smem:$0x3FAE] =	sst s2  }
0xb: {  	[smem:$0x3FAF] =	sst s3  }
0xc: {  	[smem:$0x3FB0] =	sst s4  }
0xd: {  	[smem:$0x3FB1] =	sst s5  }
0xe: {  	[smem:$0x3FB2] =	sst s6  }
0xf: {  	[smem:$0x3FB3] =	sst s7  }
0x10: {  	[smem:$0x3FB4] =	sst s8  }
0x11: {  	[smem:$0x3FB5] =	sst s9;
	s0 =	simm.s32 @!p0 $0x0  }
0x12: {  	s1 =	sld [smem:$0x3F9B];
	s0 =	simm.s32 @p0 $0x1  }
0x13: {  	[smem:$0x3FB6] =	sst s0;
	s0 =	simm.s32 @!p1 $0x0  }
0x14: {  	s2 =	sld [smem:$0x3F9A];
	s0 =	simm.s32 @p1 $0x1  }
0x15: {  	[smem:$0x3FB7] =	sst s0;
	s0 =	simm.s32 @!p2 $0x0  }
0x16: {  	s3 =	sld [smem:$0x3FDB];
	s0 =	simm.s32 @p2 $0x1  }
0x17: {  	s4 =	simm.s32 $0x1BF5;
	[smem:$0x3FB9] =	sst s0  }
0x18: {  	s0 =	sld [smem:$0x3F9C];
	_ =	swait.ge [sflag:s4], $0x0  }
0x19: {  	s7 =	sld [smem:$0x3F9D]  }
0x1a: {  	s8 =	sadd.s32 $0xFFFFE003, lr  }
0x1b: {  	s9 =	sadd.s32 $0xFFFFFEF7, lr;
	s5 =	simm.s32 $0xFFFFFFFF;
	p2 =	slt.u32 s8, $0xFFFFF086  }
0x1c: {  	p1 =	slt.u32 s9, $0xF7A;
	s5 =	simm.s32 @!p2 $0x0  }
0x1d: {  	s5 =	simm.s32 @p1 $0x1;
	p0 =	seq.s32 s7, s2  }
0x1e: {  	s7 =	smul.u32 @!p0 $0xF7A, s2;
	p2 =	seq.s32 @!p0 s5, $0x0  }
0x1f: {  	s9 =	smul.u32 $0xF7A, s1;
	s8 =	simm.s32 @!p0 $0x1BF5;
	p2 =	por !p2, p0  }
0x20: {  	[sflag:s8] =	ssyncset.s32 @!p0 $0xFFFFF086;
	s6 =	sadd.s32 @!p0 s3, s7;
	s7 =	simm.s32 @!p0 $0x108  }
0x21: {  	s3 =	sadd.s32 s3, s9;
	s6 =	sadd.s32 @!p0 $0x88, s6;
	s7 =	simm.s32 @p2 $0x1082  }
0x22: {  	[simem:s7], [sflag:s8] =	dma.local @!p0 [hbm:s6], $0xF7A  }
0x23: {  	s9 =	sor.u32 $0xD0000000, s2;
	s6 =	simm.s32 $0x108;
	_ =	swait.ge @!p0 [sflag:s8], $0x0  }
0x24: {  	s3 =	sadd.s32 $0x88, s3;
	s6 =	simm.s32 @!p1 $0x1082;
	[sflag:s4] =	ssyncset.s32 $0xFFFFF086  }
0x25: {  	[simem:s6], [sflag:s4] =	dma.local [hbm:s3], $0xF7A  }
0x26: {  	[smem:$0x3F9D] =	sst s1;
	(tag) =	ssettag s2;
	_ =	strace s9  }
0x27: {  	s1 =	sld [smem:$0x3FAD]  }
0x28: {  	s2 =	sld [smem:$0x3FAE]  }
0x29: {  	s4 =	sld [smem:$0x3FB0]  }
0x2a: {  	p0 =	seq.s32 s5, $0x0;
	s5 =	sld [smem:$0x3FB1]  }
0x2b: {  	s6 =	sld [smem:$0x3FB2]  }
0x2c: {  	s7 =	sld [smem:$0x3FB3]  }
0x2d: {  	s3 =	simm.s32 $0x108;
	s8 =	sld [smem:$0x3FB4]  }
0x2e: {  	s3 =	simm.s32 @!p0 $0x1082;
	s9 =	sld [smem:$0x3FB5]  }
0x2f: {  	lr =	sadd.s32 s0, s3;
	s0 =	sld [smem:$0x3FAC]  }
0x30: {  	s3 =	sld [smem:$0x3FAF]  }
0x31: {  	[smem:$0x3FB8] =	sst s10  }
0x32: {  	s10 =	sld [smem:$0x3FB6];
	_ =	sdelay $0x3  }
0x33: {  	p0 =	seq.s32 s10, $0x1;
	s10 =	sld [smem:$0x3FB8];
	_ =	sdelay $0x3  }
0x34: {  	[smem:$0x3FB8] =	sst s10  }
0x35: {  	s10 =	sld [smem:$0x3FB7];
	_ =	sdelay $0x3  }
0x36: {  	p1 =	seq.s32 s10, $0x1;
	s10 =	sld [smem:$0x3FB8];
	_ =	sdelay $0x3  }
0x37: {  	[smem:$0x3FB8] =	sst s10  }
0x38: {  	s10 =	sld [smem:$0x3FB9]  }
0x39: {  	_ = 	snop;
	(pc) =	sbr.ind lr, $3  }
0x3a: {  	_ = 	snop  }
0x3b: {  	_ = 	snop  }
0x3c: {  	p2 =	seq.s32 s10, $0x1;
	s10 =	sld [smem:$0x3FB8]  }
0x3d: {  	_ =	shalt  }
0x3e: {  	_ =	shalt  }
0x3f: {  	_ =	shalt  }
0x40: {  	_ =	shalt  }
0x41: {  	_ =	shalt  }
0x42: {  	_ =	shalt  }
0x43: {  	_ =	shalt  }
0x44: {  	_ =	shalt  }
0x45: {  	_ =	shalt  }
0x46: {  	_ =	shalt  }
0x47: {  	_ =	shalt  }
0x48: {  	_ =	shalt  }
0x49: {  	_ =	shalt  }
0x4a: {  	_ =	shalt  }
0x4b: {  	_ =	shalt  }
0x4c: {  	_ =	shalt  }
0x4d: {  	_ =	shalt  }
0x4e: {  	_ =	shalt  }
0x4f: {  	_ =	shalt  }
0x50: {  	_ =	shalt  }
0x51: {  	_ =	shalt  }
0x52: {  	_ =	shalt  }
0x53: {  	_ =	shalt  }
0x54: {  	_ =	shalt  }
0x55: {  	_ =	shalt  }
0x56: {  	_ =	shalt  }
0x57: {  	_ =	shalt  }
0x58: {  	_ =	shalt  }
0x59: {  	_ =	shalt  }
0x5a: {  	_ =	shalt  }
0x5b: {  	_ =	shalt  }
0x5c: {  	_ =	shalt  }
0x5d: {  	_ =	shalt  }
0x5e: {  	_ =	shalt  }
0x5f: {  	_ =	shalt  }
0x60: {  	_ =	shalt  }
0x61: {  	_ =	shalt  }
0x62: {  	_ =	shalt  }
0x63: {  	_ =	shalt  }
0x64: {  	_ =	shalt  }
0x65: {  	_ =	shalt  }
0x66: {  	_ =	shalt  }
0x67: {  	_ =	shalt  }
0x68: {  	_ =	shalt  }
0x69: {  	_ =	shalt  }
0x6a: {  	_ =	shalt  }
0x6b: {  	_ =	shalt  }
0x6c: {  	_ =	shalt  }
0x6d: {  	_ =	shalt  }
0x6e: {  	_ =	shalt  }
0x6f: {  	_ =	shalt  }
0x70: {  	_ =	shalt  }
0x71: {  	_ =	shalt  }
0x72: {  	_ =	shalt  }
0x73: {  	_ =	shalt  }
0x74: {  	_ =	shalt  }
0x75: {  	_ =	shalt  }
0x76: {  	_ =	shalt  }
0x77: {  	_ =	shalt  }
0x78: {  	_ =	shalt  }
0x79: {  	_ =	shalt  }
0x7a: {  	_ =	shalt  }
0x7b: {  	_ =	shalt  }
0x7c: {  	_ =	shalt  }
0x7d: {  	_ =	shalt  }
0x7e: {  	_ =	shalt  }
0x7f: {  	_ =	shalt  }
0x80: {  	_ =	shalt  }
0x81: {  	_ =	shalt  }
0x82: {  	_ =	shalt  }
0x83: {  	_ =	shalt  }
0x84: {  	_ =	shalt  }
0x85: {  	_ =	shalt  }
0x86: {  	_ =	shalt  }
0x87: {  	_ =	shalt  }
.Lfunc_end0:
.L_simem_size_0:
called_computation_lowered:
.L_overlay_start_0:
0x88: {  	s2 =	sld [smem:$0x3FD9]  }
0x89: {  	s3 =	sld [smem:$0x3FFE];
	_ =	sdelay $0x1  }
0x8a: {  	s1 =	srdreg.scid  }
0x8b: {  	s0 =	sand.u32 $0x1, s1  }
0x8c: {  	s17 =	sshll.u32 s0, $0xA;
	s2 =	sadd.s32 s3, s2  }
0x8d: {  	s2 =	sadd.s32 s2, s17  }
0x8e: {  	[smem:$0x3FC4] =	sst s2  }
0x8f: {  	_ = 	snop  }
0x90: {  	s2 =	sld [smem:$0x3FC8]  }
0x91: {  	s18 =	sld [smem:$0x3FD0];
	(tm) =	ssettm $0x1  }
0x92: {  	s4 =	sld [smem:$0x3FFB];
	_ =	sdelay $0x3  }
0x93: {  	_ =	strace s4  }
0x94: {  	s4 =	sld [smem:$0x3FFC];
	_ =	sdelay $0x3  }
0x95: {  	_ =	strace s4  }
0x96: {  	s4 =	sld [smem:$0x3FFD];
	_ =	sdelay $0x3  }
0x97: {  	_ =	strace s4  }
0x98: {  	_ =	strace $0x8FFFFFFF  }
0x99: {  	s19 =	sld [smem:$0x3FDB];
	_ =	sdelay $0x1  }
0x9a: {  	s5 =	simm.s32 $_scs_section_size  }
0x9b: {  	s6 =	simm.s32 $_size__tile_overlayer_lowered;
	s7 =	simm.s32 $_tile_overlayer_lowered  }
0x9c: {  	s22 =	simm.s32 $0x1BFF;
	s21 =	sshll.u32 s7, $0x1;
	s4 =	sadd.s32 s5, s19  }
0x9d: {  	s8 =	simm.s32 $0x0;
	s20 =	sshll.u32 s6, $0x1;
	s6 =	sadd.s32 s21, s4  }
0x9e: {  	[timem:s8], [sflag:s22] =	dma.local [hbm:s6], s20  }
0x9f: {  	_ =	swait.ge [sflag:s22], s20  }
0xa0: {  	s5 =	ssub.s32 $0x0, s20;
	[sflag:s22] =	ssyncset.done $0x0  }
0xa1: {  	[sflag:s22] =	ssyncadd.s32 s5;
	_ =	sdelay $0x1  }
0xa2: {  	s23 =	simm.s32 $0x1B8B  }
0xa3: {  	_ =	swait.ge [sflag:s23], $0x1  }
0xa4: {  	[sflag:s23] =	ssyncset.done $0x0  }
0xa5: {  	s25 =	simm.s32 $0x1B8E;
	s24 =	sld [smem:$0x3FFE];
	[sflag:s23] =	ssyncadd.s32 $0xFFFFFFFF  }
0xa6: {  	s26 =	simm.s32 $execute0_lowered;
	[smem:$0x3FD2] =	sst s25  }
0xa7: {  	s6 =	sshll.u32 s26, $0x1;
	_ =	strace $0x80000046;
	[dreg:$0x1] =	wrdreg $0xFFFFFFFF  }
0xa8: {  	s28 =	simm.s32 $_size_execute0_lowered;
	s4 =	sadd.s32 s4, s6;
	[dreg:$0x0] =	wrdreg $0x0  }
0xa9: {  	s6 =	sshll.u32 s28, $0x1;
	[dreg:$0x2] =	wrdreg s4  }
0xaa: {  	[dreg:$0x3] =	wrdreg s6  }
0xab: {  	[dreg:$0x4] =	wrdreg $0xC0  }
0xac: {  	_ =	task [dreg:s8], $0x5FFFF  }
0xad: {  	[dreg:$0x1] =	wrdreg $0xFFFFFFFF  }
0xae: {  	[dreg:$0x0] =	wrdreg $0x60  }
0xaf: {  	[dreg:$0x2] =	wrdreg s18  }
0xb0: {  	[dreg:$0x3] =	wrdreg s2  }
0xb1: {  	[dreg:$0x4] =	wrdreg s24  }
0xb2: {  	[dreg:$0x5] =	wrdreg $0xA0800  }
0xb3: {  	[dreg:$0x6] =	wrdreg $0x9  }
0xb4: {  	_ =	task.clear_ibuf [dreg:s8], $0x7FFFF;
	_ =	strace $0x90000046  }
0xb5: {  	s29 =	simm.s32 $0x9;
	_ =	strace $0x80000048  }
0xb6: {  	_ =	swait.ge [sflag:s29], $0x1  }
0xb7: {  	[sflag:s29] =	ssyncadd.s32 $0xFFFFFFFF  }
0xb8: {  	_ =	strace $0x90000048  }
0xb9: {  	_ =	sfence  }
0xba: {  	s30 =	sld [smem:$0x0];
	_ =	sdelay $0x2  }
0xbb: {  	s31 =	sshll.u32 s1, $0xD;
	s1 =	sshrl.u32 s1, $0x2  }
0xbc: {  	s3 =	sand.u32 $0x4000, s31;
	s1 =	sadd.s32 s1, s30  }
0xbd: {  	s0 =	sor.u32 s3, s0;
	s1 =	sshll.u32 s1, $0x11  }
0xbe: {  	s0 =	sor.u32 s1, s0  }
0xbf: {  	s0 =	sadd.s32 $0x8F2B, s0  }
0xc0: {  	[sflag:s0] =	ssyncadd.remote.s32 $0x1  }
0xc1: {  	_ =	sfence.sel $0xFFFF  }
0xc2: {  	[dreg:$0x0] =	wrdreg $0xFFFFFFFF;
	(pc) =	sbr.abs _section_cstart, $3  }
0xc3: {  	[dreg:$0x1] =	wrdreg $0xFFFFFFFF  }
0xc4: {  	_ =	task.clear_ibuf [dreg:s8], $0x2FFFF;
	_ =	strace $0x9FFFFFFF  }
0xc5: {  	(tm) =	ssettm $0x7FFFFFFF  }
tec
execute0_lowered:
.L_overlay_start_1:
0x0: {  	(tag) =	ssettag $0x1  }
0x1: {  	s1 =	rddreg [dreg:$0x0]  }
0x2: {  	s0 =	rddreg [dreg:$0x2]  }
0x3: {  	s3 =	rddreg [dreg:$0x3];
	s4 =	simm.s32 $0x0  }
0x4: {  	s2 =	srdreg.scid;
	s7 =	stileid.u32;
	s28 =	simm.s32 $0x4  }
0x5: {  	s14 =	simm.s32 $0x8400;
	s29 =	simm.s32 $0x9A00;
	s30 =	simm.s32 $0x2  }
0x6: {  	[smem:$0x7FF] =	sst s4;
	s5 =	sadd.s32 $0xA00, s0;
	s2 =	sand.u32 $0x1, s2  }
0x7: {  	s10 =	sshll.u32 s7, $0x10;
	s8 =	sadd.s32 $0xC00, s0;
	s11 =	sadd.s32 $0x20000, s1  }
0x8: {  	s12 =	sadd.s32 $0x40000, s1;
	s17 =	sadd.s32 $0x20C00, s0;
	s26 =	sshll.u32 s7, $0x6  }
0x9: {  	_ =	strace $0x80000047;
	[dreg:$0x5] =	wrdreg s5;
	s18 =	ssub.s32 $0x2, s2  }
0xa: {  	s2 =	sshll.u32 s2, $0xF;
	[dreg:$0x6] =	wrdreg s10;
	s20 =	sadd.s32 s10, s3  }
0xb: {  	s0 =	sor.u32 $0x1C07, s26;
	s26 =	simm.s32 $0x3;
	s6 =	sshrl.u32 s18, $0x1  }
0xc: {  	s9 =	sor.u32 s2, s10;
	[dreg:$0xc] =	wrdreg s0;
	s31 =	sshrl.u32 s20, $0x3  }
0xd: {  	s21 =	sshrl.u32 s9, $0x3;
	s24 =	sor.u32 $0x7E00, s9;
	[dreg:$0xd] =	wrdreg s31  }
0xe: {  	s2 =	simm.s32 $0x0;
	s22 =	sadd.s32 s1, s21;
	[dreg:$0xa] =	wrdreg s24  }
0xf: {  	s19 =	ssub.s32 s18, s6;
	s23 =	sadd.s32 s21, s11;
	[dreg:$0x7] =	wrdreg s22  }
0x10: {  	s15 =	sadd.s32 $0xFFFFFE00, s9;
	s6 =	sadd.s32 s21, s12;
	[dreg:$0x8] =	wrdreg s23  }
0x11: {  	s16 =	sor.u32 $0x400, s9;
	s25 =	smax.u32 s19, $0x1;
	[dreg:$0x9] =	wrdreg s6  }
0x12: {  	s18 =	simm.s32 $0x4800;
	s21 =	simm.s32 $0x9800;
	[dreg:$0xb] =	wrdreg s25  }
0x13: {  	s25 =	simm.s32 $0x400;
	s22 =	simm.s32 $0x8800;
	s23 =	simm.s32 $0x1  }
.LBB2_1:
0x14: {  	[dreg:$0xe] =	wrdreg s2  }
0x15: {  	s0 =	rddreg [dreg:$0x5];
	s24 =	simm.s32 $0xA000;
	s31 =	simm.s32 $0x7  }
0x16: {  	[tilespmem:s24], [sflag:$0x7] =	stream.linear.gather [hbm4b:s0+s4], $0x80, $0x38;
	[tilespmem:$0x1A080] =	vst v63  }
0x17: {  	_ =	swait.ge [sflag:s31], $0x80  }
0x18: {  	[sflag:s31] =	ssyncset.done $0x0  }
0x19: {  	s6 =	simm.s32 $0x0;
	[sflag:s31] =	ssyncadd.s32 $0xFFFFFF80  }
.LBB2_2:
0x1a: {  	s0 =	sshll.u32 s6, $0x14;
	s2 =	rddreg [dreg:$0x6];
	[bflag:$0x0] =	sbarrier.arrive $0xFFFF  }
0x1b: {  	s0 =	sor.u32 s2, s0;
	s20 =	rddreg [dreg:$0x1]  }
0x1c: {  	s24 =	rddreg [dreg:$0xc];
	s0 =	sshrl.u32 s0, $0x3  }
0x1d: {  	s7 =	simm.s32 $0x7;
	s5 =	rddreg [dreg:$0xd];
	s0 =	sadd.s32 s20, s0  }
0x1e: {  	[spmem:s5], [sflag:s24] =	dma.local [hbm:s0], $0x2000  }
0x1f: {  	_ =	swait.ge [sflag:s7], $0x2000  }
0x20: {  	v0 =	vmov s6;
	[sflag:s7] =	ssyncset.done $0x0  }
0x21: {  	[sflag:s7] =	ssyncadd.s32 $0xFFFFE000  }
0x22: {  	[bflag:$0x0] =	sbarrier.arrive $0xFFFF  }
0x23: {  	s13 =	rddreg [dreg:$0x7]  }
0x24: {  	s10 =	simm.s32 $0xA000;
	s0 =	simm.s32 $0x0;
	s19 =	rddreg [dreg:$0x8]  }
0x25: {  	v0 =	vld.idx.msk [tilespmem:v0+s10+$0x0], $0xffff;
	[tilespmem:s0], [sflag:$0x3] =	stream.linear.gather [hbm4b:s13+s0], $0x200, $0x38  }
0x26: {  	s31 =	sshll.u32 s6, $0x15;
	s20 =	simm.s32 $0x200;
	s24 =	rddreg [dreg:$0x9]  }
0x27: {  	[tilespmem:s20], [sflag:$0x3] =	stream.linear.gather [hbm4b:s19+s0], $0x200, $0x38;
	[tilespmem:$0x1A080] =	vst v63  }
0x28: {  	s5 =	sor.u32 $0x100000, s31;
	[dreg:$0xf] =	wrdreg s6;
	s6 =	sor.u32 s9, s31  }
0x29: {  	[tilespmem:s25], [sflag:$0x3] =	stream.linear.gather [hbm4b:s24+s0], $0x200, $0x38;
	[tilespmem:$0x1A080] =	vst v63  }
.LBB2_3:
0x2a: {  	_ =	swait.ge [sflag:s26], $0x200  }
0x2b: {  	[sflag:s26] =	ssyncset.done $0x0  }
0x2c: {  	[sflag:s26] =	ssyncadd.s32 $0xFFFFFE00  }
0x2d: {  	_ =	swait.ge [sflag:s26], $0x200  }
0x2e: {  	[sflag:s26] =	ssyncset.done $0x0  }
0x2f: {  	[sflag:s26] =	ssyncadd.s32 $0xFFFFFE00  }
0x30: {  	s2 =	simm.s32 $0xFFFFFFFC;
	_ =	swait.ge [sflag:s26], $0x200  }
0x31: {  	s7 =	simm.s32 $0x1C10;
	s19 =	simm.s32 $0x220;
	[sflag:s26] =	ssyncset.done $0x0  }
0x32: {  	s20 =	simm.s32 $0x8E20;
	s24 =	simm.s32 $0x0;
	[sflag:s26] =	ssyncadd.s32 $0xFFFFFE00  }
.LBB2_4:
0x33: {  	v1 =	vld [tilespmem:s19+$0xFFFFFDE0]  }
0x34: {  	v2 =	vld [tilespmem:s19+$0xFFFFFFE0]  }
0x35: {  	v3 =	vld [tilespmem:s19+$0x1E0]  }
0x36: {  	v14 =	vld [tilespmem:s19+$0xFFFFFDF0]  }
0x37: {  	v17 =	vld [tilespmem:s19+$0xFFFFFFF0]  }
0x38: {  	v60 =	vld [tilespmem:s19+$0xFFFFFE00]  }
0x39: {  	v63 =	vld [tilespmem:s19+$0x200]  }
0x3a: {  	v1 =	vadd.f32 $2.000000000e+00, v1  }
0x3b: {  	v2 =	vadd.f32 $2.000000000e+00, v2;
	v3 =	vadd.f32 $2.000000000e+00, v3  }
0x3c: {  	v14 =	vadd.f32 $2.000000000e+00, v14;
	v17 =	vadd.f32 $2.000000000e+00, v17  }
0x3d: {  	v25 =	vadd.f32 $2.000000000e+00, v60;
	v1 =	vmul.f32 $2.500000000e-01, v1;
	v2 =	vmul.f32 $2.500000000e-01, v2  }
0x3e: {  	v30 =	vadd.f32 $2.000000000e+00, v63;
	v3 =	vmul.f32 $2.500000000e-01, v3;
	v14 =	vmul.f32 $2.500000000e-01, v14  }
0x3f: {  	v17 =	vmul.f32 $2.500000000e-01, v17;
	v29 =	vmul.f32 $2.500000000e-01, v25  }
0x40: {  	v32 =	vmul.f32 $2.500000000e-01, v30;
	v1 =	vmul.f32 v1, v0  }
0x41: {  	v2 =	vmul.f32 v2, v0;
	v3 =	vmul.f32 v3, v0  }
0x42: {  	v62 =	vld [tilespmem:s19+$0x0];
	v14 =	vmul.f32 v14, v0;
	v17 =	vmul.f32 v17, v0  }
0x43: {  	v4 =	vtrunc.f32 v1;
	v5 =	vtrunc.f32 v2  }
0x44: {  	v6 =	vtrunc.f32 v3;
	v40 =	vtrunc.f32 v14  }
0x45: {  	v42 =	vtrunc.f32 v17;
	v4 =	vcvt.f32.s32 v4  }
0x46: {  	v5 =	vcvt.f32.s32 v5;
	v6 =	vcvt.f32.s32 v6  }
0x47: {  	v35 =	vld [tilespmem:s19+$0x1F0];
	v27 =	vadd.f32 $2.000000000e+00, v62;
	v41 =	vcvt.f32.s32 v40;
	v7 =	vcvt.s32.f32 v4  }
0x48: {  	v8 =	vcvt.s32.f32 v5;
	v5 =	vmul.u32 $0x9E3779B1, v5;
	v9 =	vcvt.s32.f32 v6  }
0x49: {  	v6 =	vmul.u32 $0x30025795, v6;
	v46 =	vcvt.s32.f32 v41;
	v50 =	vadd.s32 $0x1, v41  }
0x4a: {  	v7 =	vsub.f32 v1, v7;
	v8 =	vsub.f32 v2, v8;
	v10 =	vxor.u32 v4, v5  }
0x4b: {  	v3 =	vsub.f32 v3, v9;
	v2 =	vadd.s32 $0x1, v4;
	v34 =	vadd.s32 $0x9E3779B1, v5  }
0x4c: {  	v9 =	vadd.f32 $2.000000000e+00, v35;
	v1 =	vxor.u32 v6, v10;
	v5 =	vxor.u32 v2, v5  }
0x4d: {  	v4 =	vxor.u32 v4, v34;
	v2 =	vxor.u32 v2, v34;
	v11 =	vand.u32 $0x7FFFF, v1  }
0x4e: {  	v12 =	vand.u32 $0x7FF80, v1;
	v1 =	vadd.s32 $0x30025795, v6;
	v13 =	vxor.u32 v6, v5  }
0x4f: {  	v16 =	vxor.u32 v6, v4;
	v6 =	vxor.u32 v6, v2;
	v9 =	vmul.f32 $2.500000000e-01, v9  }
0x50: {  	v11 =	vadd.s32 v12, v11;
	v15 =	vand.u32 $0x7FFFF, v13;
	v13 =	vand.u32 $0x7FF80, v13  }
0x51: {  	v18 =	vand.u32 $0x7FFFF, v16;
	v16 =	vand.u32 $0x7FF80, v16;
	v19 =	vand.u32 $0x7FFFF, v6  }
0x52: {  	v6 =	vand.u32 $0x7FF80, v6;
	v10 =	vxor.u32 v10, v1;
	v5 =	vxor.u32 v5, v1  }
0x53: {  	v4 =	vxor.u32 v1, v4;
	v12 =	vadd.s32 $0x80, v11;
	v13 =	vadd.s32 v13, v15  }
0x54: {  	v36 =	vadd.s32 v16, v18;
	v6 =	vadd.s32 v6, v19;
	v38 =	vand.u32 $0x7FFFF, v10  }
0x55: {  	[tilespmem:s20+$0xFFFFFDE0] =	vst v7;
	v10 =	vand.u32 $0x7FF80, v10;
	v21 =	vand.u32 $0x7FFFF, v5;
	v5 =	vand.u32 $0x7FF80, v5  }
0x56: {  	[tilespmem:s20+$0x1E0] =	vst v3;
	v39 =	vmul.f32 v9, v0;
	v3 =	vand.u32 $0x7FFFF, v4;
	v4 =	vand.u32 $0x7FF80, v4  }
0x57: {  	[tilespmem:s20+$0xFFFFFFE0] =	vst v8;
	v9 =	vcvt.f32.s32 v42;
	v37 =	vadd.s32 $0x80, v13;
	v18 =	vadd.s32 $0x80, v36  }
0x58: {  	[tilespmem:s7+$0xFFFFEFF0] =	vst v11;
	v20 =	vadd.s32 $0x80, v6;
	v10 =	vadd.s32 v10, v38;
	v5 =	vadd.s32 v5, v21  }
0x59: {  	[tilespmem:s7+$0xFFFFF1F0] =	vst v12;
	v3 =	vadd.s32 v4, v3;
	v4 =	vsub.f32 v14, v46;
	v19 =	vadd.s32 $0x80, v10  }
0x5a: {  	s10 =	sand.u32 $0x1C0, s24;
	[tilespmem:s7+$0xFFFFF3F0] =	vst v13;
	v43 =	vtrunc.f32 v39;
	v47 =	vcvt.s32.f32 v9;
	v9 =	vmul.u32 $0x9E3779B1, v9  }
0x5b: {  	v45 =	vadd.s32 $0x80, v5;
	[tilespmem:s10+$0x1200] =	vst v37;
	v48 =	vadd.s32 $0x80, v3;
	v44 =	vcvt.f32.s32 v43  }
0x5c: {  	[tilespmem:s10+$0x1400] =	vst v36;
	v13 =	vsub.f32 v17, v47;
	v49 =	vxor.u32 v41, v9;
	v51 =	vadd.s32 $0x9E3779B1, v9  }
0x5d: {  	[tilespmem:s10+$0x1600] =	vst v18;
	v17 =	vmul.f32 $2.500000000e-01, v27;
	v21 =	vcvt.s32.f32 v44;
	v11 =	vmul.u32 $0x30025795, v44  }
0x5e: {  	[tilespmem:s10+$0x1800] =	vst v6;
	v9 =	vxor.u32 v50, v9;
	v8 =	vxor.u32 v41, v51;
	v15 =	vxor.u32 v50, v51  }
0x5f: {  	[tilespmem:s10+$0x1A00] =	vst v20;
	v34 =	vmul.f32 v17, v0;
	v7 =	vsub.f32 v39, v21;
	v52 =	vxor.u32 v11, v49  }
0x60: {  	[tilespmem:s10+$0x1C00] =	vst v10;
	v54 =	vadd.s32 $0x30025795, v11;
	v55 =	vxor.u32 v11, v9;
	v58 =	vxor.u32 v11, v8  }
0x61: {  	[tilespmem:s10+$0x2000] =	vst v5;
	v11 =	vxor.u32 v11, v15;
	v53 =	vand.u32 $0x7FFFF, v52;
	v18 =	vand.u32 $0x7FF80, v52  }
0x62: {  	[tilespmem:s10+$0x2400] =	vst v3;
	v56 =	vand.u32 $0x7FFFF, v55;
	v59 =	vand.u32 $0x7FFFF, v58;
	v3 =	vand.u32 $0x7FFFF, v11  }
0x63: {  	[tilespmem:s10+$0x1E00] =	vst v19;
	v11 =	vand.u32 $0x7FF80, v11;
	v14 =	vxor.u32 v49, v54;
	v9 =	vxor.u32 v9, v54  }
0x64: {  	[tilespmem:s10+$0x2200] =	vst v45;
	v28 =	vxor.u32 v54, v8;
	v8 =	vmul.f32 v29, v0;
	v35 =	vxor.u32 v54, v15  }
0x65: {  	[tilespmem:s10+$0x2600] =	vst v48;
	v38 =	vtrunc.f32 v34;
	v6 =	vadd.s32 v18, v53;
	v18 =	vand.u32 $0x7FF80, v55  }
0x66: {  	[tilespmem:s20+$0xFFFFFDF0] =	vst v4;
	v3 =	vadd.s32 v11, v3;
	v16 =	vand.u32 $0x7FFFF, v14;
	v14 =	vand.u32 $0x7FF80, v14  }
0x67: {  	[tilespmem:s20+$0xFFFFFFF0] =	vst v13;
	v26 =	vand.u32 $0x7FFFF, v9;
	v9 =	vand.u32 $0x7FF80, v9;
	v31 =	vand.u32 $0x7FFFF, v28  }
0x68: {  	[tilespmem:s20+$0x1F0] =	vst v7;
	v37 =	vand.u32 $0x7FFFF, v35;
	v39 =	vcvt.f32.s32 v38;
	v57 =	vadd.s32 $0x80, v6  }
0x69: {  	v10 =	vadd.s32 v18, v56;
	v18 =	vand.u32 $0x7FF80, v58;
	v11 =	vadd.s32 v14, v16;
	[tilespmem:s7+$0xFFFFF000] =	vst v6  }
0x6a: {  	v23 =	vadd.s32 $0x80, v3;
	v7 =	vadd.s32 v9, v26;
	v6 =	vand.u32 $0x7FF80, v28;
	[tilespmem:s7+$0xFFFFFC00] =	vst v3  }
0x6b: {  	v63 =	vld [tilespmem:s19+$0x210];
	v36 =	vtrunc.f32 v8;
	v3 =	vand.u32 $0x7FF80, v35;
	v61 =	vadd.s32 $0x80, v10;
	[tilespmem:s7+$0xFFFFF200] =	vst v57  }
0x6c: {  	v5 =	vadd.s32 v18, v59;
	v24 =	vadd.s32 $0x80, v11;
	[tilespmem:s7+$0xFFFFF400] =	vst v10;
	v33 =	vadd.s32 $0x80, v7  }
0x6d: {  	v6 =	vadd.s32 v6, v31;
	v10 =	vmul.f32 v32, v0;
	v15 =	vcvt.f32.s32 v36;
	[tilespmem:s7+$0xFFFFFE00] =	vst v23  }
0x6e: {  	v3 =	vadd.s32 v3, v37;
	v44 =	vcvt.s32.f32 v39;
	v22 =	vadd.s32 $0x80, v5;
	[tilespmem:s7+$0xFFFFF600] =	vst v61  }
0x6f: {  	v59 =	vld [tilespmem:s19+$0xFFFFFE10];
	[tilespmem:s7+$0xFFFFF800] =	vst v5;
	v41 =	vadd.s32 $0x80, v6;
	v5 =	vmul.u32 $0x9E3779B1, v39;
	v45 =	vadd.s32 $0x80, v3  }
0x70: {  	[tilespmem:s7+$0x200] =	vst v24;
	v61 =	vld [tilespmem:s19+$0x10];
	v24 =	vadd.f32 $2.000000000e+00, v63;
	v40 =	vtrunc.f32 v10;
	v43 =	vcvt.s32.f32 v15  }
0x71: {  	[tilespmem:s7+$0x0] =	vst v11;
	v48 =	vsub.f32 v34, v44;
	v50 =	vadd.s32 $0x1, v15;
	v42 =	vcvt.f32.s32 v40  }
0x72: {  	[tilespmem:s7+$0x400] =	vst v7;
	v49 =	vxor.u32 v15, v5;
	v52 =	vadd.s32 $0x9E3779B1, v5;
	v5 =	vxor.u32 v50, v5  }
0x73: {  	[tilespmem:s7+$0x600] =	vst v33;
	v47 =	vsub.f32 v8, v43;
	v46 =	vcvt.s32.f32 v42;
	v4 =	vmul.u32 $0x30025795, v42  }
0x74: {  	[tilespmem:s7+$0x800] =	vst v6;
	v15 =	vxor.u32 v15, v52;
	v6 =	vxor.u32 v50, v52;
	v11 =	vadd.f32 $2.000000000e+00, v59  }
0x75: {  	[tilespmem:s7+$0xFFFFFA00] =	vst v22;
	v22 =	vadd.f32 $2.000000000e+00, v61;
	v10 =	vsub.f32 v10, v46;
	v51 =	vxor.u32 v4, v49  }
0x76: {  	[tilespmem:s7+$0xC00] =	vst v3;
	v54 =	vadd.s32 $0x30025795, v4;
	v55 =	vxor.u32 v4, v5;
	v57 =	vxor.u32 v4, v15  }
0x77: {  	[tilespmem:s7+$0xA00] =	vst v41;
	v4 =	vxor.u32 v4, v6;
	v23 =	vmul.f32 $2.500000000e-01, v11;
	v53 =	vand.u32 $0x7FFFF, v51  }
0x78: {  	[tilespmem:s7+$0xE00] =	vst v45;
	v12 =	vand.u32 $0x7FF80, v51;
	v56 =	vand.u32 $0x7FFFF, v55;
	v16 =	vand.u32 $0x7FF80, v55  }
0x79: {  	[tilespmem:s20+$0x0] =	vst v48;
	v58 =	vand.u32 $0x7FFFF, v57;
	v17 =	vand.u32 $0x7FF80, v57;
	v62 =	vand.u32 $0x7FFFF, v4  }
0x7a: {  	[tilespmem:s20+$0xFFFFFE00] =	vst v47;
	v4 =	vand.u32 $0x7FF80, v4;
	v9 =	vxor.u32 v49, v54;
	v5 =	vxor.u32 v5, v54  }
0x7b: {  	v27 =	vxor.u32 v54, v15;
	v12 =	vadd.s32 v12, v53;
	v60 =	vadd.s32 v16, v56;
	[tilespmem:s20+$0x200] =	vst v10  }
0x7c: {  	v7 =	vadd.s32 v17, v58;
	v4 =	vadd.s32 v4, v62;
	v19 =	vand.u32 $0x7FFFF, v9;
	[tilespmem:s7+$0xFFFFF010] =	vst v12  }
0x7d: {  	v9 =	vand.u32 $0x7FF80, v9;
	v28 =	vand.u32 $0x7FFFF, v27;
	v3 =	vadd.s32 $0x80, v12;
	[tilespmem:s7+$0xFFFFF410] =	vst v60  }
0x7e: {  	v9 =	vadd.s32 v9, v19;
	v20 =	vadd.s32 $0x80, v7;
	v21 =	vadd.s32 $0x80, v4;
	[tilespmem:s7+$0xFFFFF810] =	vst v7  }
0x7f: {  	v12 =	vmul.f32 $2.500000000e-01, v22;
	[tilespmem:s7+$0xFFFFFC10] =	vst v4;
	v7 =	vmul.f32 $2.500000000e-01, v24;
	v4 =	vand.u32 $0x7FF80, v27  }
0x80: {  	[tilespmem:s7+$0xFFFFF210] =	vst v3;
	v3 =	vadd.s32 $0x80, v60;
	v25 =	vadd.s32 $0x80, v9;
	v4 =	vadd.s32 v4, v28  }
0x81: {  	[tilespmem:s7+$0xFFFFF610] =	vst v3;
	v3 =	vand.u32 $0x7FFFF, v5;
	v5 =	vand.u32 $0x7FF80, v5;
	v12 =	vmul.f32 v12, v0  }
0x82: {  	[tilespmem:s7+$0xFFFFFA10] =	vst v20;
	v7 =	vmul.f32 v7, v0;
	v30 =	vadd.s32 $0x80, v4;
	v3 =	vadd.s32 v5, v3  }
0x83: {  	[tilespmem:s7+$0xFFFFFE10] =	vst v21;
	v5 =	vmul.f32 v23, v0;
	v26 =	vadd.s32 $0x80, v3;
	v31 =	vtrunc.f32 v12  }
0x84: {  	[tilespmem:s7+$0x410] =	vst v3;
	v3 =	vxor.u32 v54, v6;
	v33 =	vtrunc.f32 v7;
	v32 =	vcvt.f32.s32 v31  }
0x85: {  	[tilespmem:s7+$0x10] =	vst v9;
	v29 =	vtrunc.f32 v5;
	v34 =	vand.u32 $0x7FFFF, v3;
	v10 =	vcvt.f32.s32 v33  }
0x86: {  	[tilespmem:s7+$0x210] =	vst v25;
	v3 =	vand.u32 $0x7FF80, v3;
	v8 =	vcvt.f32.s32 v29;
	v36 =	vcvt.s32.f32 v32  }
0x87: {  	[tilespmem:s7+$0x810] =	vst v4;
	v3 =	vadd.s32 v3, v34;
	v38 =	vcvt.s32.f32 v10;
	v6 =	vmul.u32 $0x9E3779B1, v32  }
0x88: {  	[tilespmem:s7+$0xA10] =	vst v30;
	v40 =	vmul.u32 $0x30025795, v10;
	v35 =	vcvt.s32.f32 v8;
	v39 =	vsub.f32 v12, v36  }
0x89: {  	v37 =	vadd.s32 $0x80, v3;
	[tilespmem:s7+$0xC10] =	vst v3;
	v7 =	vsub.f32 v7, v38;
	v42 =	vxor.u32 v8, v6  }
0x8a: {  	v41 =	vadd.s32 $0x1, v8;
	v3 =	vsub.f32 v5, v35;
	v43 =	vxor.u32 v40, v42;
	[tilespmem:s20+$0x10] =	vst v39  }
0x8b: {  	v52 =	vadd.s32 $0x30025795, v40;
	v44 =	vand.u32 $0x7FFFF, v43;
	v11 =	vand.u32 $0x7FF80, v43;
	[tilespmem:s20+$0x210] =	vst v7  }
0x8c: {  	[tilespmem:s20+$0xFFFFFE10] =	vst v3;
	v3 =	vadd.s32 $0x9E3779B1, v6;
	v6 =	vxor.u32 v41, v6;
	v4 =	vadd.s32 v11, v44  }
0x8d: {  	v45 =	vxor.u32 v40, v6;
	[tilespmem:s7+$0xFFFFF020] =	vst v4;
	v4 =	vadd.s32 $0x80, v4;
	v8 =	vxor.u32 v8, v3  }
0x8e: {  	[tilespmem:s7+$0x610] =	vst v26;
	v3 =	vxor.u32 v41, v3;
	v6 =	vxor.u32 v6, v52;
	v46 =	vand.u32 $0x7FFFF, v45  }
0x8f: {  	[tilespmem:s7+$0xE10] =	vst v37;
	v47 =	vand.u32 $0x7FF80, v45;
	v49 =	vxor.u32 v40, v8;
	v5 =	vxor.u32 v40, v3  }
0x90: {  	[tilespmem:s7+$0xFFFFF220] =	vst v4;
	v57 =	vand.u32 $0x7FFFF, v6;
	v6 =	vand.u32 $0x7FF80, v6;
	v7 =	vadd.s32 v47, v46  }
0x91: {  	v59 =	vxor.u32 v52, v8;
	v3 =	vxor.u32 v52, v3;
	v58 =	vadd.s32 v6, v57;
	[tilespmem:s7+$0xFFFFF420] =	vst v7  }
0x92: {  	v50 =	vand.u32 $0x7FFFF, v49;
	v51 =	vand.u32 $0x7FF80, v49;
	v48 =	vadd.s32 $0x80, v7;
	[tilespmem:s7+$0x420] =	vst v58  }
0x93: {  	v53 =	vand.u32 $0x7FFFF, v5;
	v5 =	vand.u32 $0x7FF80, v5;
	v7 =	vadd.s32 v51, v50;
	[tilespmem:s7+$0xFFFFF620] =	vst v48  }
0x94: {  	v60 =	vand.u32 $0x7FFFF, v59;
	v6 =	vand.u32 $0x7FF80, v59;
	v5 =	vadd.s32 v5, v53;
	[tilespmem:s7+$0xFFFFF820] =	vst v7  }
0x95: {  	v63 =	vand.u32 $0x7FFFF, v3;
	v3 =	vand.u32 $0x7FF80, v3;
	v61 =	vadd.s32 v6, v60;
	[tilespmem:s7+$0xFFFFFC20] =	vst v5  }
0x96: {  	v1 =	vxor.u32 v1, v2;
	v2 =	vadd.s32 v3, v63;
	[tilespmem:s7+$0x820] =	vst v61  }
0x97: {  	v7 =	vadd.s32 $0x80, v7;
	[tilespmem:s7+$0xC20] =	vst v2  }
0x98: {  	v5 =	vadd.s32 $0x80, v5;
	[tilespmem:s7+$0xFFFFFA20] =	vst v7  }
0x99: {  	v62 =	vadd.s32 $0x80, v61;
	[tilespmem:s7+$0xFFFFFE20] =	vst v5  }
0x9a: {  	s2 =	sadd.s32 $0x4, s2;
	v3 =	vand.u32 $0x7FFFF, v1;
	v1 =	vand.u32 $0x7FF80, v1;
	v2 =	vadd.s32 $0x80, v2;
	[tilespmem:s7+$0xA20] =	vst v62  }
0x9b: {  	p0 =	slt.u32 s2, $0x1C;
	v54 =	vxor.u32 v42, v52;
	v1 =	vadd.s32 v1, v3;
	[tilespmem:s7+$0xE20] =	vst v2  }
.Ltmp0:
0x9c: {  	v55 =	vand.u32 $0x7FFFF, v54;
	v7 =	vand.u32 $0x7FF80, v54;
	[tilespmem:s10+$0x2800] =	vst v1;
	v1 =	vadd.s32 $0x80, v1;
	(pc) =	sbr.rel @p0 .LBB2_4-.Ltmp0, $4  }
0x9d: {  	v56 =	vadd.s32 v7, v55;
	[tilespmem:s10+$0x2A00] =	vst v1  }
0x9e: {  	[tilespmem:s7+$0x20] =	vst v56;
	v5 =	vadd.s32 $0x80, v56  }
0x9f: {  	s24 =	sadd.s32 $0x40, s24;
	[tilespmem:s7+$0x220] =	vst v5;
	v5 =	vadd.s32 $0x80, v58  }
0xa0: {  	s19 =	sadd.s32 $0x40, s19;
	s20 =	sadd.s32 $0x40, s20;
	[tilespmem:s7+$0x620] =	vst v5;
	s7 =	sadd.s32 $0x40, s7  }
0xa1: {  	s2 =	simm.s32 $0xC00;
	s7 =	simm.s32 $0x4C00  }
0xa2: {  	[tilespmem:s7], [sflag:$0x1] =	stream.indirect.gather [spmem:s3], $0x1, s2, s25, $0xb8;
	[tilespmem:$0x1A080] =	vst v63  }
0xa3: {  	s10 =	simm.s32 $0x5000;
	s7 =	simm.s32 $0x1000  }
0xa4: {  	[tilespmem:s10], [sflag:$0x1] =	stream.indirect.gather [spmem:s3], $0x1, s7, s25, $0xb8;
	[tilespmem:$0x1A080] =	vst v63  }
0xa5: {  	s13 =	simm.s32 $0x1400;
	s19 =	simm.s32 $0x5400  }
0xa6: {  	[tilespmem:s19], [sflag:$0x1] =	stream.indirect.gather [spmem:s3], $0x1, s13, s25, $0xb8;
	[tilespmem:$0x1A080] =	vst v63  }
0xa7: {  	s20 =	simm.s32 $0x1800;
	s24 =	simm.s32 $0x5800  }
0xa8: {  	[tilespmem:s24], [sflag:$0x1] =	stream.indirect.gather [spmem:s3], $0x1, s20, s25, $0xb8;
	[tilespmem:$0x1A080] =	vst v63  }
0xa9: {  	s7 =	simm.s32 $0x1C00;
	s10 =	simm.s32 $0x5C00  }
0xaa: {  	[tilespmem:s10], [sflag:$0x1] =	stream.indirect.gather [spmem:s3], $0x1, s7, s25, $0xb8;
	[tilespmem:$0x1A080] =	vst v63  }
0xab: {  	s13 =	simm.s32 $0x2000;
	s19 =	simm.s32 $0x6000  }
0xac: {  	[tilespmem:s19], [sflag:$0x1] =	stream.indirect.gather [spmem:s3], $0x1, s13, s25, $0xb8;
	[tilespmem:$0x1A080] =	vst v63  }
0xad: {  	s20 =	simm.s32 $0x2400;
	s24 =	simm.s32 $0x6400;
	s19 =	sshll.u32 s0, $0xA  }
0xae: {  	[tilespmem:s24], [sflag:$0x1] =	stream.indirect.gather [spmem:s3], $0x1, s20, s25, $0xb8;
	[tilespmem:$0x1A080] =	vst v63  }
0xaf: {  	s20 =	sor.u32 s19, s9  }
0xb0: {  	s10 =	simm.s32 $0x2800;
	s13 =	simm.s32 $0x6800;
	s2 =	sshrl.u32 s20, $0x3  }
0xb1: {  	[tilespmem:s13], [sflag:$0x1] =	stream.indirect.gather [spmem:s3], $0x1, s10, s25, $0xb8;
	[tilespmem:$0x1A080] =	vst v63  }
0xb2: {  	s2 =	sor.u32 $0x40, s2  }
0xb3: {  	p0 =	seq.s32 s0, $0x0;
	s10 =	simm.s32 $0x600;
	s24 =	sadd.s32 s1, s2  }
0xb4: {  	[tilespmem:s10], [sflag:$0x4] =	stream.linear.gather [hbm4b:s24+s4], $0x200, $0x38;
	[tilespmem:$0x1A080] =	vst v63  }
.Ltmp1:
0xb5: {  	_ = 	snop;
	(pc) =	sbr.rel @p0 .LBB2_9-.Ltmp1, $4  }
0xb6: {  	s20 =	simm.s32 $0x800;
	s13 =	sadd.s32 s2, s11  }
0xb7: {  	[tilespmem:s20], [sflag:$0x4] =	stream.linear.gather [hbm4b:s13+s4], $0x200, $0x38;
	[tilespmem:$0x1A080] =	vst v63  }
0xb8: {  	s2 =	sadd.s32 s2, s12;
	s24 =	simm.s32 $0xA00  }
0xb9: {  	[tilespmem:s24], [sflag:$0x4] =	stream.linear.gather [hbm4b:s2+s4], $0x200, $0x38;
	[tilespmem:$0x1A080] =	vst v63  }
0xba: {  	_ =	swait.ge [sflag:s30], $0x400  }
0xbb: {  	[sflag:s30] =	ssyncset.done $0x0  }
0xbc: {  	[sflag:s30] =	ssyncadd.s32 $0xFFFFFC00  }
0xbd: {  	_ =	swait.ge [sflag:s30], $0x400  }
0xbe: {  	[sflag:s30] =	ssyncset.done $0x0  }
0xbf: {  	[sflag:s30] =	ssyncadd.s32 $0xFFFFFC00  }
0xc0: {  	_ =	swait.ge [sflag:s30], $0x400  }
0xc1: {  	[sflag:s30] =	ssyncset.done $0x0  }
0xc2: {  	[sflag:s30] =	ssyncadd.s32 $0xFFFFFC00  }
0xc3: {  	_ =	swait.ge [sflag:s30], $0x400  }
0xc4: {  	[sflag:s30] =	ssyncset.done $0x0  }
0xc5: {  	[sflag:s30] =	ssyncadd.s32 $0xFFFFFC00  }
0xc6: {  	_ =	swait.ge [sflag:s30], $0x400  }
0xc7: {  	[sflag:s30] =	ssyncset.done $0x0  }
0xc8: {  	[sflag:s30] =	ssyncadd.s32 $0xFFFFFC00  }
0xc9: {  	_ =	swait.ge [sflag:s30], $0x400  }
0xca: {  	[sflag:s30] =	ssyncset.done $0x0  }
0xcb: {  	[sflag:s30] =	ssyncadd.s32 $0xFFFFFC00  }
0xcc: {  	_ =	swait.ge [sflag:s30], $0x400  }
0xcd: {  	[sflag:s30] =	ssyncset.done $0x0  }
0xce: {  	[sflag:s30] =	ssyncadd.s32 $0xFFFFFC00  }
0xcf: {  	_ =	swait.ge [sflag:s30], $0x400  }
0xd0: {  	p1 =	seq.s32 s0, $0x1;
	[sflag:s30] =	ssyncset.done $0x0  }
0xd1: {  	s2 =	simm.s32 @!p1 $0x6;
	[sflag:s30] =	ssyncadd.s32 $0xFFFFFC00  }
0xd2: {  	_ =	swait.ge @!p1 [sflag:s2], $0x200  }
0xd3: {  	[sflag:s2] =	ssyncset.done @!p1 $0x0  }
0xd4: {  	[sflag:s2] =	ssyncadd.s32 @!p1 $0xFFFFFE00  }
0xd5: {  	_ =	swait.ge @!p1 [sflag:s2], $0x200  }
0xd6: {  	[sflag:s2] =	ssyncset.done @!p1 $0x0  }
0xd7: {  	s13 =	simm.s32 $0x8A30;
	[sflag:s2] =	ssyncadd.s32 @!p1 $0xFFFFFE00  }
0xd8: {  	v1 =	vld [tilespmem:s13+$0xFFFFFDE0]  }
0xd9: {  	v5 =	vld [tilespmem:s13+$0xFFFFF5E0]  }
0xda: {  	v7 =	vld [tilespmem:s13+$0xFFFFF1E0]  }
0xdb: {  	s24 =	simm.s32 $0x9200;
	v9 =	vld [tilespmem:s13+$0xFFFFEDE0]  }
0xdc: {  	s2 =	simm.s32 $0x0;
	v4 =	vld [tilespmem:s24+$0x0]  }
0xdd: {  	s10 =	sand.u32 $0x1C0, s2;
	v15 =	vld [tilespmem:s24+$0x210]  }
0xde: {  	v2 =	vld [tilespmem:s10+$0x9400]  }
0xdf: {  	v3 =	vld [tilespmem:s10+$0x9600]  }
0xe0: {  	v8 =	vld [tilespmem:s24+$0x410]  }
0xe1: {  	v18 =	vld [tilespmem:s24+$0x220]  }
0xe2: {  	v43 =	vld [tilespmem:s24+$0x420]  }
0xe3: {  	v6 =	vld [tilespmem:s10+$0x6C00]  }
0xe4: {  	v13 =	vld [tilespmem:s10+$0x6E00];
	v11 =	vsub.f32 $1.000000000e+00, v2;
	v12 =	vsub.f32 $1.000000000e+00, v3  }
0xe5: {  	v19 =	vld [tilespmem:s10+$0x7000];
	v20 =	vsub.f32 $1.000000000e+00, v4  }
0xe6: {  	v22 =	vld [tilespmem:s10+$0x7200];
	v28 =	vsub.f32 $1.000000000e+00, v15;
	v29 =	vsub.f32 $1.000000000e+00, v8;
	v21 =	vmul.f32 v12, v11  }
0xe7: {  	v23 =	vld [tilespmem:s10+$0x7400]  }
0xe8: {  	v25 =	vld [tilespmem:s10+$0x7600];
	v44 =	vmul.f32 v29, v28;
	v24 =	vmul.f32 v21, v20  }
0xe9: {  	v26 =	vld [tilespmem:s10+$0x7800];
	v45 =	vmul.f32 v29, v15;
	v12 =	vmul.f32 v12, v2  }
0xea: {  	v27 =	vld [tilespmem:s10+$0x7A00];
	v21 =	vmul.f32 v21, v4;
	v6 =	vmul.f32 v24, v6  }
0xeb: {  	v37 =	vld [tilespmem:s10+$0x7C00];
	v11 =	vmul.f32 v3, v11;
	v13 =	vmul.f32 v24, v13  }
0xec: {  	v31 =	vld [tilespmem:s10+$0x7E00];
	v30 =	vmul.f32 v12, v20;
	v19 =	vmul.f32 v19, v21;
	v6 =	vadd.f32 $0.0e+00, v6  }
0xed: {  	v32 =	vld [tilespmem:s10+$0x8200];
	v2 =	vmul.f32 v3, v2;
	v21 =	vmul.f32 v22, v21;
	v13 =	vadd.f32 $0.0e+00, v13  }
0xee: {  	v38 =	vld [tilespmem:s10+$0x8400];
	v12 =	vmul.f32 v12, v4;
	v23 =	vmul.f32 v23, v30;
	v19 =	vadd.f32 v6, v19  }
0xef: {  	v39 =	vmul.f32 v11, v20;
	v22 =	vld [tilespmem:s10+$0x8000];
	v13 =	vadd.f32 v21, v13;
	v21 =	vmul.f32 v25, v30  }
0xf0: {  	v40 =	vld [tilespmem:s10+$0x8600];
	v41 =	vmul.f32 v11, v4;
	v19 =	vadd.f32 v23, v19;
	v23 =	vmul.f32 v26, v12  }
0xf1: {  	v20 =	vmul.f32 v2, v20;
	v11 =	vld [tilespmem:s24+$0x230];
	v3 =	vadd.f32 v21, v13;
	v13 =	vmul.f32 v27, v12  }
0xf2: {  	v6 =	vmul.f32 v8, v15;
	v21 =	vld [tilespmem:s10+$0x8800];
	v19 =	vadd.f32 v23, v19;
	v23 =	vmul.f32 v37, v39  }
0xf3: {  	v12 =	vmul.f32 v8, v28;
	v8 =	vmul.f32 v31, v39;
	v3 =	vadd.f32 v13, v3;
	v13 =	vld [tilespmem:s24+$0x430]  }
0xf4: {  	v42 =	vld [tilespmem:s10+$0x8A00];
	v4 =	vmul.f32 v2, v4;
	v22 =	vmul.f32 v22, v41;
	v19 =	vadd.f32 v23, v19  }
0xf5: {  	v24 =	vmul.f32 v32, v41;
	v23 =	vsub.f32 $1.000000000e+00, v18;
	v3 =	vadd.f32 v8, v3;
	v8 =	vld [tilespmem:s24+$0x10]  }
0xf6: {  	v16 =	vld [tilespmem:s13+$0xFFFFE5E0];
	v47 =	vsub.f32 $1.000000000e+00, v11;
	v19 =	vadd.f32 v22, v19;
	v22 =	vmul.f32 v38, v20  }
0xf7: {  	v2 =	vld [tilespmem:s24+$0x20];
	v24 =	vadd.f32 v24, v3;
	v20 =	vmul.f32 v40, v20;
	v27 =	vmul.f32 v43, v23  }
0xf8: {  	v3 =	vld [tilespmem:s24+$0x30];
	v26 =	vmul.f32 v13, v47;
	v15 =	vadd.f32 v22, v19;
	v19 =	vmul.f32 v21, v4  }
0xf9: {  	v17 =	vld [tilespmem:s13+$0xFFFFE7E0];
	v50 =	vsub.f32 $1.000000000e+00, v13;
	v21 =	vmul.f32 v42, v4;
	v4 =	vmul.f32 v43, v18  }
0xfa: {  	v10 =	vld [tilespmem:s13+$0xFFFFE9E0];
	v22 =	vsub.f32 $1.000000000e+00, v43;
	v51 =	vmul.f32 v44, v8;
	v33 =	vmul.f32 v45, v8  }
0xfb: {  	v14 =	vld [tilespmem:s13+$0xFFFFE1E0];
	v38 =	vmul.f32 v50, v47;
	v31 =	vmul.f32 v50, v11  }
0xfc: {  	v46 =	vld [tilespmem:s13+$0xFFFFE3E0];
	v23 =	vmul.f32 v22, v23;
	v18 =	vmul.f32 v22, v18  }
0xfd: {  	v48 =	vld [tilespmem:s13+$0xFFFFE1F0];
	v35 =	vsub.f32 $1.000000000e+00, v2;
	v53 =	vmul.f32 v38, v3;
	v16 =	vmul.f32 v16, v51  }
0xfe: {  	v59 =	vld [tilespmem:s13+$0xFFFFEFE0];
	v17 =	vmul.f32 v17, v51;
	v43 =	vmul.f32 v31, v3  }
0xff: {  	v52 =	vld [tilespmem:s13+$0xFFFFE600];
	v22 =	vsub.f32 $1.000000000e+00, v8;
	v9 =	vmul.f32 v9, v33;
	v51 =	vmul.f32 v27, v35  }
0x100: {  	v49 =	vld [tilespmem:s13+$0xFFFFE3F0];
	v27 =	vmul.f32 v27, v2;
	v36 =	vmul.f32 v23, v2  }
0x101: {  	v54 =	vld [tilespmem:s13+$0xFFFFE800];
	v15 =	vadd.f32 v19, v15;
	v25 =	vmul.f32 v44, v22;
	v19 =	vmul.f32 v23, v35  }
0x102: {  	v56 =	vld [tilespmem:s13+$0xFFFFEBE0];
	v39 =	vsub.f32 $1.000000000e+00, v3;
	v28 =	vmul.f32 v45, v22;
	v60 =	vmul.f32 v18, v35  }
0x103: {  	v40 =	vld [tilespmem:s13+$0xFFFFE5F0];
	v18 =	vmul.f32 v18, v2;
	v45 =	vmul.f32 v59, v33  }
0x104: {  	v41 =	vld [tilespmem:s13+$0xFFFFE7F0];
	v20 =	vadd.f32 v20, v24;
	v24 =	vmul.f32 v52, v53;
	v61 =	vmul.f32 v31, v39  }
0x105: {  	v58 =	vld [tilespmem:s13+$0xFFFFEBF0];
	v52 =	vmul.f32 v26, v39;
	v26 =	vmul.f32 v26, v3  }
0x106: {  	v62 =	vld [tilespmem:s13+$0xFFFFEDF0];
	v23 =	vmul.f32 v25, v14;
	v14 =	vadd.f32 v21, v20;
	v20 =	vmul.f32 v38, v39  }
0x107: {  	v63 =	vld [tilespmem:s13+$0xFFFFEFF0];
	v21 =	vmul.f32 v25, v46;
	v29 =	vmul.f32 v19, v48  }
0x108: {  	v34 =	vld [tilespmem:s13+$0xFFFFE200];
	v19 =	vmul.f32 v19, v49;
	v40 =	vmul.f32 v40, v36  }
0x109: {  	v57 =	vld [tilespmem:s13+$0xFFFFE9F0];
	v36 =	vmul.f32 v41, v36;
	v25 =	vmul.f32 v54, v53  }
0x10a: {  	v37 =	vld [tilespmem:s13+$0xFFFFE400];
	v10 =	vmul.f32 v10, v28;
	v28 =	vmul.f32 v56, v28  }
0x10b: {  	v42 =	vld [tilespmem:s13+$0xFFFFF3E0];
	v32 =	vmul.f32 v58, v60;
	v47 =	vmul.f32 v62, v18;
	v23 =	vadd.f32 $0.0e+00, v23  }
0x10c: {  	v50 =	vld [tilespmem:s13+$0xFFFFF7E0];
	v18 =	vmul.f32 v63, v18;
	v48 =	vmul.f32 v12, v22  }
0x10d: {  	v12 =	vmul.f32 v12, v8;
	v22 =	vmul.f32 v6, v22;
	v16 =	vadd.f32 v23, v16;
	v23 =	vld [tilespmem:s13+$0xFFFFEA00]  }
0x10e: {  	v44 =	vld [tilespmem:s13+$0xFFFFF1F0];
	v62 =	vmul.f32 v4, v35;
	v55 =	vmul.f32 v20, v34;
	v21 =	vadd.f32 $0.0e+00, v21  }
0x10f: {  	v46 =	vld [tilespmem:s13+$0xFFFFF3F0];
	v29 =	vadd.f32 $0.0e+00, v29;
	v20 =	vmul.f32 v20, v37;
	v19 =	vadd.f32 $0.0e+00, v19  }
0x110: {  	v37 =	vmul.f32 v57, v60;
	v30 =	vadd.f32 $0.0e+00, v55;
	v17 =	vadd.f32 v17, v21;
	v21 =	vld [tilespmem:s13+$0xFFFFEC00]  }
0x111: {  	v7 =	vmul.f32 v7, v48;
	v20 =	vadd.f32 $0.0e+00, v20;
	v29 =	vadd.f32 v29, v40;
	v40 =	vld [tilespmem:s13+$0xFFFFEE00]  }
0x112: {  	v19 =	vadd.f32 v36, v19;
	v10 =	vadd.f32 v10, v16;
	v16 =	vmul.f32 v23, v61;
	v23 =	vld [tilespmem:s13+$0xFFFFF000]  }
0x113: {  	v49 =	vld [tilespmem:s13+$0xFFFFF400];
	v5 =	vmul.f32 v5, v12;
	v24 =	vadd.f32 v30, v24;
	v20 =	vadd.f32 v25, v20  }
0x114: {  	v53 =	vld [tilespmem:s13+$0xFFFFF5F0];
	v54 =	vmul.f32 v44, v51;
	v17 =	vadd.f32 v28, v17;
	v25 =	vadd.f32 v37, v29  }
0x115: {  	v56 =	vld [tilespmem:s13+$0xFFFFF9E0];
	v19 =	vadd.f32 v32, v19;
	v9 =	vadd.f32 v9, v10;
	v21 =	vmul.f32 v21, v61  }
0x116: {  	v58 =	vld [tilespmem:s13+$0xFFFFFBF0];
	v17 =	vadd.f32 v45, v17;
	v25 =	vadd.f32 v47, v25;
	v10 =	vmul.f32 v40, v43  }
0x117: {  	v16 =	vadd.f32 v16, v24;
	v20 =	vadd.f32 v21, v20;
	v21 =	vld [tilespmem:s13+$0xFFFFF200];
	v23 =	vmul.f32 v23, v43  }
0x118: {  	v18 =	vadd.f32 v18, v19;
	v19 =	vld [tilespmem:s13+$0xFFFFF7F0];
	v9 =	vadd.f32 v7, v9;
	v7 =	vmul.f32 v46, v51  }
0x119: {  	v10 =	vadd.f32 v10, v16;
	v16 =	vmul.f32 v42, v48;
	v20 =	vadd.f32 v23, v20;
	v23 =	vld [tilespmem:s13+$0xFFFFF600]  }
0x11a: {  	v57 =	vld [tilespmem:s13+$0xFFFFFBE0];
	v12 =	vmul.f32 v50, v12;
	v25 =	vadd.f32 v54, v25;
	v18 =	vadd.f32 v7, v18  }
0x11b: {  	v7 =	vmul.f32 v13, v11;
	v13 =	vmul.f32 v53, v27;
	v16 =	vadd.f32 v16, v17;
	v17 =	vld [tilespmem:s13+$0xFFFFF800]  }
0x11c: {  	v55 =	vmul.f32 v49, v52;
	v11 =	vld [tilespmem:s13+$0xFFFFF9F0];
	v21 =	vmul.f32 v21, v52  }
0x11d: {  	v61 =	vld [tilespmem:s13+$0xFFFFFC00];
	v59 =	vadd.f32 v5, v9;
	v19 =	vmul.f32 v19, v27;
	v5 =	vadd.f32 v13, v25  }
0x11e: {  	v63 =	vmul.f32 v7, v39;
	v10 =	vadd.f32 v21, v10;
	v21 =	vmul.f32 v23, v26;
	v23 =	vld [tilespmem:s13+$0xFFFFFA00]  }
0x11f: {  	[tilespmem:s10+$0x9C00] =	vst v15;
	v15 =	vld [tilespmem:s13+$0xFFFFFE00];
	v60 =	vadd.f32 v12, v16;
	v12 =	vadd.f32 v19, v18;
	v18 =	vmul.f32 v56, v22  }
0x120: {  	v9 =	vld [tilespmem:s13+$0xFFFFFFE0];
	v22 =	vmul.f32 v57, v22;
	v20 =	vadd.f32 v55, v20;
	v17 =	vmul.f32 v17, v26  }
0x121: {  	v13 =	vld [tilespmem:s13+$0xFFFFFDF0];
	v18 =	vadd.f32 v18, v59;
	v16 =	vadd.f32 v21, v10;
	v21 =	vmul.f32 v11, v62  }
0x122: {  	s7 =	simm.s32 $0x9E30;
	v10 =	vadd.f32 v17, v20;
	v17 =	vld [tilespmem:s13+$0xFFFFFFF0];
	v20 =	vmul.f32 v58, v62;
	v11 =	vmul.f32 v6, v8  }
0x123: {  	s20 =	simm.s32 $0x8A70;
	s10 =	simm.s32 $0x0;
	[tilespmem:s7+$0xFFFFFFD0] =	vst v14;
	v14 =	vadd.f32 v22, v60;
	v8 =	vmul.f32 v61, v63;
	v6 =	vld [tilespmem:s13+$0x0];
	v19 =	vmul.f32 v23, v63  }
.LBB2_7:
0x124: {  	v22 =	vld [tilespmem:s20+$0xFFFFFDE0];
	v21 =	vadd.f32 v21, v5;
	v2 =	vmul.f32 v4, v2;
	v3 =	vmul.f32 v7, v3  }
0x125: {  	v4 =	vadd.f32 v20, v12;
	v16 =	vadd.f32 v19, v16;
	v5 =	vld [tilespmem:s20+$0xFFFFF5E0];
	v1 =	vmul.f32 v1, v11  }
0x126: {  	v9 =	vmul.f32 v9, v11;
	v19 =	vadd.f32 v8, v10;
	v7 =	vld [tilespmem:s20+$0xFFFFF1E0];
	v11 =	vmul.f32 v13, v2  }
0x127: {  	v2 =	vmul.f32 v17, v2;
	v8 =	vld [tilespmem:s20+$0xFFFFEDE0];
	v18 =	vadd.f32 v1, v18;
	v13 =	vmul.f32 v15, v3  }
0x128: {  	v9 =	vadd.f32 v9, v14;
	v10 =	vld [tilespmem:s20+$0xFFFFE9E0];
	v11 =	vadd.f32 v11, v21;
	v3 =	vmul.f32 v6, v3  }
0x129: {  	s2 =	sadd.s32 $0x40, s2;
	v2 =	vadd.f32 v2, v4;
	v12 =	vld [tilespmem:s20+$0xFFFFE5E0];
	[tilespmem:s7+$0xFFFFFDE0] =	vst v18;
	v4 =	vadd.f32 v13, v16;
	v1 =	vmov v22  }
0x12a: {  	s13 =	sand.u32 $0x1C0, s2;
	v13 =	vld [tilespmem:s20+$0xFFFFE7E0];
	[tilespmem:s7+$0xFFFFFFE0] =	vst v9;
	v3 =	vadd.f32 v3, v19  }
0x12b: {  	v14 =	vld [tilespmem:s13+$0x9400];
	[tilespmem:s7+$0xFFFFFDF0] =	vst v11  }
0x12c: {  	s10 =	sadd.s32 $0x4, s10;
	v11 =	vld [tilespmem:s13+$0x9600];
	[tilespmem:s7+$0xFFFFFFF0] =	vst v2  }
0x12d: {  	s24 =	sadd.s32 $0x40, s24;
	p1 =	slt.u32 s10, $0x1C;
	v20 =	vld [tilespmem:s20+$0xFFFFE1E0];
	[tilespmem:s7+$0xFFFFFE00] =	vst v4  }
0x12e: {  	v2 =	vld [tilespmem:s24+$0x0];
	[tilespmem:s7+$0x0] =	vst v3  }
0x12f: {  	v3 =	vld [tilespmem:s24+$0x210]  }
0x130: {  	v4 =	vld [tilespmem:s24+$0x410]  }
0x131: {  	v15 =	vsub.f32 $1.000000000e+00, v14;
	v9 =	vsub.f32 $1.000000000e+00, v11;
	v16 =	vld [tilespmem:s24+$0x220]  }
0x132: {  	v17 =	vld [tilespmem:s13+$0x6C00]  }
0x133: {  	v18 =	vsub.f32 $1.000000000e+00, v2;
	v19 =	vmul.f32 v9, v15;
	v21 =	vld [tilespmem:s13+$0x6E00]  }
0x134: {  	v22 =	vld [tilespmem:s13+$0x7000];
	v23 =	vsub.f32 $1.000000000e+00, v3  }
0x135: {  	v24 =	vmul.f32 v19, v18;
	v25 =	vld [tilespmem:s13+$0x7200];
	v26 =	vsub.f32 $1.000000000e+00, v4;
	v6 =	vmul.f32 v4, v3  }
0x136: {  	v27 =	vmul.f32 v9, v14;
	v28 =	vld [tilespmem:s13+$0x7400];
	v9 =	vmul.f32 v4, v23;
	v29 =	vsub.f32 $1.000000000e+00, v16  }
0x137: {  	v4 =	vmul.f32 v24, v17;
	v17 =	vmul.f32 v19, v2;
	v19 =	vld [tilespmem:s13+$0x7600]  }
0x138: {  	v23 =	vmul.f32 v26, v23;
	v21 =	vmul.f32 v24, v21;
	v24 =	vld [tilespmem:s13+$0x7800]  }
0x139: {  	v30 =	vmul.f32 v27, v18;
	v4 =	vadd.f32 $0.0e+00, v4;
	v22 =	vmul.f32 v22, v17;
	v31 =	vld [tilespmem:s13+$0x7A00]  }
0x13a: {  	v15 =	vmul.f32 v11, v15;
	v21 =	vadd.f32 $0.0e+00, v21;
	v17 =	vmul.f32 v25, v17;
	v25 =	vld [tilespmem:s13+$0x7C00]  }
0x13b: {  	v27 =	vmul.f32 v27, v2;
	v4 =	vadd.f32 v4, v22;
	v22 =	vmul.f32 v28, v30;
	v28 =	vld [tilespmem:s13+$0x7E00]  }
0x13c: {  	v26 =	vmul.f32 v26, v3;
	v17 =	vadd.f32 v17, v21;
	v19 =	vmul.f32 v19, v30;
	v21 =	vld [tilespmem:s13+$0x8000]  }
0x13d: {  	v3 =	vadd.f32 v22, v4;
	v4 =	vmul.f32 v24, v27;
	v22 =	vmul.f32 v15, v18;
	v24 =	vld [tilespmem:s13+$0x8200]  }
0x13e: {  	v11 =	vmul.f32 v11, v14;
	v14 =	vadd.f32 v19, v17;
	v17 =	vmul.f32 v31, v27;
	v19 =	vld [tilespmem:s13+$0x8400]  }
0x13f: {  	v15 =	vmul.f32 v15, v2;
	v3 =	vadd.f32 v4, v3;
	v4 =	vmul.f32 v25, v22;
	v25 =	vld [tilespmem:s13+$0x8600]  }
0x140: {  	v14 =	vadd.f32 v17, v14;
	v17 =	vmul.f32 v28, v22;
	v22 =	vld [tilespmem:s13+$0x8800]  }
0x141: {  	v18 =	vmul.f32 v11, v18;
	v3 =	vadd.f32 v4, v3;
	v4 =	vmul.f32 v21, v15;
	v21 =	vld [tilespmem:s13+$0x8A00]  }
0x142: {  	v17 =	vadd.f32 v17, v14;
	v15 =	vmul.f32 v24, v15;
	v24 =	vld [tilespmem:s24+$0x420]  }
0x143: {  	v2 =	vmul.f32 v11, v2;
	v3 =	vadd.f32 v4, v3;
	v4 =	vmul.f32 v19, v18;
	v14 =	vld [tilespmem:s24+$0x230]  }
0x144: {  	v17 =	vadd.f32 v15, v17;
	v18 =	vmul.f32 v25, v18;
	v15 =	vld [tilespmem:s24+$0x430]  }
0x145: {  	v3 =	vadd.f32 v4, v3;
	v4 =	vmul.f32 v22, v2;
	v11 =	vld [tilespmem:s24+$0x10]  }
0x146: {  	v17 =	vadd.f32 v18, v17;
	v18 =	vmul.f32 v21, v2;
	v2 =	vld [tilespmem:s24+$0x20]  }
0x147: {  	v21 =	vadd.f32 v4, v3;
	v22 =	vsub.f32 $1.000000000e+00, v24;
	v19 =	vmul.f32 v24, v29;
	v3 =	vld [tilespmem:s24+$0x30]  }
0x148: {  	v4 =	vmul.f32 v24, v16;
	v17 =	vadd.f32 v18, v17;
	v25 =	vld [tilespmem:s20+$0xFFFFE3E0];
	v24 =	vsub.f32 $1.000000000e+00, v14  }
0x149: {  	s7 =	sadd.s32 $0x40, s7;
	[tilespmem:s13+$0x9C00] =	vst v21;
	v21 =	vmul.f32 v22, v29;
	v22 =	vmul.f32 v22, v16;
	v27 =	vld [tilespmem:s20+$0xFFFFE1F0];
	v28 =	vsub.f32 $1.000000000e+00, v15  }
0x14a: {  	[tilespmem:s7+$0xFFFFFFD0] =	vst v17;
	v16 =	vsub.f32 $1.000000000e+00, v11;
	v29 =	vmul.f32 v23, v11;
	v30 =	vmul.f32 v26, v11;
	v31 =	vld [tilespmem:s20+$0xFFFFE3F0]  }
0x14b: {  	v17 =	vsub.f32 $1.000000000e+00, v2;
	v32 =	vmul.f32 v21, v2;
	v33 =	vmul.f32 v28, v24;
	v34 =	vld [tilespmem:s20+$0xFFFFE200]  }
0x14c: {  	v28 =	vmul.f32 v28, v14;
	v23 =	vmul.f32 v23, v16;
	v18 =	vsub.f32 $1.000000000e+00, v3;
	v35 =	vld [tilespmem:s20+$0xFFFFE400]  }
0x14d: {  	v21 =	vmul.f32 v21, v17;
	v36 =	vld [tilespmem:s20+$0xFFFFE5F0];
	v37 =	vmul.f32 v33, v3  }
0x14e: {  	v20 =	vmul.f32 v23, v20;
	v38 =	vld [tilespmem:s20+$0xFFFFE7F0];
	v33 =	vmul.f32 v33, v18  }
0x14f: {  	v23 =	vmul.f32 v23, v25;
	v25 =	vmul.f32 v21, v27;
	v27 =	vld [tilespmem:s20+$0xFFFFE600]  }
0x150: {  	v21 =	vmul.f32 v21, v31;
	v20 =	vadd.f32 $0.0e+00, v20;
	v31 =	vmul.f32 v33, v34;
	v34 =	vld [tilespmem:s20+$0xFFFFE800]  }
0x151: {  	v23 =	vadd.f32 $0.0e+00, v23;
	v39 =	vld [tilespmem:s20+$0xFFFFEBE0];
	v25 =	vadd.f32 $0.0e+00, v25;
	v33 =	vmul.f32 v33, v35  }
0x152: {  	v12 =	vmul.f32 v12, v29;
	v21 =	vadd.f32 $0.0e+00, v21;
	v35 =	vld [tilespmem:s20+$0xFFFFE9F0];
	v31 =	vadd.f32 $0.0e+00, v31  }
0x153: {  	v13 =	vmul.f32 v13, v29;
	v29 =	vmul.f32 v36, v32;
	v36 =	vld [tilespmem:s20+$0xFFFFEBF0];
	v33 =	vadd.f32 $0.0e+00, v33  }
0x154: {  	v12 =	vadd.f32 v20, v12;
	v20 =	vmul.f32 v38, v32;
	v27 =	vmul.f32 v27, v37;
	v32 =	vld [tilespmem:s20+$0xFFFFEA00]  }
0x155: {  	v13 =	vadd.f32 v13, v23;
	v23 =	vmul.f32 v26, v16;
	v26 =	vmul.f32 v34, v37;
	v34 =	vld [tilespmem:s20+$0xFFFFEC00]  }
0x156: {  	v38 =	vmul.f32 v28, v18;
	v25 =	vadd.f32 v25, v29;
	v29 =	vmul.f32 v22, v17;
	v37 =	vld [tilespmem:s20+$0xFFFFEFE0]  }
0x157: {  	v10 =	vmul.f32 v10, v23;
	v20 =	vadd.f32 v20, v21;
	v27 =	vadd.f32 v31, v27;
	v21 =	vld [tilespmem:s20+$0xFFFFEDF0]  }
0x158: {  	v23 =	vmul.f32 v39, v23;
	v31 =	vmul.f32 v35, v29;
	v26 =	vadd.f32 v26, v33;
	v35 =	vld [tilespmem:s20+$0xFFFFEFF0]  }
0x159: {  	v10 =	vadd.f32 v10, v12;
	v12 =	vmul.f32 v36, v29;
	v29 =	vmul.f32 v32, v38;
	v32 =	vld [tilespmem:s20+$0xFFFFEE00]  }
0x15a: {  	v22 =	vmul.f32 v22, v2;
	v13 =	vadd.f32 v23, v13;
	v23 =	vmul.f32 v34, v38;
	v33 =	vld [tilespmem:s20+$0xFFFFF000]  }
0x15b: {  	v24 =	vmul.f32 v15, v24;
	v28 =	vmul.f32 v28, v3;
	v25 =	vadd.f32 v31, v25;
	v34 =	vld [tilespmem:s20+$0xFFFFF3E0]  }
0x15c: {  	v8 =	vmul.f32 v8, v30;
	v12 =	vadd.f32 v12, v20;
	v27 =	vadd.f32 v29, v27;
	v20 =	vld [tilespmem:s20+$0xFFFFF1F0]  }
0x15d: {  	v29 =	vmul.f32 v37, v30;
	v21 =	vmul.f32 v21, v22;
	v23 =	vadd.f32 v23, v26;
	v30 =	vld [tilespmem:s20+$0xFFFFF3F0]  }
0x15e: {  	v8 =	vadd.f32 v8, v10;
	v10 =	vmul.f32 v35, v22;
	v22 =	vmul.f32 v32, v28;
	v26 =	vld [tilespmem:s20+$0xFFFFF200]  }
0x15f: {  	v13 =	vadd.f32 v29, v13;
	v29 =	vmul.f32 v9, v16;
	v28 =	vmul.f32 v33, v28;
	v31 =	vld [tilespmem:s20+$0xFFFFF400]  }
0x160: {  	v21 =	vadd.f32 v21, v25;
	v25 =	vmul.f32 v19, v17;
	v33 =	vmul.f32 v24, v18;
	v32 =	vld [tilespmem:s20+$0xFFFFF7E0]  }
0x161: {  	v7 =	vmul.f32 v7, v29;
	v10 =	vadd.f32 v10, v12;
	v22 =	vadd.f32 v22, v27;
	v12 =	vld [tilespmem:s20+$0xFFFFF5F0]  }
0x162: {  	v27 =	vmul.f32 v34, v29;
	v20 =	vmul.f32 v20, v25;
	v23 =	vadd.f32 v28, v23;
	v29 =	vld [tilespmem:s20+$0xFFFFF7F0]  }
0x163: {  	v8 =	vadd.f32 v7, v8;
	v7 =	vmul.f32 v30, v25;
	v25 =	vmul.f32 v26, v33;
	v26 =	vld [tilespmem:s20+$0xFFFFF600]  }
0x164: {  	v9 =	vmul.f32 v9, v11;
	v13 =	vadd.f32 v27, v13;
	v27 =	vmul.f32 v31, v33;
	v28 =	vld [tilespmem:s20+$0xFFFFF800]  }
0x165: {  	v19 =	vmul.f32 v19, v2;
	v20 =	vadd.f32 v20, v21;
	v21 =	vmul.f32 v24, v3;
	v30 =	vld [tilespmem:s20+$0xFFFFF9E0]  }
0x166: {  	v10 =	vadd.f32 v7, v10;
	v7 =	vmul.f32 v15, v14;
	v14 =	vadd.f32 v25, v22;
	v24 =	vld [tilespmem:s20+$0xFFFFFBE0]  }
0x167: {  	v5 =	vmul.f32 v5, v9;
	v9 =	vmul.f32 v32, v9;
	v22 =	vadd.f32 v27, v23;
	v15 =	vld [tilespmem:s20+$0xFFFFF9F0]  }
0x168: {  	v12 =	vmul.f32 v12, v19;
	v19 =	vmul.f32 v29, v19;
	v23 =	vld [tilespmem:s20+$0xFFFFFBF0]  }
0x169: {  	v8 =	vadd.f32 v5, v8;
	v25 =	vmul.f32 v26, v21;
	v21 =	vmul.f32 v28, v21;
	v26 =	vld [tilespmem:s20+$0xFFFFFA00]  }
0x16a: {  	v27 =	vadd.f32 v9, v13;
	v29 =	vmul.f32 v4, v17;
	v28 =	vmul.f32 v6, v16;
	v31 =	vld [tilespmem:s20+$0xFFFFFC00]  }
.Ltmp2:
0x16b: {  	v32 =	vmul.f32 v7, v18;
	v5 =	vadd.f32 v12, v20;
	v12 =	vadd.f32 v19, v10;
	v9 =	vld [tilespmem:s20+$0xFFFFFFE0];
	(pc) =	sbr.rel @p1 .LBB2_7-.Ltmp2, $4  }
0x16c: {  	v16 =	vadd.f32 v25, v14;
	v18 =	vmul.f32 v30, v28;
	v10 =	vadd.f32 v21, v22;
	v13 =	vld [tilespmem:s20+$0xFFFFFDF0]  }
0x16d: {  	v14 =	vmul.f32 v24, v28;
	v21 =	vmul.f32 v15, v29;
	v17 =	vld [tilespmem:s20+$0xFFFFFFF0]  }
0x16e: {  	v18 =	vadd.f32 v18, v8;
	v20 =	vmul.f32 v23, v29;
	v19 =	vmul.f32 v26, v32;
	v15 =	vld [tilespmem:s20+$0xFFFFFE00]  }
0x16f: {  	v11 =	vmul.f32 v6, v11;
	v14 =	vadd.f32 v14, v27;
	v8 =	vmul.f32 v31, v32;
	v6 =	vld [tilespmem:s20+$0x0];
	s20 =	sadd.s32 $0x40, s20  }
0x170: {  	_ = 	snop  }
0x171: {  	v2 =	vmul.f32 v4, v2;
	v1 =	vmul.f32 v1, v11  }
0x172: {  	v57 =	vadd.f32 v21, v5;
	v58 =	vmul.f32 v9, v11  }
0x173: {  	v3 =	vmul.f32 v7, v3;
	v59 =	vmul.f32 v13, v2;
	v1 =	vadd.f32 v1, v18  }
0x174: {  	v60 =	vadd.f32 v20, v12;
	v2 =	vmul.f32 v17, v2;
	v5 =	vadd.f32 v58, v14  }
0x175: {  	v61 =	vadd.f32 v19, v16;
	v62 =	vmul.f32 v15, v3;
	v4 =	vadd.f32 v59, v57;
	[tilespmem:s7+$0xFFFFFDE0] =	vst v1  }
0x176: {  	v3 =	vmul.f32 v6, v3;
	v2 =	vadd.f32 v2, v60;
	v1 =	vadd.f32 v8, v10;
	[tilespmem:s7+$0xFFFFFFE0] =	vst v5  }
0x177: {  	s2 =	sadd.s32 s19, s15;
	v63 =	vadd.f32 v62, v61;
	[tilespmem:s7+$0xFFFFFDF0] =	vst v4  }
0x178: {  	s10 =	sadd.s32 s31, s2;
	[tilespmem:s7+$0xFFFFFFF0] =	vst v2;
	v1 =	vadd.f32 v3, v1  }
0x179: {  	s2 =	sadd.s32 s2, s5;
	s10 =	sshrl.u32 s10, $0x3;
	[tilespmem:s7+$0xFFFFFE00] =	vst v63  }
0x17a: {  	s20 =	simm.s32 $0x9C00;
	s2 =	sshrl.u32 s2, $0x3;
	s13 =	sadd.s32 s8, s10;
	[tilespmem:s7+$0x0] =	vst v1  }
0x17b: {  	[hbm4b:s13+s4] =	stream.linear.scatter [tilespmem:s20], [sflag:$0x6], $0x200, $0x38;
	[tilespmem:$0x1A080] =	vst v63  }
0x17c: {  	s24 =	simm.s32 $0x9E00;
	s2 =	sadd.s32 s8, s2  }
0x17d: {  	[hbm4b:s2+s4] =	stream.linear.scatter [tilespmem:s24], [sflag:$0x6], $0x200, $0x38;
	[tilespmem:$0x1A080] =	vst v63  }
.LBB2_9:
0x17e: {  	_ =	swait.ge [sflag:s28], $0x200  }
0x17f: {  	[sflag:s28] =	ssyncset.done $0x0  }
0x180: {  	[sflag:s28] =	ssyncadd.s32 $0xFFFFFE00  }
0x181: {  	_ =	swait.ge [sflag:s28], $0x200  }
0x182: {  	[sflag:s28] =	ssyncset.done $0x0  }
0x183: {  	[sflag:s28] =	ssyncadd.s32 $0xFFFFFE00  }
0x184: {  	s2 =	simm.s32 $0xFFFFFFFC;
	_ =	swait.ge [sflag:s28], $0x200  }
0x185: {  	s7 =	simm.s32 $0x0;
	s20 =	simm.s32 $0x4A30;
	[sflag:s28] =	ssyncset.done $0x0  }
0x186: {  	s24 =	simm.s32 $0xA30;
	s10 =	simm.s32 $0x9630;
	[sflag:s28] =	ssyncadd.s32 $0xFFFFFE00  }
.LBB2_10:
0x187: {  	v1 =	vld [tilespmem:s24+$0xFFFFFBD0]  }
0x188: {  	v2 =	vld [tilespmem:s24+$0xFFFFFDD0]  }
0x189: {  	v3 =	vld [tilespmem:s24+$0xFFFFFFD0];
	_ =	sdelay $0x3  }
0x18a: {  	v1 =	vadd.f32 $2.000000000e+00, v1;
	v2 =	vadd.f32 $2.000000000e+00, v2  }
0x18b: {  	v3 =	vadd.f32 $2.000000000e+00, v3  }
0x18c: {  	v1 =	vmul.f32 $2.500000000e-01, v1;
	v2 =	vmul.f32 $2.500000000e-01, v2  }
0x18d: {  	v3 =	vmul.f32 $2.500000000e-01, v3  }
0x18e: {  	v1 =	vmul.f32 v1, v0;
	v2 =	vmul.f32 v2, v0  }
0x18f: {  	v18 =	vld [tilespmem:s24+$0xFFFFFFE0];
	v3 =	vmul.f32 v3, v0  }
0x190: {  	v4 =	vtrunc.f32 v1;
	v5 =	vtrunc.f32 v2  }
0x191: {  	v6 =	vtrunc.f32 v3;
	v4 =	vcvt.f32.s32 v4  }
0x192: {  	v5 =	vcvt.f32.s32 v5;
	v6 =	vcvt.f32.s32 v6  }
0x193: {  	v37 =	vld [tilespmem:s24+$0xFFFFFDE0];
	v7 =	vcvt.s32.f32 v4  }
0x194: {  	v40 =	vadd.f32 $2.000000000e+00, v18;
	v8 =	vcvt.s32.f32 v5;
	v9 =	vcvt.s32.f32 v6  }
0x195: {  	v5 =	vmul.u32 $0x9E3779B1, v5;
	v6 =	vmul.u32 $0x30025795, v6;
	v1 =	vsub.f32 v1, v7  }
0x196: {  	v32 =	vadd.s32 $0x1, v4;
	v2 =	vsub.f32 v2, v8;
	v3 =	vsub.f32 v3, v9  }
0x197: {  	v33 =	vadd.s32 $0x9E3779B1, v5;
	v34 =	vxor.u32 v4, v5;
	v10 =	vadd.s32 $0x30025795, v6  }
0x198: {  	v5 =	vxor.u32 v32, v5;
	v8 =	vadd.f32 $2.000000000e+00, v37;
	v11 =	vxor.u32 v6, v34  }
0x199: {  	v13 =	vxor.u32 v6, v5;
	v4 =	vxor.u32 v4, v33;
	v7 =	vxor.u32 v32, v33  }
0x19a: {  	v9 =	vxor.u32 v34, v10;
	v5 =	vxor.u32 v5, v10;
	v12 =	vand.u32 $0x7FFFF, v11  }
0x19b: {  	v36 =	vld [tilespmem:s24+$0xFFFFFBE0];
	v11 =	vand.u32 $0x7FF80, v11;
	v35 =	vand.u32 $0x7FFFF, v13;
	v13 =	vand.u32 $0x7FF80, v13  }
0x19c: {  	v28 =	vld [tilespmem:s24+$0xFFFFFDF0];
	v16 =	vxor.u32 v6, v4;
	v6 =	vxor.u32 v6, v7;
	v39 =	vand.u32 $0x7FFFF, v9  }
0x19d: {  	v29 =	vld [tilespmem:s24+$0xFFFFFFF0];
	v9 =	vand.u32 $0x7FF80, v9;
	v21 =	vand.u32 $0x7FFFF, v5;
	v8 =	vmul.f32 $2.500000000e-01, v8  }
0x19e: {  	v5 =	vand.u32 $0x7FF80, v5;
	[tilespmem:s10+$0xFFFFFBD0] =	vst v1;
	v1 =	vxor.u32 v10, v4;
	v11 =	vadd.s32 v11, v12  }
0x19f: {  	v12 =	vadd.s32 v13, v35;
	v17 =	vand.u32 $0x7FFFF, v16;
	v16 =	vand.u32 $0x7FF80, v16  }
0x1a0: {  	v26 =	vld [tilespmem:s24+$0xFFFFFBF0];
	v38 =	vand.u32 $0x7FFFF, v6;
	v6 =	vand.u32 $0x7FF80, v6;
	v13 =	vadd.f32 $2.000000000e+00, v36  }
0x1a1: {  	[tilespmem:s10+$0xFFFFFDD0] =	vst v2;
	v9 =	vadd.s32 v9, v39;
	v5 =	vadd.s32 v5, v21;
	v2 =	vand.u32 $0x7FFFF, v1  }
0x1a2: {  	v1 =	vand.u32 $0x7FF80, v1;
	v35 =	vadd.f32 $2.000000000e+00, v28;
	v36 =	vadd.f32 $2.000000000e+00, v29  }
0x1a3: {  	v14 =	vadd.s32 $0x80, v11;
	v15 =	vadd.s32 $0x80, v12;
	v16 =	vadd.s32 v16, v17  }
0x1a4: {  	v6 =	vadd.s32 v6, v38;
	v17 =	vmul.f32 $2.500000000e-01, v40;
	v42 =	vmul.f32 v8, v0  }
0x1a5: {  	v41 =	vadd.s32 $0x80, v9;
	v8 =	vadd.f32 $2.000000000e+00, v26;
	v13 =	vmul.f32 $2.500000000e-01, v13  }
0x1a6: {  	v2 =	vadd.s32 v1, v2;
	v43 =	vmul.f32 v17, v0;
	v45 =	vtrunc.f32 v42  }
0x1a7: {  	s13 =	sand.u32 $0x1C0, s7;
	[tilespmem:s10+$0xFFFFFFD0] =	vst v3;
	v47 =	vadd.s32 $0x80, v5;
	v8 =	vmul.f32 $2.500000000e-01, v8;
	v17 =	vmul.f32 $2.500000000e-01, v35  }
0x1a8: {  	[tilespmem:s13+$0x2C00] =	vst v11;
	v19 =	vadd.s32 $0x80, v16;
	v13 =	vmul.f32 v13, v0;
	v1 =	vcvt.f32.s32 v45  }
0x1a9: {  	[tilespmem:s13+$0x3000] =	vst v12;
	v20 =	vadd.s32 $0x80, v6;
	v46 =	vtrunc.f32 v43;
	v8 =	vmul.f32 v8, v0  }
0x1aa: {  	[tilespmem:s13+$0x3C00] =	vst v9;
	v48 =	vadd.s32 $0x80, v2;
	v39 =	vmul.f32 v17, v0;
	v44 =	vtrunc.f32 v13  }
0x1ab: {  	[tilespmem:s13+$0x4000] =	vst v5;
	v11 =	vcvt.f32.s32 v46;
	v50 =	vcvt.s32.f32 v1;
	v22 =	vmul.u32 $0x9E3779B1, v1  }
0x1ac: {  	[tilespmem:s13+$0x3E00] =	vst v41;
	v1 =	vxor.u32 v10, v7;
	v3 =	vcvt.f32.s32 v44;
	v41 =	vtrunc.f32 v8  }
0x1ad: {  	[tilespmem:s13+$0x2E00] =	vst v14;
	v51 =	vcvt.s32.f32 v11;
	v52 =	vmul.u32 $0x30025795, v11;
	v4 =	vsub.f32 v42, v50  }
0x1ae: {  	[tilespmem:s13+$0x3200] =	vst v15;
	v57 =	vadd.s32 $0x9E3779B1, v22;
	v11 =	vcvt.f32.s32 v41;
	v49 =	vcvt.s32.f32 v3  }
0x1af: {  	[tilespmem:s13+$0x3400] =	vst v16;
	v54 =	vxor.u32 v3, v22;
	v55 =	vadd.s32 $0x1, v3;
	v3 =	vxor.u32 v3, v57  }
0x1b0: {  	[tilespmem:s13+$0x3800] =	vst v6;
	v7 =	vsub.f32 v43, v51;
	v56 =	vxor.u32 v52, v54;
	v59 =	vadd.s32 $0x30025795, v52  }
0x1b1: {  	[tilespmem:s13+$0x4200] =	vst v47;
	v60 =	vxor.u32 v55, v22;
	v24 =	vxor.u32 v52, v3;
	v6 =	vxor.u32 v55, v57  }
0x1b2: {  	[tilespmem:s13+$0x4400] =	vst v2;
	v43 =	vtrunc.f32 v39;
	v47 =	vcvt.s32.f32 v11;
	v53 =	vsub.f32 v13, v49  }
0x1b3: {  	[tilespmem:s13+$0x3600] =	vst v19;
	v58 =	vand.u32 $0x7FFFF, v56;
	v13 =	vand.u32 $0x7FF80, v56;
	v62 =	vxor.u32 v52, v60  }
0x1b4: {  	[tilespmem:s13+$0x3A00] =	vst v20;
	v25 =	vand.u32 $0x7FFFF, v24;
	v20 =	vand.u32 $0x7FF80, v24;
	v10 =	vxor.u32 v52, v6  }
0x1b5: {  	[tilespmem:s13+$0x4600] =	vst v48;
	v12 =	vxor.u32 v54, v59;
	v15 =	vxor.u32 v60, v59;
	v3 =	vxor.u32 v59, v3  }
0x1b6: {  	[tilespmem:s10+$0xFFFFFDE0] =	vst v4;
	v44 =	vcvt.f32.s32 v43;
	v13 =	vadd.s32 v13, v58;
	v63 =	vand.u32 $0x7FFFF, v62  }
0x1b7: {  	v19 =	vand.u32 $0x7FF80, v62;
	v5 =	vadd.s32 v20, v25;
	v2 =	vand.u32 $0x7FFFF, v10;
	[tilespmem:s10+$0xFFFFFFE0] =	vst v7  }
0x1b8: {  	v21 =	vld [tilespmem:s24+$0xFFFFFC00];
	v10 =	vand.u32 $0x7FF80, v10;
	v30 =	vand.u32 $0x7FFFF, v12;
	v12 =	vand.u32 $0x7FF80, v12;
	[tilespmem:s10+$0xFFFFFBE0] =	vst v53  }
0x1b9: {  	v34 =	vand.u32 $0x7FFFF, v15;
	v15 =	vand.u32 $0x7FF80, v15;
	v61 =	vadd.s32 $0x80, v13;
	[tilespmem:s20+$0xFFFFE1E0] =	vst v13  }
0x1ba: {  	v38 =	vand.u32 $0x7FFFF, v3;
	v3 =	vand.u32 $0x7FF80, v3;
	v27 =	vadd.s32 v19, v63;
	[tilespmem:s20+$0xFFFFE3E0] =	vst v61  }
0x1bb: {  	v23 =	vld [tilespmem:s24+$0xFFFFFE00];
	v4 =	vsub.f32 v8, v47;
	v2 =	vadd.s32 v10, v2;
	v10 =	vadd.s32 v12, v30;
	[tilespmem:s20+$0xFFFFE5E0] =	vst v27  }
0x1bc: {  	v32 =	vadd.s32 $0x80, v5;
	v7 =	vadd.s32 v15, v34;
	v3 =	vadd.s32 v3, v38;
	[tilespmem:s20+$0xFFFFE9E0] =	vst v5  }
0x1bd: {  	v24 =	vld [tilespmem:s24+$0x0];
	v48 =	vcvt.s32.f32 v44;
	v53 =	vadd.s32 $0x1, v11;
	v30 =	vadd.f32 $2.000000000e+00, v21;
	[tilespmem:s20+$0xFFFFEBE0] =	vst v32  }
0x1be: {  	v31 =	vadd.s32 $0x80, v27;
	v33 =	vadd.s32 $0x80, v2;
	v37 =	vadd.s32 $0x80, v10;
	[tilespmem:s20+$0xFFFFEDE0] =	vst v2  }
0x1bf: {  	v15 =	vadd.s32 $0x80, v7;
	v13 =	vmul.f32 $2.500000000e-01, v36;
	v42 =	vadd.s32 $0x80, v3;
	[tilespmem:s20+$0xFFFFF1E0] =	vst v10  }
0x1c0: {  	v2 =	vxor.u32 v59, v6;
	v6 =	vmul.u32 $0x9E3779B1, v44;
	[tilespmem:s20+$0xFFFFF5E0] =	vst v7;
	v32 =	vadd.f32 $2.000000000e+00, v23  }
0x1c1: {  	[tilespmem:s20+$0xFFFFF9E0] =	vst v3;
	v46 =	vand.u32 $0x7FFFF, v2;
	v2 =	vand.u32 $0x7FF80, v2;
	v51 =	vsub.f32 v39, v48  }
0x1c2: {  	[tilespmem:s10+$0xFFFFFBF0] =	vst v4;
	v9 =	vmul.f32 $2.500000000e-01, v30;
	v40 =	vmul.f32 v13, v0;
	v34 =	vadd.f32 $2.000000000e+00, v24  }
0x1c3: {  	[tilespmem:s20+$0xFFFFE7E0] =	vst v31;
	v2 =	vadd.s32 v2, v46;
	v54 =	vxor.u32 v11, v6;
	v3 =	vadd.s32 $0x9E3779B1, v6  }
0x1c4: {  	[tilespmem:s20+$0xFFFFEFE0] =	vst v33;
	v6 =	vxor.u32 v53, v6;
	v45 =	vtrunc.f32 v40;
	v35 =	vmul.f32 $2.500000000e-01, v34  }
0x1c5: {  	[tilespmem:s20+$0xFFFFF3E0] =	vst v37;
	v7 =	vmul.f32 $2.500000000e-01, v32;
	v49 =	vadd.s32 $0x80, v2;
	v13 =	vcvt.f32.s32 v45  }
0x1c6: {  	[tilespmem:s20+$0xFFFFF7E0] =	vst v15;
	v11 =	vxor.u32 v11, v3;
	v9 =	vmul.f32 v9, v0;
	v37 =	vmul.f32 v35, v0  }
0x1c7: {  	[tilespmem:s20+$0xFFFFFBE0] =	vst v42;
	v7 =	vmul.f32 v7, v0;
	v50 =	vcvt.s32.f32 v13;
	v52 =	vmul.u32 $0x30025795, v13  }
0x1c8: {  	[tilespmem:s20+$0xFFFFFDE0] =	vst v2;
	v3 =	vxor.u32 v53, v3;
	v38 =	vtrunc.f32 v9;
	v42 =	vtrunc.f32 v37  }
0x1c9: {  	[tilespmem:s10+$0xFFFFFDF0] =	vst v51;
	v5 =	vsub.f32 v40, v50;
	v56 =	vxor.u32 v52, v54;
	v58 =	vxor.u32 v52, v6  }
0x1ca: {  	[tilespmem:s20+$0xFFFFFFE0] =	vst v49;
	v61 =	vxor.u32 v52, v11;
	v57 =	vand.u32 $0x7FFFF, v56;
	v15 =	vand.u32 $0x7FF80, v56  }
0x1cb: {  	v60 =	vand.u32 $0x7FFFF, v58;
	v62 =	vand.u32 $0x7FF80, v58;
	v2 =	vadd.s32 v15, v57;
	[tilespmem:s10+$0xFFFFFFF0] =	vst v5  }
0x1cc: {  	v63 =	vand.u32 $0x7FFFF, v61;
	v16 =	vand.u32 $0x7FF80, v61;
	v4 =	vadd.s32 v62, v60;
	[tilespmem:s20+$0xFFFFE1F0] =	vst v2  }
0x1cd: {  	v55 =	vadd.s32 $0x30025795, v52;
	v8 =	vxor.u32 v52, v3;
	v20 =	vadd.s32 v16, v63;
	[tilespmem:s20+$0xFFFFE5F0] =	vst v4  }
0x1ce: {  	v40 =	vtrunc.f32 v7;
	v13 =	vxor.u32 v54, v55;
	v59 =	vadd.s32 $0x80, v2;
	[tilespmem:s20+$0xFFFFE9F0] =	vst v20  }
0x1cf: {  	v6 =	vxor.u32 v6, v55;
	v33 =	vxor.u32 v55, v11;
	v22 =	vadd.s32 $0x80, v4;
	[tilespmem:s20+$0xFFFFE3F0] =	vst v59  }
0x1d0: {  	v25 =	vand.u32 $0x7FFFF, v13;
	v26 =	vand.u32 $0x7FF80, v13;
	v12 =	vadd.s32 $0x80, v20;
	[tilespmem:s20+$0xFFFFE7F0] =	vst v22  }
0x1d1: {  	v29 =	vand.u32 $0x7FFFF, v6;
	v6 =	vand.u32 $0x7FF80, v6;
	v27 =	vadd.s32 v26, v25;
	[tilespmem:s20+$0xFFFFEBF0] =	vst v12  }
0x1d2: {  	v2 =	vand.u32 $0x7FFFF, v8;
	v8 =	vand.u32 $0x7FF80, v8;
	v5 =	vadd.s32 v6, v29;
	[tilespmem:s20+$0xFFFFF1F0] =	vst v27  }
0x1d3: {  	v3 =	vxor.u32 v55, v3;
	v41 =	vcvt.f32.s32 v40;
	v2 =	vadd.s32 v8, v2;
	[tilespmem:s20+$0xFFFFF5F0] =	vst v5  }
0x1d4: {  	v10 =	vand.u32 $0x7FF80, v33;
	v39 =	vand.u32 $0x7FFFF, v3;
	v31 =	vadd.s32 $0x80, v27;
	[tilespmem:s20+$0xFFFFEDF0] =	vst v2  }
0x1d5: {  	v45 =	vcvt.s32.f32 v41;
	v36 =	vadd.s32 $0x80, v5;
	v8 =	vcvt.f32.s32 v38;
	[tilespmem:s20+$0xFFFFF3F0] =	vst v31  }
0x1d6: {  	v3 =	vand.u32 $0x7FF80, v3;
	v28 =	vadd.s32 $0x80, v2;
	v2 =	vand.u32 $0x7FFFF, v33;
	[tilespmem:s20+$0xFFFFF7F0] =	vst v36  }
0x1d7: {  	v7 =	vsub.f32 v7, v45;
	[tilespmem:s20+$0xFFFFEFF0] =	vst v28;
	v2 =	vadd.s32 v10, v2;
	v43 =	vcvt.s32.f32 v8  }
0x1d8: {  	v10 =	vadd.s32 $0x80, v2;
	[tilespmem:s20+$0xFFFFF9F0] =	vst v2;
	v2 =	vadd.s32 v3, v39;
	v3 =	vcvt.f32.s32 v42  }
0x1d9: {  	v4 =	vmul.u32 $0x9E3779B1, v41;
	[tilespmem:s10+$0xFFFFFE00] =	vst v7;
	v44 =	vadd.s32 $0x80, v2  }
0x1da: {  	[tilespmem:s20+$0xFFFFFDF0] =	vst v2;
	v2 =	vsub.f32 v9, v43;
	v46 =	vcvt.s32.f32 v3;
	v3 =	vmul.u32 $0x30025795, v3  }
0x1db: {  	v47 =	vadd.s32 $0x1, v8;
	v48 =	vxor.u32 v8, v4;
	[tilespmem:s20+$0xFFFFFBF0] =	vst v10  }
0x1dc: {  	v50 =	vxor.u32 v47, v4;
	[tilespmem:s10+$0xFFFFFC00] =	vst v2;
	v2 =	vsub.f32 v37, v46;
	v49 =	vxor.u32 v3, v48  }
0x1dd: {  	v4 =	vadd.s32 $0x9E3779B1, v4;
	[tilespmem:s20+$0xFFFFFFF0] =	vst v44;
	v51 =	vand.u32 $0x7FFFF, v49;
	v5 =	vand.u32 $0x7FF80, v49  }
0x1de: {  	v55 =	vxor.u32 v8, v4;
	v52 =	vxor.u32 v3, v50;
	[tilespmem:s10+$0x0] =	vst v2;
	v2 =	vadd.s32 v5, v51  }
0x1df: {  	v53 =	vand.u32 $0x7FFFF, v52;
	v54 =	vand.u32 $0x7FF80, v52;
	[tilespmem:s20+$0xFFFFE200] =	vst v2;
	v2 =	vadd.s32 $0x80, v2  }
0x1e0: {  	v5 =	vadd.s32 v54, v53;
	[tilespmem:s20+$0xFFFFE400] =	vst v2;
	v2 =	vand.u32 $0x7FFFF, v1;
	v1 =	vand.u32 $0x7FF80, v1  }
0x1e1: {  	v4 =	vxor.u32 v47, v4;
	v56 =	vxor.u32 v3, v55;
	[tilespmem:s20+$0xFFFFE600] =	vst v5;
	v1 =	vadd.s32 v1, v2  }
0x1e2: {  	v57 =	vand.u32 $0x7FFFF, v56;
	v2 =	vadd.s32 $0x80, v5;
	v5 =	vand.u32 $0x7FF80, v56;
	[tilespmem:s13+$0x4800] =	vst v1  }
0x1e3: {  	[tilespmem:s20+$0xFFFFE800] =	vst v2;
	v2 =	vadd.s32 $0x30025795, v3;
	v5 =	vadd.s32 v5, v57;
	v3 =	vxor.u32 v3, v4  }
0x1e4: {  	v1 =	vadd.s32 $0x80, v1;
	[tilespmem:s20+$0xFFFFEA00] =	vst v5;
	v5 =	vadd.s32 $0x80, v5;
	v58 =	vand.u32 $0x7FFFF, v3  }
0x1e5: {  	v3 =	vand.u32 $0x7FF80, v3;
	v59 =	vxor.u32 v48, v2;
	v61 =	vxor.u32 v50, v2;
	[tilespmem:s13+$0x4A00] =	vst v1  }
0x1e6: {  	v62 =	vxor.u32 v2, v55;
	v2 =	vxor.u32 v2, v4;
	[tilespmem:s20+$0xFFFFEC00] =	vst v5;
	v3 =	vadd.s32 v3, v58  }
0x1e7: {  	v4 =	vand.u32 $0x7FFFF, v2;
	v2 =	vand.u32 $0x7FF80, v2;
	[tilespmem:s20+$0xFFFFEE00] =	vst v3;
	v3 =	vadd.s32 $0x80, v3  }
0x1e8: {  	v60 =	vand.u32 $0x7FFFF, v59;
	v5 =	vand.u32 $0x7FF80, v59;
	v2 =	vadd.s32 v2, v4;
	[tilespmem:s20+$0xFFFFF000] =	vst v3  }
0x1e9: {  	v3 =	vadd.s32 v5, v60;
	[tilespmem:s20+$0xFFFFFE00] =	vst v2  }
0x1ea: {  	s2 =	sadd.s32 $0x4, s2;
	v2 =	vadd.s32 $0x80, v2;
	[tilespmem:s20+$0xFFFFF200] =	vst v3  }
0x1eb: {  	p1 =	slt.u32 s2, $0x1C;
	v6 =	vand.u32 $0x7FFFF, v61;
	v5 =	vand.u32 $0x7FF80, v61;
	v3 =	vadd.s32 $0x80, v3;
	[tilespmem:s20+$0x0] =	vst v2  }
.Ltmp3:
0x1ec: {  	[tilespmem:s20+$0xFFFFF400] =	vst v3;
	v3 =	vadd.s32 v5, v6;
	(pc) =	sbr.rel @p1 .LBB2_10-.Ltmp3, $4  }
0x1ed: {  	v63 =	vand.u32 $0x7FFFF, v62;
	v5 =	vand.u32 $0x7FF80, v62;
	[tilespmem:s20+$0xFFFFF600] =	vst v3;
	v3 =	vadd.s32 $0x80, v3  }
0x1ee: {  	[tilespmem:s20+$0xFFFFF800] =	vst v3;
	v3 =	vadd.s32 v5, v63  }
0x1ef: {  	s7 =	sadd.s32 $0x40, s7;
	[tilespmem:s20+$0xFFFFFA00] =	vst v3;
	v3 =	vadd.s32 $0x80, v3  }
0x1f0: {  	s24 =	sadd.s32 $0x40, s24;
	s10 =	sadd.s32 $0x40, s10;
	[tilespmem:s20+$0xFFFFFC00] =	vst v3;
	s20 =	sadd.s32 $0x40, s20  }
0x1f1: {  	s2 =	simm.s32 $0x2C00;
	s7 =	simm.s32 $0x6C00  }
0x1f2: {  	[tilespmem:s7], [sflag:$0x2] =	stream.indirect.gather [spmem:s3], $0x1, s2, s25, $0xb8;
	[tilespmem:$0x1A080] =	vst v63  }
0x1f3: {  	s10 =	simm.s32 $0x3000;
	s13 =	simm.s32 $0x7000  }
0x1f4: {  	[tilespmem:s13], [sflag:$0x2] =	stream.indirect.gather [spmem:s3], $0x1, s10, s25, $0xb8;
	[tilespmem:$0x1A080] =	vst v63  }
0x1f5: {  	s20 =	simm.s32 $0x3400;
	s24 =	simm.s32 $0x7400  }
0x1f6: {  	[tilespmem:s24], [sflag:$0x2] =	stream.indirect.gather [spmem:s3], $0x1, s20, s25, $0xb8;
	[tilespmem:$0x1A080] =	vst v63  }
0x1f7: {  	s10 =	simm.s32 $0x3800;
	s13 =	simm.s32 $0x7800  }
0x1f8: {  	[tilespmem:s13], [sflag:$0x2] =	stream.indirect.gather [spmem:s3], $0x1, s10, s25, $0xb8;
	[tilespmem:$0x1A080] =	vst v63  }
0x1f9: {  	s20 =	simm.s32 $0x3C00;
	s24 =	simm.s32 $0x7C00  }
0x1fa: {  	[tilespmem:s24], [sflag:$0x2] =	stream.indirect.gather [spmem:s3], $0x1, s20, s25, $0xb8;
	[tilespmem:$0x1A080] =	vst v63  }
0x1fb: {  	p1 =	seq.s32 s0, $0x1F;
	s10 =	simm.s32 $0x4000;
	s13 =	simm.s32 $0x8000  }
0x1fc: {  	[tilespmem:s13], [sflag:$0x2] =	stream.indirect.gather [spmem:s3], $0x1, s10, s25, $0xb8;
	[tilespmem:$0x1A080] =	vst v63  }
0x1fd: {  	s2 =	sadd.s32 @!p1 s19, s16;
	s20 =	simm.s32 $0x4400  }
0x1fe: {  	[tilespmem:s14], [sflag:$0x2] =	stream.indirect.gather [spmem:s3], $0x1, s20, s25, $0xb8;
	[tilespmem:$0x1A080] =	vst v63  }
0x1ff: {  	s2 =	sshrl.u32 @!p1 s2, $0x3  }
0x200: {  	[tilespmem:s22], [sflag:$0x2] =	stream.indirect.gather [spmem:s3], $0x1, s18, s25, $0xb8;
	[tilespmem:$0x1A080] =	vst v63  }
0x201: {  	s7 =	sadd.s32 @!p1 s1, s2;
	s10 =	simm.s32 @!p1 $0x0  }
0x202: {  	[tilespmem:s10], [sflag:$0x3] =	stream.linear.gather @!p1 [hbm4b:s7+s10], $0x200, $0x38;
	[tilespmem:$0x1A080] =	vst v63  }
0x203: {  	s13 =	simm.s32 @!p1 $0x200;
	s7 =	sadd.s32 @!p1 $0x20000, s7  }
0x204: {  	[tilespmem:s13], [sflag:$0x3] =	stream.linear.gather @!p1 [hbm4b:s7+s10], $0x200, $0x38;
	[tilespmem:$0x1A080] =	vst v63  }
0x205: {  	s2 =	sadd.s32 @!p1 s2, s12;
	s7 =	simm.s32 @!p1 $0x400  }
0x206: {  	[tilespmem:s7], [sflag:$0x3] =	stream.linear.gather @!p1 [hbm4b:s2+s10], $0x200, $0x38;
	[tilespmem:$0x1A080] =	vst v63  }
0x207: {  	_ =	swait.ge [sflag:s23], $0x400  }
0x208: {  	[sflag:s23] =	ssyncset.done $0x0  }
0x209: {  	[sflag:s23] =	ssyncadd.s32 $0xFFFFFC00  }
0x20a: {  	_ =	swait.ge [sflag:s23], $0x400  }
0x20b: {  	[sflag:s23] =	ssyncset.done $0x0  }
0x20c: {  	[sflag:s23] =	ssyncadd.s32 $0xFFFFFC00  }
0x20d: {  	_ =	swait.ge [sflag:s23], $0x400  }
0x20e: {  	[sflag:s23] =	ssyncset.done $0x0  }
0x20f: {  	[sflag:s23] =	ssyncadd.s32 $0xFFFFFC00  }
0x210: {  	_ =	swait.ge [sflag:s23], $0x400  }
0x211: {  	[sflag:s23] =	ssyncset.done $0x0  }
0x212: {  	[sflag:s23] =	ssyncadd.s32 $0xFFFFFC00  }
0x213: {  	_ =	swait.ge [sflag:s23], $0x400  }
0x214: {  	[sflag:s23] =	ssyncset.done $0x0  }
0x215: {  	[sflag:s23] =	ssyncadd.s32 $0xFFFFFC00  }
0x216: {  	_ =	swait.ge [sflag:s23], $0x400  }
0x217: {  	[sflag:s23] =	ssyncset.done $0x0  }
0x218: {  	[sflag:s23] =	ssyncadd.s32 $0xFFFFFC00  }
0x219: {  	_ =	swait.ge [sflag:s23], $0x400  }
0x21a: {  	[sflag:s23] =	ssyncset.done $0x0  }
0x21b: {  	[sflag:s23] =	ssyncadd.s32 $0xFFFFFC00  }
0x21c: {  	_ =	swait.ge [sflag:s23], $0x400  }
0x21d: {  	[sflag:s23] =	ssyncset.done $0x0  }
0x21e: {  	s2 =	simm.s32 @!p0 $0x5;
	[sflag:s23] =	ssyncadd.s32 $0xFFFFFC00  }
0x21f: {  	_ =	swait.ge @!p0 [sflag:s2], $0x200  }
0x220: {  	[sflag:s2] =	ssyncset.done @!p0 $0x0  }
0x221: {  	[sflag:s2] =	ssyncadd.s32 @!p0 $0xFFFFFE00  }
0x222: {  	_ =	swait.ge @!p0 [sflag:s2], $0x200  }
0x223: {  	s24 =	simm.s32 $0x0;
	[sflag:s2] =	ssyncset.done @!p0 $0x0  }
0x224: {  	[sflag:s2] =	ssyncadd.s32 @!p0 $0xFFFFFE00;
	s2 =	sand.u32 $0x1C0, s24  }
0x225: {  	v10 =	vld [tilespmem:s2+$0x6400]  }
0x226: {  	v9 =	vld [tilespmem:s2+$0x6600]  }
0x227: {  	v12 =	vld [tilespmem:s2+$0x6000]  }
0x228: {  	v11 =	vld [tilespmem:s2+$0x6200]  }
0x229: {  	v20 =	vld [tilespmem:s2+$0x5C00]  }
0x22a: {  	v18 =	vld [tilespmem:s2+$0x5E00]  }
0x22b: {  	v25 =	vld [tilespmem:s2+$0x5800]  }
0x22c: {  	v26 =	vld [tilespmem:s2+$0x5A00]  }
0x22d: {  	s24 =	simm.s32 $0x8E20;
	v27 =	vld [tilespmem:s2+$0x5400]  }
0x22e: {  	v5 =	vld [tilespmem:s24+$0x10]  }
0x22f: {  	v6 =	vld [tilespmem:s24+$0x210]  }
0x230: {  	v3 =	vld [tilespmem:s24+$0xFFFFFFE0]  }
0x231: {  	v1 =	vld [tilespmem:s24+$0x1E0]  }
0x232: {  	v14 =	vld [tilespmem:s24+$0xFFFFFFF0]  }
0x233: {  	v15 =	vld [tilespmem:s24+$0x1F0]  }
0x234: {  	v13 =	vld [tilespmem:s24+$0x0]  }
0x235: {  	v16 =	vld [tilespmem:s24+$0x200];
	v4 =	vsub.f32 $1.000000000e+00, v5  }
0x236: {  	v28 =	vld [tilespmem:s2+$0x5600];
	v2 =	vsub.f32 $1.000000000e+00, v6;
	v8 =	vsub.f32 $1.000000000e+00, v3  }
0x237: {  	s20 =	simm.s32 $0x5C10;
	v24 =	vld [tilespmem:s24+$0xFFFFFE10];
	v21 =	vsub.f32 $1.000000000e+00, v1;
	v31 =	vsub.f32 $1.000000000e+00, v14  }
0x238: {  	v7 =	vld [tilespmem:s20+$0xFFFFF220];
	v33 =	vsub.f32 $1.000000000e+00, v15;
	v17 =	vmul.f32 v2, v4;
	v22 =	vmul.f32 v1, v8  }
0x239: {  	v19 =	vld [tilespmem:s20+$0xFFFFF620];
	v38 =	vsub.f32 $1.000000000e+00, v13;
	v1 =	vmul.f32 v1, v3;
	v8 =	vmul.f32 v21, v8  }
0x23a: {  	v23 =	vld [tilespmem:s20+$0xFFFFFA20];
	v41 =	vsub.f32 $1.000000000e+00, v16;
	v34 =	vmul.f32 v2, v5;
	v37 =	vmul.f32 v21, v3  }
0x23b: {  	v36 =	vld [tilespmem:s20+$0xFFFFFE20];
	v21 =	vmul.f32 v33, v31;
	v33 =	vmul.f32 v33, v14  }
0x23c: {  	v40 =	vld [tilespmem:s20+$0x220];
	v42 =	vmul.f32 v6, v4;
	v45 =	vmul.f32 v41, v38  }
0x23d: {  	v62 =	vld [tilespmem:s20+$0xFFFFF820];
	v6 =	vmul.f32 v6, v5;
	v41 =	vmul.f32 v41, v13  }
0x23e: {  	v56 =	vld [tilespmem:s20+$0xFFFFF420];
	v30 =	vsub.f32 $1.000000000e+00, v24;
	v31 =	vmul.f32 v15, v31;
	v38 =	vmul.f32 v16, v38  }
0x23f: {  	v57 =	vld [tilespmem:s20+$0xFFFFF020];
	v14 =	vmul.f32 v15, v14;
	v13 =	vmul.f32 v16, v13  }
0x240: {  	v2 =	vld [tilespmem:s24+$0xFFFFFDF0];
	v32 =	vmul.f32 v17, v30;
	v35 =	vmul.f32 v17, v24  }
0x241: {  	v4 =	vld [tilespmem:s24+$0xFFFFFDE0];
	v39 =	vmul.f32 v34, v30;
	v34 =	vmul.f32 v34, v24  }
0x242: {  	v29 =	vld [tilespmem:s2+$0x5200];
	v47 =	vmul.f32 v42, v30;
	v7 =	vmul.f32 v32, v7  }
0x243: {  	v43 =	vld [tilespmem:s20+$0x620];
	v19 =	vmul.f32 v19, v35;
	v23 =	vmul.f32 v23, v39  }
0x244: {  	v3 =	vld [tilespmem:s24+$0xFFFFFE00];
	v36 =	vmul.f32 v36, v34;
	v40 =	vmul.f32 v40, v47  }
0x245: {  	v46 =	vld [tilespmem:s20+$0xFFFFEFF0];
	v39 =	vmul.f32 v62, v39;
	v35 =	vmul.f32 v56, v35;
	v17 =	vsub.f32 $1.000000000e+00, v2  }
0x246: {  	v48 =	vld [tilespmem:s20+$0xA20];
	v32 =	vmul.f32 v32, v57;
	v52 =	vmul.f32 v8, v4  }
0x247: {  	v50 =	vld [tilespmem:s20+$0xFFFFF1F0];
	v44 =	vmul.f32 v21, v2;
	v7 =	vadd.f32 $0.0e+00, v7;
	v49 =	vmul.f32 v21, v17  }
0x248: {  	v58 =	vld [tilespmem:s20+$0xE20];
	v21 =	vmul.f32 v42, v24;
	v29 =	vmul.f32 v29, v52  }
0x249: {  	v54 =	vld [tilespmem:s20+$0xFFFFF000];
	v55 =	vmul.f32 v33, v17;
	v7 =	vadd.f32 v19, v7;
	v19 =	vsub.f32 $1.000000000e+00, v3  }
0x24a: {  	v63 =	vld [tilespmem:s20+$0xFFFFF200];
	v33 =	vmul.f32 v33, v2;
	v43 =	vmul.f32 v43, v21  }
0x24b: {  	v5 =	vld [tilespmem:s20+$0xC20];
	v51 =	vadd.f32 v23, v7;
	v23 =	vsub.f32 $1.000000000e+00, v4;
	v53 =	vmul.f32 v45, v19  }
0x24c: {  	v62 =	vld [tilespmem:s20+$0xFFFFF600];
	v32 =	vadd.f32 $0.0e+00, v32;
	v7 =	vmul.f32 v6, v30;
	v45 =	vmul.f32 v45, v3  }
0x24d: {  	v56 =	vld [tilespmem:s20+$0x600];
	v6 =	vmul.f32 v6, v24;
	v59 =	vmul.f32 v8, v23  }
0x24e: {  	v32 =	vadd.f32 v32, v35;
	v24 =	vld [tilespmem:s20+$0x420];
	v48 =	vmul.f32 v48, v7;
	v61 =	vmul.f32 v37, v23  }
0x24f: {  	v30 =	vadd.f32 v36, v51;
	v37 =	vmul.f32 v37, v4;
	v51 =	vld [tilespmem:s20+$0xFFFFF610];
	v60 =	vmul.f32 v59, v46  }
0x250: {  	v32 =	vadd.f32 v39, v32;
	v36 =	vmul.f32 v59, v50;
	v50 =	vld [tilespmem:s20+$0xFFFFFC20];
	v27 =	vmul.f32 v27, v61  }
0x251: {  	v30 =	vadd.f32 v40, v30;
	v28 =	vmul.f32 v28, v61;
	v25 =	vmul.f32 v25, v37;
	v61 =	vld [tilespmem:s20+$0xFFFFF400]  }
0x252: {  	v26 =	vmul.f32 v26, v37;
	v37 =	vmul.f32 v62, v44;
	v62 =	vld [tilespmem:s20+$0xFFFFF810];
	v36 =	vadd.f32 $0.0e+00, v36  }
0x253: {  	v42 =	vmul.f32 v58, v6;
	v30 =	vadd.f32 v43, v30;
	v40 =	vadd.f32 $0.0e+00, v60;
	v60 =	vld [tilespmem:s20+$0xFFFFF3F0]  }
0x254: {  	v43 =	vmul.f32 v49, v54;
	v54 =	vld [tilespmem:s20+$0xFFFFF800];
	v57 =	vmul.f32 v51, v45;
	v29 =	vadd.f32 v29, v36  }
0x255: {  	v8 =	vld [tilespmem:s20+$0x820];
	v30 =	vadd.f32 v48, v30;
	v48 =	vmul.f32 v41, v19;
	v36 =	vmul.f32 v41, v3  }
0x256: {  	v46 =	vld [tilespmem:s20+$0x20];
	v34 =	vmul.f32 v50, v34;
	v28 =	vadd.f32 v28, v29;
	v29 =	vmul.f32 v49, v63  }
0x257: {  	v41 =	vld [tilespmem:s20+$0xFFFFF210];
	v43 =	vadd.f32 $0.0e+00, v43;
	v49 =	vmul.f32 v22, v23;
	v62 =	vmul.f32 v62, v48  }
0x258: {  	v51 =	vld [tilespmem:s20+$0x200];
	v30 =	vadd.f32 v42, v30;
	v22 =	vmul.f32 v22, v4;
	v52 =	vmul.f32 v60, v52  }
0x259: {  	v42 =	vld [tilespmem:s20+$0xFFFFF010];
	v60 =	vmul.f32 v61, v44;
	v58 =	vmul.f32 v54, v55;
	v32 =	vadd.f32 v34, v32  }
0x25a: {  	v63 =	vld [tilespmem:s20+$0xFFFFF410];
	v29 =	vadd.f32 $0.0e+00, v29;
	v20 =	vmul.f32 v20, v49;
	v18 =	vmul.f32 v18, v49  }
0x25b: {  	v54 =	vld [tilespmem:s20+$0x10];
	v26 =	vadd.f32 v26, v28;
	v12 =	vmul.f32 v12, v22;
	v22 =	vmul.f32 v11, v22  }
0x25c: {  	v61 =	vld [tilespmem:s20+$0xFFFFFA00];
	v41 =	vmul.f32 v53, v41;
	v40 =	vadd.f32 v40, v52;
	v28 =	vadd.f32 v43, v60  }
0x25d: {  	v49 =	vld [tilespmem:s20+$0x0];
	v43 =	vmul.f32 v38, v19;
	v38 =	vmul.f32 v38, v3;
	v29 =	vadd.f32 v37, v29  }
0x25e: {  	v52 =	vld [tilespmem:s20+$0xFFFFFC00];
	v18 =	vadd.f32 v18, v26;
	v42 =	vmul.f32 v53, v42;
	v53 =	vmul.f32 v31, v17  }
0x25f: {  	v59 =	vld [tilespmem:s20+$0xFFFFFE00];
	v41 =	vadd.f32 $0.0e+00, v41;
	v63 =	vmul.f32 v63, v45;
	v27 =	vadd.f32 v27, v40  }
0x260: {  	v60 =	vld [tilespmem:s20+$0xFFFFFC10];
	v28 =	vadd.f32 v58, v28;
	v31 =	vmul.f32 v31, v2;
	v26 =	vmul.f32 v54, v43  }
0x261: {  	v35 =	vadd.f32 $0.0e+00, v42;
	v42 =	vld [tilespmem:s20+$0xFFFFFA10];
	v25 =	vadd.f32 v25, v27;
	v27 =	vmul.f32 v61, v55  }
0x262: {  	v11 =	vld [tilespmem:s20+$0x810];
	v61 =	vadd.f32 v57, v41;
	v15 =	vmul.f32 v49, v53;
	v57 =	vmul.f32 v51, v53  }
0x263: {  	v35 =	vadd.f32 v35, v63;
	v63 =	vld [tilespmem:s20+$0xFFFFFE10];
	v27 =	vadd.f32 v27, v29;
	v29 =	vmul.f32 v52, v33  }
0x264: {  	v55 =	vld [tilespmem:s20+$0x210];
	v52 =	vmul.f32 v46, v47;
	v33 =	vmul.f32 v59, v33;
	v20 =	vadd.f32 v20, v25  }
0x265: {  	v34 =	vmul.f32 v60, v36;
	v60 =	vld [tilespmem:s20+$0x800];
	v35 =	vadd.f32 v62, v35;
	v28 =	vadd.f32 v29, v28  }
0x266: {  	v29 =	vld [tilespmem:s20+$0x400];
	v27 =	vadd.f32 v33, v27;
	v32 =	vadd.f32 v52, v32;
	v42 =	vmul.f32 v42, v48  }
0x267: {  	v58 =	vld [tilespmem:s20+$0x410];
	v62 =	vmul.f32 v24, v21;
	v24 =	vmul.f32 v14, v17;
	v34 =	vadd.f32 v34, v35  }
0x268: {  	v59 =	vld [tilespmem:s20+$0x610];
	v16 =	vadd.f32 v15, v28;
	v39 =	vadd.f32 v42, v61;
	v36 =	vmul.f32 v63, v36  }
0x269: {  	s7 =	simm.s32 $0x9A00;
	v25 =	vld [tilespmem:s20+$0xA00];
	v35 =	vadd.f32 v57, v27;
	v15 =	vmul.f32 v55, v43;
	v28 =	vadd.f32 v12, v20  }
0x26a: {  	[tilespmem:s7+$0x30] =	vst v30;
	v17 =	vld [tilespmem:s20+$0xC10];
	v20 =	vmul.f32 v56, v31;
	v30 =	vmul.f32 v60, v24;
	v36 =	vadd.f32 v36, v39  }
0x26b: {  	v12 =	vld [tilespmem:s20+$0xA10];
	v27 =	vadd.f32 v22, v18;
	v63 =	vmul.f32 v1, v23;
	v29 =	vmul.f32 v29, v31  }
0x26c: {  	v26 =	vadd.f32 v26, v34;
	v31 =	vmul.f32 v58, v38;
	v61 =	vadd.f32 v15, v36;
	v15 =	vld [tilespmem:s20+$0xC00]  }
0x26d: {  	v18 =	vmul.f32 v59, v38;
	v22 =	vadd.f32 v20, v35;
	v23 =	vadd.f32 v29, v16;
	v16 =	vld [tilespmem:s20+$0xE00]  }
0x26e: {  	v21 =	vadd.f32 v31, v26;
	v26 =	vmul.f32 v13, v19;
	v31 =	vmul.f32 v10, v63;
	v29 =	vld [tilespmem:s2+$0x6800]  }
0x26f: {  	s13 =	simm.s32 $0x40;
	s10 =	simm.s32 $0x0;
	v20 =	vadd.f32 v62, v32;
	v10 =	vmul.f32 v9, v63;
	v19 =	vadd.f32 v18, v61;
	v18 =	vld [tilespmem:s20+$0xE10]  }
.LBB2_12:
0x270: {  	v28 =	vadd.f32 v31, v28;
	v31 =	vld [tilespmem:s2+$0x6A00];
	s2 =	sand.u32 $0x1C0, s13;
	v24 =	vmul.f32 v25, v24;
	v25 =	vmul.f32 v11, v26  }
0x271: {  	v26 =	vmul.f32 v12, v26;
	v7 =	vmul.f32 v8, v7;
	v9 =	vld [tilespmem:s2+$0x6400];
	v27 =	vadd.f32 v10, v27  }
0x272: {  	v1 =	vmul.f32 v1, v4;
	v2 =	vmul.f32 v14, v2;
	v4 =	vadd.f32 v30, v23;
	v10 =	vld [tilespmem:s2+$0x6600]  }
0x273: {  	v3 =	vmul.f32 v13, v3;
	v8 =	vadd.f32 v24, v22;
	v21 =	vadd.f32 v25, v21;
	v11 =	vld [tilespmem:s2+$0x6000]  }
0x274: {  	v19 =	vadd.f32 v26, v19;
	v7 =	vadd.f32 v7, v20;
	v12 =	vld [tilespmem:s2+$0x6200];
	v22 =	vmul.f32 v29, v1  }
0x275: {  	v15 =	vmul.f32 v15, v2;
	v14 =	vld [tilespmem:s2+$0x5C00];
	v1 =	vmul.f32 v31, v1  }
0x276: {  	v2 =	vmul.f32 v16, v2;
	v16 =	vmul.f32 v17, v3;
	v13 =	vld [tilespmem:s2+$0x5E00];
	v20 =	vadd.f32 v22, v28  }
0x277: {  	v5 =	vmul.f32 v5, v6;
	v3 =	vmul.f32 v18, v3;
	v24 =	vld [tilespmem:s2+$0x5800];
	v1 =	vadd.f32 v1, v27  }
0x278: {  	v4 =	vadd.f32 v15, v4;
	v2 =	vadd.f32 v2, v8;
	v25 =	vld [tilespmem:s2+$0x5A00];
	[tilespmem:s7+$0xFFFFFE00] =	vst v20  }
0x279: {  	v3 =	vadd.f32 v3, v19;
	v27 =	vld [tilespmem:s2+$0x5400];
	[tilespmem:s7+$0x0] =	vst v1;
	v1 =	vadd.f32 v16, v21  }
0x27a: {  	v29 =	vld [tilespmem:s2+$0x5600];
	[tilespmem:s7+$0xFFFFFE10] =	vst v4;
	v4 =	vadd.f32 v5, v7  }
0x27b: {  	s24 =	sadd.s32 $0x40, s24;
	v30 =	vld [tilespmem:s2+$0x5200];
	[tilespmem:s7+$0x10] =	vst v2  }
0x27c: {  	v5 =	vld [tilespmem:s24+$0x10];
	[tilespmem:s7+$0xFFFFFE20] =	vst v1  }
0x27d: {  	s10 =	sadd.s32 $0x4, s10;
	v6 =	vld [tilespmem:s24+$0x210];
	[tilespmem:s7+$0x20] =	vst v3  }
0x27e: {  	p0 =	slt.u32 s10, $0x1C;
	v3 =	vld [tilespmem:s24+$0xFFFFFFE0];
	[tilespmem:s7+$0xFFFFFE30] =	vst v4  }
0x27f: {  	v26 =	vld [tilespmem:s24+$0xFFFFFE10]  }
0x280: {  	v1 =	vld [tilespmem:s24+$0x1E0]  }
0x281: {  	v15 =	vld [tilespmem:s24+$0xFFFFFFF0]  }
0x282: {  	s20 =	sadd.s32 $0x40, s20;
	v4 =	vsub.f32 $1.000000000e+00, v5;
	v16 =	vld [tilespmem:s24+$0x1F0];
	v2 =	vsub.f32 $1.000000000e+00, v6  }
0x283: {  	v7 =	vsub.f32 $1.000000000e+00, v3;
	v8 =	vld [tilespmem:s20+$0xFFFFF220]  }
0x284: {  	v17 =	vld [tilespmem:s24+$0x0];
	v31 =	vsub.f32 $1.000000000e+00, v26;
	v18 =	vmul.f32 v2, v4  }
0x285: {  	v20 =	vsub.f32 $1.000000000e+00, v1;
	v21 =	vmul.f32 v1, v7;
	v1 =	vmul.f32 v1, v3;
	v22 =	vld [tilespmem:s20+$0xFFFFF620]  }
0x286: {  	v32 =	vsub.f32 $1.000000000e+00, v15;
	v19 =	vld [tilespmem:s24+$0x200];
	v33 =	vmul.f32 v18, v31  }
0x287: {  	v23 =	vmul.f32 v2, v5;
	v34 =	vmul.f32 v20, v7;
	v7 =	vsub.f32 $1.000000000e+00, v16;
	v28 =	vld [tilespmem:s20+$0xFFFFFA20]  }
0x288: {  	v35 =	vmul.f32 v18, v26;
	v2 =	vld [tilespmem:s24+$0xFFFFFDF0];
	v8 =	vmul.f32 v33, v8  }
0x289: {  	v36 =	vmul.f32 v20, v3;
	v20 =	vmul.f32 v7, v32;
	v37 =	vsub.f32 $1.000000000e+00, v17;
	v38 =	vld [tilespmem:s20+$0xFFFFFE20]  }
0x28a: {  	v39 =	vmul.f32 v23, v31;
	v3 =	vld [tilespmem:s24+$0xFFFFFE00];
	v8 =	vadd.f32 $0.0e+00, v8;
	v18 =	vmul.f32 v22, v35  }
0x28b: {  	v40 =	vmul.f32 v7, v15;
	v7 =	vmul.f32 v6, v4;
	v41 =	vsub.f32 $1.000000000e+00, v19;
	v22 =	vld [tilespmem:s20+$0x220]  }
0x28c: {  	v42 =	vmul.f32 v23, v26;
	v4 =	vld [tilespmem:s24+$0xFFFFFDE0];
	v8 =	vadd.f32 v18, v8;
	v28 =	vmul.f32 v28, v39  }
0x28d: {  	v18 =	vsub.f32 $1.000000000e+00, v2;
	v43 =	vmul.f32 v20, v2;
	v44 =	vmul.f32 v41, v37;
	v45 =	vld [tilespmem:s20+$0x620]  }
0x28e: {  	v46 =	vld [tilespmem:s20+$0xFFFFEFF0];
	v8 =	vadd.f32 v28, v8;
	v23 =	vmul.f32 v38, v42;
	v28 =	vmul.f32 v7, v31  }
0x28f: {  	v6 =	vmul.f32 v6, v5;
	v38 =	vmul.f32 v20, v18;
	v20 =	vsub.f32 $1.000000000e+00, v3;
	v47 =	vld [tilespmem:s20+$0xA20]  }
0x290: {  	v48 =	vld [tilespmem:s20+$0xFFFFF1F0];
	v5 =	vadd.f32 v23, v8;
	v8 =	vmul.f32 v22, v28;
	v23 =	vmul.f32 v7, v26  }
0x291: {  	v22 =	vsub.f32 $1.000000000e+00, v4;
	v49 =	vmul.f32 v34, v4;
	v50 =	vmul.f32 v44, v20;
	v51 =	vld [tilespmem:s20+$0xE20]  }
0x292: {  	v7 =	vmul.f32 v6, v31;
	v52 =	vld [tilespmem:s20+$0xFFFFF000];
	v8 =	vadd.f32 v8, v5;
	v45 =	vmul.f32 v45, v23  }
0x293: {  	v31 =	vmul.f32 v34, v22;
	v34 =	vmul.f32 v44, v3;
	v5 =	vld [tilespmem:s20+$0xC20]  }
0x294: {  	v6 =	vmul.f32 v6, v26;
	v44 =	vadd.f32 v45, v8;
	v8 =	vld [tilespmem:s20+$0x820];
	v45 =	vmul.f32 v47, v7  }
0x295: {  	v46 =	vmul.f32 v31, v46;
	v31 =	vmul.f32 v31, v48;
	v26 =	vld [tilespmem:s20+$0x420]  }
0x296: {  	v41 =	vmul.f32 v41, v17;
	v47 =	vld [tilespmem:s20+$0x20];
	v44 =	vadd.f32 v45, v44;
	v45 =	vmul.f32 v51, v6  }
0x297: {  	v46 =	vadd.f32 $0.0e+00, v46;
	v31 =	vadd.f32 $0.0e+00, v31;
	v48 =	vmul.f32 v38, v52;
	v51 =	vld [tilespmem:s20+$0xFFFFFC20]  }
0x298: {  	v30 =	vmul.f32 v30, v49;
	v52 =	vmul.f32 v36, v22;
	v53 =	vld [tilespmem:s20+$0xFFFFF820];
	v44 =	vadd.f32 v45, v44  }
0x299: {  	s7 =	sadd.s32 $0x40, s7;
	v54 =	vmul.f32 v41, v20;
	v45 =	vadd.f32 $0.0e+00, v48;
	v48 =	vmul.f32 v40, v18;
	v55 =	vld [tilespmem:s20+$0xFFFFF420]  }
0x29a: {  	v30 =	vadd.f32 v30, v31;
	v27 =	vmul.f32 v27, v52;
	v29 =	vmul.f32 v29, v52;
	v31 =	vld [tilespmem:s20+$0xFFFFF020];
	[tilespmem:s7+$0x30] =	vst v44  }
0x29b: {  	v36 =	vmul.f32 v36, v4;
	v40 =	vmul.f32 v40, v2;
	v44 =	vld [tilespmem:s20+$0xFFFFF200]  }
0x29c: {  	v41 =	vmul.f32 v41, v3;
	v29 =	vadd.f32 v29, v30;
	v30 =	vmul.f32 v16, v32;
	v32 =	vld [tilespmem:s20+$0xFFFFF010]  }
0x29d: {  	v37 =	vmul.f32 v19, v37;
	v52 =	vld [tilespmem:s20+$0xFFFFF210];
	v39 =	vmul.f32 v53, v39  }
0x29e: {  	v24 =	vmul.f32 v24, v36;
	v53 =	vld [tilespmem:s20+$0xFFFFF3F0];
	v35 =	vmul.f32 v55, v35  }
0x29f: {  	v25 =	vmul.f32 v25, v36;
	v36 =	vld [tilespmem:s20+$0xFFFFF400];
	v31 =	vmul.f32 v33, v31  }
0x2a0: {  	v42 =	vmul.f32 v51, v42;
	v33 =	vmul.f32 v38, v44;
	v38 =	vld [tilespmem:s20+$0xFFFFF600]  }
0x2a1: {  	v44 =	vmul.f32 v21, v22;
	v32 =	vmul.f32 v50, v32;
	v51 =	vld [tilespmem:s20+$0xFFFFF410];
	v31 =	vadd.f32 $0.0e+00, v31  }
0x2a2: {  	v55 =	vmul.f32 v30, v18;
	v33 =	vadd.f32 $0.0e+00, v33;
	v50 =	vmul.f32 v50, v52;
	v52 =	vld [tilespmem:s20+$0xFFFFF610]  }
0x2a3: {  	v49 =	vmul.f32 v53, v49;
	v53 =	vld [tilespmem:s20+$0xFFFFF800];
	v32 =	vadd.f32 $0.0e+00, v32;
	v31 =	vadd.f32 v31, v35  }
0x2a4: {  	v56 =	vmul.f32 v37, v20;
	v35 =	vmul.f32 v36, v43;
	v36 =	vld [tilespmem:s20+$0xFFFFFA00];
	v50 =	vadd.f32 $0.0e+00, v50  }
0x2a5: {  	v46 =	vadd.f32 v46, v49;
	v38 =	vmul.f32 v38, v43;
	v43 =	vld [tilespmem:s20+$0xFFFFF810];
	v31 =	vadd.f32 v39, v31  }
0x2a6: {  	v25 =	vadd.f32 v25, v29;
	v29 =	vadd.f32 v45, v35;
	v35 =	vmul.f32 v51, v34;
	v39 =	vld [tilespmem:s20+$0xFFFFFA10]  }
0x2a7: {  	v27 =	vadd.f32 v27, v46;
	v33 =	vadd.f32 v38, v33;
	v38 =	vld [tilespmem:s20+$0xFFFFFC00];
	v34 =	vmul.f32 v52, v34  }
0x2a8: {  	v31 =	vadd.f32 v42, v31;
	v45 =	vmul.f32 v53, v48;
	v46 =	vld [tilespmem:s20+$0xFFFFFE00];
	v32 =	vadd.f32 v32, v35  }
0x2a9: {  	v24 =	vadd.f32 v24, v27;
	v27 =	vmul.f32 v36, v48;
	v34 =	vadd.f32 v34, v50;
	v35 =	vld [tilespmem:s20+$0xFFFFFC10]  }
0x2aa: {  	v36 =	vmul.f32 v14, v44;
	v14 =	vadd.f32 v45, v29;
	v29 =	vmul.f32 v43, v54;
	v42 =	vld [tilespmem:s20+$0xFFFFFE10]  }
0x2ab: {  	v43 =	vmul.f32 v13, v44;
	v13 =	vadd.f32 v27, v33;
	v27 =	vld [tilespmem:s20+$0x0];
	v33 =	vmul.f32 v39, v54  }
0x2ac: {  	v28 =	vmul.f32 v47, v28;
	v38 =	vmul.f32 v38, v40;
	v39 =	vld [tilespmem:s20+$0x200];
	v29 =	vadd.f32 v29, v32  }
0x2ad: {  	v21 =	vmul.f32 v21, v4;
	v32 =	vmul.f32 v46, v40;
	v33 =	vadd.f32 v33, v34;
	v34 =	vld [tilespmem:s20+$0x10]  }
0x2ae: {  	v30 =	vmul.f32 v30, v2;
	v38 =	vadd.f32 v38, v14;
	v35 =	vmul.f32 v35, v41;
	v40 =	vld [tilespmem:s20+$0x210]  }
0x2af: {  	v37 =	vmul.f32 v37, v3;
	v32 =	vadd.f32 v32, v13;
	v44 =	vld [tilespmem:s20+$0x400];
	v41 =	vmul.f32 v42, v41  }
0x2b0: {  	v14 =	vmul.f32 v16, v15;
	v15 =	vmul.f32 v27, v55;
	v16 =	vld [tilespmem:s20+$0x600];
	v27 =	vadd.f32 v35, v29  }
0x2b1: {  	v13 =	vmul.f32 v19, v17;
	v29 =	vmul.f32 v39, v55;
	v17 =	vadd.f32 v41, v33;
	v19 =	vld [tilespmem:s20+$0x410]  }
0x2b2: {  	v24 =	vadd.f32 v36, v24;
	v33 =	vadd.f32 v43, v25;
	v34 =	vmul.f32 v34, v56;
	v35 =	vld [tilespmem:s20+$0x610]  }
0x2b3: {  	v36 =	vadd.f32 v15, v38;
	v29 =	vadd.f32 v29, v32;
	v32 =	vld [tilespmem:s20+$0x800];
	v15 =	vmul.f32 v40, v56  }
0x2b4: {  	v39 =	vadd.f32 v28, v31;
	v38 =	vmul.f32 v11, v21;
	v25 =	vld [tilespmem:s20+$0xA00];
	v34 =	vadd.f32 v34, v27  }
0x2b5: {  	v21 =	vmul.f32 v12, v21;
	v31 =	vmul.f32 v44, v30;
	v40 =	vadd.f32 v15, v17;
	v11 =	vld [tilespmem:s20+$0x810]  }
0x2b6: {  	v28 =	vadd.f32 v38, v24;
	v17 =	vmul.f32 v16, v30;
	v19 =	vmul.f32 v19, v37;
	v12 =	vld [tilespmem:s20+$0xA10]  }
.Ltmp4:
0x2b7: {  	v27 =	vadd.f32 v21, v33;
	v33 =	vmul.f32 v26, v23;
	v15 =	vld [tilespmem:s20+$0xC00];
	v30 =	vmul.f32 v35, v37;
	(pc) =	sbr.rel @p0 .LBB2_12-.Ltmp4, $4  }
0x2b8: {  	v24 =	vmul.f32 v14, v18;
	v23 =	vadd.f32 v31, v36;
	v35 =	vmul.f32 v1, v22;
	v16 =	vld [tilespmem:s20+$0xE00]  }
0x2b9: {  	v26 =	vmul.f32 v13, v20;
	v22 =	vadd.f32 v17, v29;
	v21 =	vadd.f32 v19, v34;
	v17 =	vld [tilespmem:s20+$0xC10]  }
0x2ba: {  	v20 =	vadd.f32 v33, v39;
	v31 =	vmul.f32 v9, v35;
	v19 =	vadd.f32 v30, v40;
	v18 =	vld [tilespmem:s20+$0xE10]  }
0x2bb: {  	s13 =	sadd.s32 $0x40, s13;
	v10 =	vmul.f32 v10, v35;
	v30 =	vmul.f32 v32, v24;
	v29 =	vld [tilespmem:s2+$0x6800]  }
0x2bc: {  	v9 =	vld [tilespmem:s2+$0x6A00];
	v24 =	vmul.f32 v25, v24;
	v1 =	vmul.f32 v1, v4  }
0x2bd: {  	v11 =	vmul.f32 v11, v26;
	v2 =	vmul.f32 v14, v2  }
0x2be: {  	v12 =	vmul.f32 v12, v26;
	v7 =	vmul.f32 v8, v7  }
0x2bf: {  	v3 =	vmul.f32 v13, v3;
	v56 =	vadd.f32 v30, v23;
	v57 =	vmul.f32 v15, v2  }
0x2c0: {  	v10 =	vadd.f32 v10, v27;
	v58 =	vadd.f32 v24, v22;
	v2 =	vmul.f32 v16, v2  }
0x2c1: {  	v55 =	vmul.f32 v29, v1;
	v61 =	vadd.f32 v57, v56;
	v1 =	vmul.f32 v9, v1  }
0x2c2: {  	v59 =	vadd.f32 v11, v21;
	v60 =	vmul.f32 v17, v3;
	v2 =	vadd.f32 v2, v58  }
0x2c3: {  	v62 =	vadd.f32 v12, v19;
	v3 =	vmul.f32 v18, v3;
	[tilespmem:s7+$0xFFFFFE10] =	vst v61;
	v1 =	vadd.f32 v1, v10  }
0x2c4: {  	v54 =	vadd.f32 v31, v28;
	v63 =	vadd.f32 v60, v59;
	[tilespmem:s7+$0x10] =	vst v2  }
0x2c5: {  	v5 =	vmul.f32 v5, v6;
	v3 =	vadd.f32 v3, v62;
	[tilespmem:s7+$0x0] =	vst v1;
	v1 =	vadd.f32 v7, v20  }
0x2c6: {  	s0 =	sadd.s32 $0x1, s0;
	v4 =	vadd.f32 v55, v54;
	[tilespmem:s7+$0xFFFFFE20] =	vst v63  }
0x2c7: {  	s20 =	sadd.s32 s6, s19;
	p0 =	sne.s32 s0, $0x20;
	[tilespmem:s7+$0x20] =	vst v3;
	v1 =	vadd.f32 v5, v1  }
.Ltmp5:
0x2c8: {  	s2 =	sshrl.u32 s20, $0x3;
	[tilespmem:s7+$0xFFFFFE00] =	vst v4;
	(pc) =	sbr.rel @p0 .LBB2_3-.Ltmp5, $4  }
0x2c9: {  	s24 =	sadd.s32 s8, s2;
	[tilespmem:s7+$0xFFFFFE30] =	vst v1  }
0x2ca: {  	[hbm4b:s24+s4] =	stream.linear.scatter [tilespmem:s21], [sflag:$0x5], $0x200, $0x38;
	[tilespmem:$0x1A080] =	vst v63  }
0x2cb: {  	s2 =	sadd.s32 s2, s17  }
0x2cc: {  	[hbm4b:s2+s4] =	stream.linear.scatter [tilespmem:s29], [sflag:$0x5], $0x200, $0x38;
	[tilespmem:$0x1A080] =	vst v63  }
0x2cd: {  	_ =	swait.ge [sflag:s30], $0x400  }
0x2ce: {  	[sflag:s30] =	ssyncset.done $0x0  }
0x2cf: {  	[sflag:s30] =	ssyncadd.s32 $0xFFFFFC00  }
0x2d0: {  	_ =	swait.ge [sflag:s30], $0x400  }
0x2d1: {  	[sflag:s30] =	ssyncset.done $0x0  }
0x2d2: {  	[sflag:s30] =	ssyncadd.s32 $0xFFFFFC00  }
0x2d3: {  	_ =	swait.ge [sflag:s30], $0x400  }
0x2d4: {  	[sflag:s30] =	ssyncset.done $0x0  }
0x2d5: {  	[sflag:s30] =	ssyncadd.s32 $0xFFFFFC00  }
0x2d6: {  	_ =	swait.ge [sflag:s30], $0x400  }
0x2d7: {  	[sflag:s30] =	ssyncset.done $0x0  }
0x2d8: {  	[sflag:s30] =	ssyncadd.s32 $0xFFFFFC00  }
0x2d9: {  	_ =	swait.ge [sflag:s30], $0x400  }
0x2da: {  	[sflag:s30] =	ssyncset.done $0x0  }
0x2db: {  	[sflag:s30] =	ssyncadd.s32 $0xFFFFFC00  }
0x2dc: {  	_ =	swait.ge [sflag:s30], $0x400  }
0x2dd: {  	[sflag:s30] =	ssyncset.done $0x0  }
0x2de: {  	[sflag:s30] =	ssyncadd.s32 $0xFFFFFC00  }
0x2df: {  	_ =	swait.ge [sflag:s30], $0x400  }
0x2e0: {  	[sflag:s30] =	ssyncset.done $0x0  }
0x2e1: {  	[sflag:s30] =	ssyncadd.s32 $0xFFFFFC00  }
0x2e2: {  	_ =	swait.ge [sflag:s30], $0x400  }
0x2e3: {  	[sflag:s30] =	ssyncset.done $0x0  }
0x2e4: {  	s20 =	simm.s32 $0x6;
	[sflag:s30] =	ssyncadd.s32 $0xFFFFFC00  }
0x2e5: {  	_ =	swait.ge [sflag:s20], $0x200  }
0x2e6: {  	[sflag:s20] =	ssyncset.done $0x0  }
0x2e7: {  	[sflag:s20] =	ssyncadd.s32 $0xFFFFFE00  }
0x2e8: {  	_ =	swait.ge [sflag:s20], $0x200  }
0x2e9: {  	[sflag:s20] =	ssyncset.done $0x0  }
0x2ea: {  	s13 =	simm.s32 $0x8A30;
	[sflag:s20] =	ssyncadd.s32 $0xFFFFFE00  }
0x2eb: {  	v0 =	vld [tilespmem:s13+$0xFFFFFDE0]  }
0x2ec: {  	v4 =	vld [tilespmem:s13+$0xFFFFF5E0]  }
0x2ed: {  	s0 =	simm.s32 $0x0;
	v6 =	vld [tilespmem:s13+$0xFFFFF1E0]  }
0x2ee: {  	s7 =	sand.u32 $0x1C0, s0;
	v8 =	vld [tilespmem:s13+$0xFFFFEDE0]  }
0x2ef: {  	v1 =	vld [tilespmem:s7+$0x9400]  }
0x2f0: {  	s2 =	simm.s32 $0x9200;
	v2 =	vld [tilespmem:s7+$0x9600]  }
0x2f1: {  	v3 =	vld [tilespmem:s2+$0x0]  }
0x2f2: {  	v14 =	vld [tilespmem:s2+$0x210]  }
0x2f3: {  	v7 =	vld [tilespmem:s2+$0x410]  }
0x2f4: {  	v17 =	vld [tilespmem:s2+$0x220]  }
0x2f5: {  	v5 =	vld [tilespmem:s7+$0x6C00]  }
0x2f6: {  	v12 =	vld [tilespmem:s7+$0x6E00]  }
0x2f7: {  	v18 =	vld [tilespmem:s7+$0x7000];
	v10 =	vsub.f32 $1.000000000e+00, v1;
	v11 =	vsub.f32 $1.000000000e+00, v2  }
0x2f8: {  	v21 =	vld [tilespmem:s7+$0x7200]  }
0x2f9: {  	v22 =	vld [tilespmem:s7+$0x7400];
	v19 =	vsub.f32 $1.000000000e+00, v3;
	v20 =	vmul.f32 v11, v10  }
0x2fa: {  	v24 =	vld [tilespmem:s7+$0x7600]  }
0x2fb: {  	v25 =	vld [tilespmem:s7+$0x7800];
	v23 =	vmul.f32 v20, v19  }
0x2fc: {  	v26 =	vld [tilespmem:s7+$0x7A00];
	v11 =	vmul.f32 v11, v1  }
0x2fd: {  	v30 =	vld [tilespmem:s7+$0x7E00];
	v27 =	vsub.f32 $1.000000000e+00, v14;
	v20 =	vmul.f32 v20, v3;
	v5 =	vmul.f32 v23, v5  }
0x2fe: {  	v31 =	vld [tilespmem:s7+$0x8200];
	v28 =	vsub.f32 $1.000000000e+00, v7;
	v10 =	vmul.f32 v2, v10;
	v12 =	vmul.f32 v23, v12  }
0x2ff: {  	v43 =	vld [tilespmem:s7+$0x8400];
	v29 =	vmul.f32 v11, v19;
	v18 =	vmul.f32 v18, v20;
	v5 =	vadd.f32 $0.0e+00, v5  }
0x300: {  	v1 =	vmul.f32 v2, v1;
	v23 =	vld [tilespmem:s7+$0x7C00];
	v20 =	vmul.f32 v21, v20;
	v12 =	vadd.f32 $0.0e+00, v12  }
0x301: {  	v45 =	vld [tilespmem:s7+$0x8600];
	v11 =	vmul.f32 v11, v3;
	v22 =	vmul.f32 v22, v29;
	v18 =	vadd.f32 v5, v18  }
0x302: {  	v48 =	vmul.f32 v28, v27;
	v21 =	vld [tilespmem:s7+$0x8000];
	v12 =	vadd.f32 v20, v12;
	v20 =	vmul.f32 v24, v29  }
0x303: {  	v46 =	vld [tilespmem:s7+$0x8A00];
	v44 =	vmul.f32 v10, v19;
	v18 =	vadd.f32 v22, v18;
	v22 =	vmul.f32 v25, v11  }
0x304: {  	v47 =	vld [tilespmem:s2+$0x420];
	v5 =	vmul.f32 v7, v14;
	v2 =	vadd.f32 v20, v12;
	v12 =	vmul.f32 v26, v11  }
0x305: {  	v18 =	vadd.f32 v22, v18;
	v22 =	vmul.f32 v23, v44;
	v23 =	vmul.f32 v10, v3;
	v10 =	vld [tilespmem:s2+$0x230]  }
0x306: {  	v11 =	vmul.f32 v7, v27;
	v7 =	vmul.f32 v30, v44;
	v2 =	vadd.f32 v12, v2;
	v12 =	vld [tilespmem:s2+$0x430]  }
0x307: {  	v49 =	vmul.f32 v28, v14;
	v20 =	vld [tilespmem:s7+$0x8800];
	v18 =	vadd.f32 v22, v18;
	v21 =	vmul.f32 v21, v23  }
0x308: {  	v19 =	vmul.f32 v1, v19;
	v2 =	vadd.f32 v7, v2;
	v23 =	vmul.f32 v31, v23;
	v7 =	vld [tilespmem:s2+$0x10]  }
0x309: {  	v9 =	vld [tilespmem:s13+$0xFFFFE9E0];
	v3 =	vmul.f32 v1, v3;
	v22 =	vsub.f32 $1.000000000e+00, v17;
	v18 =	vadd.f32 v21, v18  }
0x30a: {  	v15 =	vld [tilespmem:s13+$0xFFFFE5E0];
	v21 =	vmul.f32 v43, v19;
	v23 =	vadd.f32 v23, v2;
	v19 =	vmul.f32 v45, v19  }
0x30b: {  	v1 =	vld [tilespmem:s2+$0x20];
	v26 =	vmul.f32 v47, v22;
	v50 =	vsub.f32 $1.000000000e+00, v10;
	v53 =	vsub.f32 $1.000000000e+00, v12  }
0x30c: {  	v2 =	vld [tilespmem:s2+$0x30];
	v14 =	vadd.f32 v21, v18;
	v18 =	vmul.f32 v20, v3;
	v20 =	vmul.f32 v46, v3  }
0x30d: {  	v16 =	vld [tilespmem:s13+$0xFFFFE7E0];
	v3 =	vmul.f32 v47, v17;
	v54 =	vmul.f32 v48, v7  }
0x30e: {  	v13 =	vld [tilespmem:s13+$0xFFFFE1E0];
	v21 =	vsub.f32 $1.000000000e+00, v47;
	v32 =	vmul.f32 v49, v7;
	v37 =	vmul.f32 v53, v50  }
0x30f: {  	v51 =	vld [tilespmem:s13+$0xFFFFE1F0];
	v30 =	vmul.f32 v53, v10;
	v25 =	vmul.f32 v12, v50  }
0x310: {  	v52 =	vld [tilespmem:s13+$0xFFFFE3F0];
	v22 =	vmul.f32 v21, v22;
	v17 =	vmul.f32 v21, v17  }
0x311: {  	v33 =	vld [tilespmem:s13+$0xFFFFE200];
	v34 =	vsub.f32 $1.000000000e+00, v1;
	v55 =	vmul.f32 v37, v2;
	v15 =	vmul.f32 v15, v54  }
0x312: {  	v36 =	vld [tilespmem:s13+$0xFFFFE400];
	v21 =	vsub.f32 $1.000000000e+00, v7;
	v16 =	vmul.f32 v16, v54;
	v46 =	vmul.f32 v30, v2  }
0x313: {  	v39 =	vld [tilespmem:s13+$0xFFFFE5F0];
	v8 =	vmul.f32 v8, v32;
	v35 =	vmul.f32 v22, v1  }
0x314: {  	v40 =	vld [tilespmem:s13+$0xFFFFE7F0];
	v14 =	vadd.f32 v18, v14;
	v24 =	vmul.f32 v48, v21;
	v18 =	vmul.f32 v22, v34  }
0x315: {  	v19 =	vadd.f32 v19, v23;
	v23 =	vld [tilespmem:s13+$0xFFFFE3E0];
	v27 =	vmul.f32 v49, v21;
	v62 =	vmul.f32 v17, v34  }
0x316: {  	v56 =	vld [tilespmem:s13+$0xFFFFE800];
	v38 =	vsub.f32 $1.000000000e+00, v2;
	v17 =	vmul.f32 v17, v1;
	v50 =	vmul.f32 v11, v21  }
0x317: {  	v58 =	vld [tilespmem:s13+$0xFFFFEBE0];
	v11 =	vmul.f32 v11, v7;
	v21 =	vmul.f32 v5, v21  }
0x318: {  	v59 =	vld [tilespmem:s13+$0xFFFFE9F0];
	v63 =	vmul.f32 v30, v38;
	v53 =	vmul.f32 v25, v38  }
0x319: {  	v60 =	vld [tilespmem:s13+$0xFFFFEBF0];
	v25 =	vmul.f32 v25, v2;
	v22 =	vmul.f32 v24, v13  }
0x31a: {  	v41 =	vld [tilespmem:s13+$0xFFFFEDF0];
	v13 =	vadd.f32 v20, v19;
	v19 =	vmul.f32 v37, v38;
	v20 =	vmul.f32 v24, v23  }
0x31b: {  	v61 =	vld [tilespmem:s13+$0xFFFFEFE0];
	v28 =	vmul.f32 v18, v51;
	v18 =	vmul.f32 v18, v52  }
0x31c: {  	v42 =	vld [tilespmem:s13+$0xFFFFEFF0];
	v39 =	vmul.f32 v39, v35;
	v35 =	vmul.f32 v40, v35  }
0x31d: {  	v44 =	vld [tilespmem:s13+$0xFFFFEE00];
	v24 =	vmul.f32 v56, v55;
	v9 =	vmul.f32 v9, v27  }
0x31e: {  	v45 =	vld [tilespmem:s13+$0xFFFFF3E0];
	v27 =	vmul.f32 v58, v27;
	v43 =	vmul.f32 v59, v62;
	v22 =	vadd.f32 $0.0e+00, v22  }
0x31f: {  	v23 =	vld [tilespmem:s13+$0xFFFFE600];
	v31 =	vmul.f32 v60, v62;
	v49 =	vmul.f32 v41, v17;
	v20 =	vadd.f32 $0.0e+00, v20  }
0x320: {  	v57 =	vmul.f32 v19, v33;
	v19 =	vmul.f32 v19, v36;
	v15 =	vadd.f32 v22, v15;
	v22 =	vld [tilespmem:s13+$0xFFFFEA00]  }
0x321: {  	v17 =	vmul.f32 v42, v17;
	v28 =	vadd.f32 $0.0e+00, v28;
	v16 =	vadd.f32 v16, v20;
	v20 =	vld [tilespmem:s13+$0xFFFFEC00]  }
0x322: {  	v47 =	vld [tilespmem:s13+$0xFFFFF1F0];
	v52 =	vmul.f32 v26, v34;
	v18 =	vadd.f32 $0.0e+00, v18;
	v19 =	vadd.f32 $0.0e+00, v19  }
0x323: {  	v54 =	vld [tilespmem:s13+$0xFFFFF5F0];
	v6 =	vmul.f32 v6, v50;
	v29 =	vadd.f32 $0.0e+00, v57;
	v28 =	vadd.f32 v28, v39  }
0x324: {  	v48 =	vld [tilespmem:s13+$0xFFFFF3F0];
	v18 =	vadd.f32 v35, v18;
	v23 =	vmul.f32 v23, v55;
	v19 =	vadd.f32 v24, v19  }
0x325: {  	v51 =	vld [tilespmem:s13+$0xFFFFF400];
	v26 =	vmul.f32 v26, v1;
	v9 =	vadd.f32 v9, v15;
	v16 =	vadd.f32 v27, v16  }
0x326: {  	v23 =	vadd.f32 v29, v23;
	v15 =	vmul.f32 v22, v63;
	v22 =	vld [tilespmem:s13+$0xFFFFF000];
	v20 =	vmul.f32 v20, v63  }
0x327: {  	v58 =	vld [tilespmem:s13+$0xFFFFFBE0];
	v18 =	vadd.f32 v31, v18;
	v8 =	vadd.f32 v8, v9;
	v9 =	vmul.f32 v44, v46  }
0x328: {  	v15 =	vadd.f32 v15, v23;
	v23 =	vmul.f32 v61, v32;
	v19 =	vadd.f32 v20, v19;
	v20 =	vld [tilespmem:s13+$0xFFFFF200]  }
0x329: {  	v4 =	vmul.f32 v4, v11;
	v59 =	vld [tilespmem:s13+$0xFFFFFA00];
	v24 =	vadd.f32 v43, v28;
	v17 =	vadd.f32 v17, v18  }
0x32a: {  	v18 =	vld [tilespmem:s13+$0xFFFFF7F0];
	v16 =	vadd.f32 v23, v16;
	v9 =	vadd.f32 v9, v15;
	v15 =	vmul.f32 v45, v50  }
0x32b: {  	v55 =	vmul.f32 v47, v52;
	v24 =	vadd.f32 v49, v24;
	v23 =	vld [tilespmem:s13+$0xFFFFF7E0];
	v22 =	vmul.f32 v22, v46  }
0x32c: {  	v8 =	vadd.f32 v6, v8;
	v6 =	vmul.f32 v48, v52;
	v15 =	vadd.f32 v15, v16;
	v16 =	vld [tilespmem:s13+$0xFFFFF800]  }
0x32d: {  	v62 =	vmul.f32 v3, v34;
	v19 =	vadd.f32 v22, v19;
	v22 =	vld [tilespmem:s13+$0xFFFFF600];
	v20 =	vmul.f32 v20, v53  }
0x32e: {  	v57 =	vld [tilespmem:s13+$0xFFFFF9E0];
	v56 =	vmul.f32 v51, v53;
	v24 =	vadd.f32 v55, v24;
	v17 =	vadd.f32 v6, v17  }
0x32f: {  	v6 =	vmul.f32 v12, v10;
	v12 =	vmul.f32 v54, v26;
	v10 =	vadd.f32 v20, v9;
	v20 =	vld [tilespmem:s13+$0xFFFFF9F0]  }
0x330: {  	v18 =	vmul.f32 v18, v26;
	v9 =	vmul.f32 v23, v11;
	v11 =	vadd.f32 v56, v19;
	v19 =	vld [tilespmem:s13+$0xFFFFFBF0]  }
0x331: {  	v61 =	vld [tilespmem:s13+$0xFFFFFC00];
	v63 =	vmul.f32 v6, v38;
	v23 =	vadd.f32 v4, v8;
	v4 =	vadd.f32 v12, v24  }
0x332: {  	s5 =	rddreg [dreg:$0xa];
	[tilespmem:s7+$0x9C00] =	vst v14;
	v14 =	vld [tilespmem:s13+$0xFFFFFE00];
	v16 =	vmul.f32 v16, v25;
	v60 =	vadd.f32 v9, v15;
	v22 =	vmul.f32 v22, v25  }
0x333: {  	v8 =	vld [tilespmem:s13+$0xFFFFFFE0];
	v9 =	vadd.f32 v18, v17;
	v17 =	vmul.f32 v57, v21;
	v18 =	vmul.f32 v59, v63  }
0x334: {  	s5 =	sor.u32 s5, s31;
	v12 =	vld [tilespmem:s13+$0xFFFFFDF0];
	v11 =	vadd.f32 v16, v11;
	v15 =	vadd.f32 v22, v10;
	v10 =	vmul.f32 v58, v21  }
0x335: {  	s6 =	simm.s32 $0x9E30;
	s19 =	simm.s32 $0x8A70;
	s10 =	sshrl.u32 s5, $0x3;
	v16 =	vld [tilespmem:s13+$0xFFFFFFF0];
	v17 =	vadd.f32 v17, v23;
	v20 =	vmul.f32 v20, v62;
	v19 =	vmul.f32 v19, v62  }
0x336: {  	s5 =	sadd.s32 s8, s10;
	s7 =	sadd.s32 s10, s17;
	s10 =	simm.s32 $0x0;
	[tilespmem:s6+$0xFFFFFFD0] =	vst v13;
	v13 =	vadd.f32 v10, v60;
	v10 =	vmul.f32 v5, v7;
	v7 =	vmul.f32 v61, v63;
	v5 =	vld [tilespmem:s13+$0x0]  }
.LBB2_15:
0x337: {  	v21 =	vld [tilespmem:s19+$0xFFFFFDE0];
	v20 =	vadd.f32 v20, v4;
	v1 =	vmul.f32 v3, v1;
	v2 =	vmul.f32 v6, v2  }
0x338: {  	v3 =	vadd.f32 v19, v9;
	v15 =	vadd.f32 v18, v15;
	v4 =	vld [tilespmem:s19+$0xFFFFF5E0];
	v0 =	vmul.f32 v0, v10  }
0x339: {  	v8 =	vmul.f32 v8, v10;
	v18 =	vadd.f32 v7, v11;
	v6 =	vld [tilespmem:s19+$0xFFFFF1E0];
	v10 =	vmul.f32 v12, v1  }
0x33a: {  	v1 =	vmul.f32 v16, v1;
	v7 =	vld [tilespmem:s19+$0xFFFFEDE0];
	v17 =	vadd.f32 v0, v17;
	v12 =	vmul.f32 v14, v2  }
0x33b: {  	v8 =	vadd.f32 v8, v13;
	v9 =	vld [tilespmem:s19+$0xFFFFE9E0];
	v10 =	vadd.f32 v10, v20;
	v2 =	vmul.f32 v5, v2  }
0x33c: {  	s0 =	sadd.s32 $0x40, s0;
	v1 =	vadd.f32 v1, v3;
	v11 =	vld [tilespmem:s19+$0xFFFFE5E0];
	[tilespmem:s6+$0xFFFFFDE0] =	vst v17;
	v3 =	vadd.f32 v12, v15;
	v0 =	vmov v21  }
0x33d: {  	s13 =	sand.u32 $0x1C0, s0;
	v12 =	vld [tilespmem:s19+$0xFFFFE7E0];
	[tilespmem:s6+$0xFFFFFFE0] =	vst v8;
	v2 =	vadd.f32 v2, v18  }
0x33e: {  	v13 =	vld [tilespmem:s13+$0x9400];
	[tilespmem:s6+$0xFFFFFDF0] =	vst v10  }
0x33f: {  	s10 =	sadd.s32 $0x4, s10;
	v10 =	vld [tilespmem:s13+$0x9600];
	[tilespmem:s6+$0xFFFFFFF0] =	vst v1  }
0x340: {  	s2 =	sadd.s32 $0x40, s2;
	p0 =	slt.u32 s10, $0x1C;
	v19 =	vld [tilespmem:s19+$0xFFFFE1E0];
	[tilespmem:s6+$0xFFFFFE00] =	vst v3  }
0x341: {  	v1 =	vld [tilespmem:s2+$0x0];
	[tilespmem:s6+$0x0] =	vst v2  }
0x342: {  	v2 =	vld [tilespmem:s2+$0x210]  }
0x343: {  	v3 =	vld [tilespmem:s2+$0x410]  }
0x344: {  	v14 =	vsub.f32 $1.000000000e+00, v13;
	v8 =	vsub.f32 $1.000000000e+00, v10;
	v15 =	vld [tilespmem:s2+$0x220]  }
0x345: {  	v16 =	vld [tilespmem:s13+$0x6C00]  }
0x346: {  	v17 =	vsub.f32 $1.000000000e+00, v1;
	v18 =	vmul.f32 v8, v14;
	v20 =	vld [tilespmem:s13+$0x6E00]  }
0x347: {  	v21 =	vld [tilespmem:s13+$0x7000];
	v22 =	vsub.f32 $1.000000000e+00, v2  }
0x348: {  	v23 =	vmul.f32 v18, v17;
	v24 =	vld [tilespmem:s13+$0x7200];
	v25 =	vsub.f32 $1.000000000e+00, v3;
	v5 =	vmul.f32 v3, v2  }
0x349: {  	v26 =	vmul.f32 v8, v13;
	v27 =	vld [tilespmem:s13+$0x7400];
	v8 =	vmul.f32 v3, v22;
	v28 =	vsub.f32 $1.000000000e+00, v15  }
0x34a: {  	v3 =	vmul.f32 v23, v16;
	v16 =	vmul.f32 v18, v1;
	v18 =	vld [tilespmem:s13+$0x7600]  }
0x34b: {  	v22 =	vmul.f32 v25, v22;
	v20 =	vmul.f32 v23, v20;
	v23 =	vld [tilespmem:s13+$0x7800]  }
0x34c: {  	v29 =	vmul.f32 v26, v17;
	v3 =	vadd.f32 $0.0e+00, v3;
	v21 =	vmul.f32 v21, v16;
	v30 =	vld [tilespmem:s13+$0x7A00]  }
0x34d: {  	v14 =	vmul.f32 v10, v14;
	v20 =	vadd.f32 $0.0e+00, v20;
	v16 =	vmul.f32 v24, v16;
	v24 =	vld [tilespmem:s13+$0x7C00]  }
0x34e: {  	v26 =	vmul.f32 v26, v1;
	v3 =	vadd.f32 v3, v21;
	v21 =	vmul.f32 v27, v29;
	v27 =	vld [tilespmem:s13+$0x7E00]  }
0x34f: {  	v25 =	vmul.f32 v25, v2;
	v16 =	vadd.f32 v16, v20;
	v18 =	vmul.f32 v18, v29;
	v20 =	vld [tilespmem:s13+$0x8000]  }
0x350: {  	v2 =	vadd.f32 v21, v3;
	v3 =	vmul.f32 v23, v26;
	v21 =	vmul.f32 v14, v17;
	v23 =	vld [tilespmem:s13+$0x8200]  }
0x351: {  	v10 =	vmul.f32 v10, v13;
	v13 =	vadd.f32 v18, v16;
	v16 =	vmul.f32 v30, v26;
	v18 =	vld [tilespmem:s13+$0x8400]  }
0x352: {  	v14 =	vmul.f32 v14, v1;
	v2 =	vadd.f32 v3, v2;
	v3 =	vmul.f32 v24, v21;
	v24 =	vld [tilespmem:s13+$0x8600]  }
0x353: {  	v13 =	vadd.f32 v16, v13;
	v16 =	vmul.f32 v27, v21;
	v21 =	vld [tilespmem:s13+$0x8800]  }
0x354: {  	v17 =	vmul.f32 v10, v17;
	v2 =	vadd.f32 v3, v2;
	v3 =	vmul.f32 v20, v14;
	v20 =	vld [tilespmem:s13+$0x8A00]  }
0x355: {  	v16 =	vadd.f32 v16, v13;
	v14 =	vmul.f32 v23, v14;
	v23 =	vld [tilespmem:s2+$0x420]  }
0x356: {  	v1 =	vmul.f32 v10, v1;
	v2 =	vadd.f32 v3, v2;
	v3 =	vmul.f32 v18, v17;
	v13 =	vld [tilespmem:s2+$0x230]  }
0x357: {  	v16 =	vadd.f32 v14, v16;
	v17 =	vmul.f32 v24, v17;
	v14 =	vld [tilespmem:s2+$0x430]  }
0x358: {  	v2 =	vadd.f32 v3, v2;
	v3 =	vmul.f32 v21, v1;
	v10 =	vld [tilespmem:s2+$0x10]  }
0x359: {  	v16 =	vadd.f32 v17, v16;
	v17 =	vmul.f32 v20, v1;
	v1 =	vld [tilespmem:s2+$0x20]  }
0x35a: {  	v20 =	vadd.f32 v3, v2;
	v21 =	vsub.f32 $1.000000000e+00, v23;
	v18 =	vmul.f32 v23, v28;
	v2 =	vld [tilespmem:s2+$0x30]  }
0x35b: {  	v3 =	vmul.f32 v23, v15;
	v16 =	vadd.f32 v17, v16;
	v24 =	vld [tilespmem:s19+$0xFFFFE3E0];
	v23 =	vsub.f32 $1.000000000e+00, v13  }
0x35c: {  	s6 =	sadd.s32 $0x40, s6;
	[tilespmem:s13+$0x9C00] =	vst v20;
	v20 =	vmul.f32 v21, v28;
	v21 =	vmul.f32 v21, v15;
	v26 =	vld [tilespmem:s19+$0xFFFFE1F0];
	v27 =	vsub.f32 $1.000000000e+00, v14  }
0x35d: {  	[tilespmem:s6+$0xFFFFFFD0] =	vst v16;
	v15 =	vsub.f32 $1.000000000e+00, v10;
	v28 =	vmul.f32 v22, v10;
	v29 =	vmul.f32 v25, v10;
	v30 =	vld [tilespmem:s19+$0xFFFFE3F0]  }
0x35e: {  	v16 =	vsub.f32 $1.000000000e+00, v1;
	v31 =	vmul.f32 v20, v1;
	v32 =	vmul.f32 v27, v23;
	v33 =	vld [tilespmem:s19+$0xFFFFE200]  }
0x35f: {  	v27 =	vmul.f32 v27, v13;
	v22 =	vmul.f32 v22, v15;
	v17 =	vsub.f32 $1.000000000e+00, v2;
	v34 =	vld [tilespmem:s19+$0xFFFFE400]  }
0x360: {  	v20 =	vmul.f32 v20, v16;
	v35 =	vld [tilespmem:s19+$0xFFFFE5F0];
	v36 =	vmul.f32 v32, v2  }
0x361: {  	v19 =	vmul.f32 v22, v19;
	v37 =	vld [tilespmem:s19+$0xFFFFE7F0];
	v32 =	vmul.f32 v32, v17  }
0x362: {  	v22 =	vmul.f32 v22, v24;
	v24 =	vmul.f32 v20, v26;
	v26 =	vld [tilespmem:s19+$0xFFFFE600]  }
0x363: {  	v20 =	vmul.f32 v20, v30;
	v19 =	vadd.f32 $0.0e+00, v19;
	v30 =	vmul.f32 v32, v33;
	v33 =	vld [tilespmem:s19+$0xFFFFE800]  }
0x364: {  	v22 =	vadd.f32 $0.0e+00, v22;
	v38 =	vld [tilespmem:s19+$0xFFFFEBE0];
	v24 =	vadd.f32 $0.0e+00, v24;
	v32 =	vmul.f32 v32, v34  }
0x365: {  	v11 =	vmul.f32 v11, v28;
	v20 =	vadd.f32 $0.0e+00, v20;
	v34 =	vld [tilespmem:s19+$0xFFFFE9F0];
	v30 =	vadd.f32 $0.0e+00, v30  }
0x366: {  	v12 =	vmul.f32 v12, v28;
	v28 =	vmul.f32 v35, v31;
	v35 =	vld [tilespmem:s19+$0xFFFFEBF0];
	v32 =	vadd.f32 $0.0e+00, v32  }
0x367: {  	v11 =	vadd.f32 v19, v11;
	v19 =	vmul.f32 v37, v31;
	v26 =	vmul.f32 v26, v36;
	v31 =	vld [tilespmem:s19+$0xFFFFEA00]  }
0x368: {  	v12 =	vadd.f32 v12, v22;
	v22 =	vmul.f32 v25, v15;
	v25 =	vmul.f32 v33, v36;
	v33 =	vld [tilespmem:s19+$0xFFFFEC00]  }
0x369: {  	v37 =	vmul.f32 v27, v17;
	v24 =	vadd.f32 v24, v28;
	v28 =	vmul.f32 v21, v16;
	v36 =	vld [tilespmem:s19+$0xFFFFEFE0]  }
0x36a: {  	v9 =	vmul.f32 v9, v22;
	v19 =	vadd.f32 v19, v20;
	v26 =	vadd.f32 v30, v26;
	v20 =	vld [tilespmem:s19+$0xFFFFEDF0]  }
0x36b: {  	v22 =	vmul.f32 v38, v22;
	v30 =	vmul.f32 v34, v28;
	v25 =	vadd.f32 v25, v32;
	v34 =	vld [tilespmem:s19+$0xFFFFEFF0]  }
0x36c: {  	v9 =	vadd.f32 v9, v11;
	v11 =	vmul.f32 v35, v28;
	v28 =	vmul.f32 v31, v37;
	v31 =	vld [tilespmem:s19+$0xFFFFEE00]  }
0x36d: {  	v21 =	vmul.f32 v21, v1;
	v12 =	vadd.f32 v22, v12;
	v22 =	vmul.f32 v33, v37;
	v32 =	vld [tilespmem:s19+$0xFFFFF000]  }
0x36e: {  	v23 =	vmul.f32 v14, v23;
	v27 =	vmul.f32 v27, v2;
	v24 =	vadd.f32 v30, v24;
	v33 =	vld [tilespmem:s19+$0xFFFFF3E0]  }
0x36f: {  	v7 =	vmul.f32 v7, v29;
	v11 =	vadd.f32 v11, v19;
	v26 =	vadd.f32 v28, v26;
	v19 =	vld [tilespmem:s19+$0xFFFFF1F0]  }
0x370: {  	v28 =	vmul.f32 v36, v29;
	v20 =	vmul.f32 v20, v21;
	v22 =	vadd.f32 v22, v25;
	v29 =	vld [tilespmem:s19+$0xFFFFF3F0]  }
0x371: {  	v7 =	vadd.f32 v7, v9;
	v9 =	vmul.f32 v34, v21;
	v21 =	vmul.f32 v31, v27;
	v25 =	vld [tilespmem:s19+$0xFFFFF200]  }
0x372: {  	v12 =	vadd.f32 v28, v12;
	v28 =	vmul.f32 v8, v15;
	v27 =	vmul.f32 v32, v27;
	v30 =	vld [tilespmem:s19+$0xFFFFF400]  }
0x373: {  	v20 =	vadd.f32 v20, v24;
	v24 =	vmul.f32 v18, v16;
	v32 =	vmul.f32 v23, v17;
	v31 =	vld [tilespmem:s19+$0xFFFFF7E0]  }
0x374: {  	v6 =	vmul.f32 v6, v28;
	v9 =	vadd.f32 v9, v11;
	v21 =	vadd.f32 v21, v26;
	v11 =	vld [tilespmem:s19+$0xFFFFF5F0]  }
0x375: {  	v26 =	vmul.f32 v33, v28;
	v19 =	vmul.f32 v19, v24;
	v22 =	vadd.f32 v27, v22;
	v28 =	vld [tilespmem:s19+$0xFFFFF7F0]  }
0x376: {  	v7 =	vadd.f32 v6, v7;
	v6 =	vmul.f32 v29, v24;
	v24 =	vmul.f32 v25, v32;
	v25 =	vld [tilespmem:s19+$0xFFFFF600]  }
0x377: {  	v8 =	vmul.f32 v8, v10;
	v12 =	vadd.f32 v26, v12;
	v26 =	vmul.f32 v30, v32;
	v27 =	vld [tilespmem:s19+$0xFFFFF800]  }
0x378: {  	v18 =	vmul.f32 v18, v1;
	v19 =	vadd.f32 v19, v20;
	v20 =	vmul.f32 v23, v2;
	v29 =	vld [tilespmem:s19+$0xFFFFF9E0]  }
0x379: {  	v9 =	vadd.f32 v6, v9;
	v6 =	vmul.f32 v14, v13;
	v13 =	vadd.f32 v24, v21;
	v23 =	vld [tilespmem:s19+$0xFFFFFBE0]  }
0x37a: {  	v4 =	vmul.f32 v4, v8;
	v8 =	vmul.f32 v31, v8;
	v21 =	vadd.f32 v26, v22;
	v14 =	vld [tilespmem:s19+$0xFFFFF9F0]  }
0x37b: {  	v11 =	vmul.f32 v11, v18;
	v18 =	vmul.f32 v28, v18;
	v22 =	vld [tilespmem:s19+$0xFFFFFBF0]  }
0x37c: {  	v7 =	vadd.f32 v4, v7;
	v24 =	vmul.f32 v25, v20;
	v20 =	vmul.f32 v27, v20;
	v25 =	vld [tilespmem:s19+$0xFFFFFA00]  }
0x37d: {  	v26 =	vadd.f32 v8, v12;
	v28 =	vmul.f32 v3, v16;
	v27 =	vmul.f32 v5, v15;
	v30 =	vld [tilespmem:s19+$0xFFFFFC00]  }
.Ltmp6:
0x37e: {  	v31 =	vmul.f32 v6, v17;
	v4 =	vadd.f32 v11, v19;
	v9 =	vadd.f32 v18, v9;
	v8 =	vld [tilespmem:s19+$0xFFFFFFE0];
	(pc) =	sbr.rel @p0 .LBB2_15-.Ltmp6, $4  }
0x37f: {  	v15 =	vadd.f32 v24, v13;
	v17 =	vmul.f32 v29, v27;
	v11 =	vadd.f32 v20, v21;
	v12 =	vld [tilespmem:s19+$0xFFFFFDF0]  }
0x380: {  	v13 =	vmul.f32 v23, v27;
	v20 =	vmul.f32 v14, v28;
	v16 =	vld [tilespmem:s19+$0xFFFFFFF0]  }
0x381: {  	v17 =	vadd.f32 v17, v7;
	v19 =	vmul.f32 v22, v28;
	v18 =	vmul.f32 v25, v31;
	v14 =	vld [tilespmem:s19+$0xFFFFFE00]  }
0x382: {  	v10 =	vmul.f32 v5, v10;
	v13 =	vadd.f32 v13, v26;
	v7 =	vmul.f32 v30, v31;
	v5 =	vld [tilespmem:s19+$0x0];
	s19 =	sadd.s32 $0x40, s19  }
0x383: {  	_ = 	snop  }
0x384: {  	v1 =	vmul.f32 v3, v1;
	v0 =	vmul.f32 v0, v10  }
0x385: {  	v56 =	vadd.f32 v20, v4;
	v57 =	vmul.f32 v8, v10  }
0x386: {  	v2 =	vmul.f32 v6, v2;
	v58 =	vmul.f32 v12, v1;
	v0 =	vadd.f32 v0, v17  }
0x387: {  	v59 =	vadd.f32 v19, v9;
	v1 =	vmul.f32 v16, v1;
	v4 =	vadd.f32 v57, v13  }
0x388: {  	v60 =	vadd.f32 v18, v15;
	v61 =	vmul.f32 v14, v2;
	v3 =	vadd.f32 v58, v56;
	[tilespmem:s6+$0xFFFFFDE0] =	vst v0  }
0x389: {  	v62 =	vadd.f32 v7, v11;
	v2 =	vmul.f32 v5, v2;
	v1 =	vadd.f32 v1, v59;
	[tilespmem:s6+$0xFFFFFFE0] =	vst v4  }
0x38a: {  	v63 =	vadd.f32 v61, v60;
	[tilespmem:s6+$0xFFFFFDF0] =	vst v3  }
0x38b: {  	v0 =	vadd.f32 v2, v62;
	[tilespmem:s6+$0xFFFFFFF0] =	vst v1  }
0x38c: {  	[tilespmem:s6+$0xFFFFFE00] =	vst v63  }
0x38d: {  	s0 =	simm.s32 $0x9C00;
	[tilespmem:s6+$0x0] =	vst v0  }
0x38e: {  	[hbm4b:s5+s4] =	stream.linear.scatter [tilespmem:s0], [sflag:$0x6], $0x200, $0x38;
	[tilespmem:$0x1A080] =	vst v63  }
0x38f: {  	s19 =	simm.s32 $0x9E00;
	s24 =	simm.s32 $0x5  }
0x390: {  	[hbm4b:s7+s4] =	stream.linear.scatter [tilespmem:s19], [sflag:$0x6], $0x200, $0x38;
	[tilespmem:$0x1A080] =	vst v63  }
0x391: {  	_ =	swait.ge [sflag:s24], $0x200  }
0x392: {  	[sflag:s24] =	ssyncset.done $0x0  }
0x393: {  	[sflag:s24] =	ssyncadd.s32 $0xFFFFFE00  }
0x394: {  	_ =	swait.ge [sflag:s24], $0x200  }
0x395: {  	[sflag:s24] =	ssyncset.done $0x0  }
0x396: {  	[sflag:s24] =	ssyncadd.s32 $0xFFFFFE00  }
0x397: {  	_ =	swait.ge [sflag:s20], $0x200  }
0x398: {  	[sflag:s20] =	ssyncset.done $0x0  }
0x399: {  	[sflag:s20] =	ssyncadd.s32 $0xFFFFFE00  }
0x39a: {  	_ =	swait.ge [sflag:s20], $0x200  }
0x39b: {  	s31 =	rddreg [dreg:$0xf]  }
0x39c: {  	s6 =	sadd.s32 $0x1, s31  }
0x39d: {  	p0 =	sne.s32 s6, $0x10  }
.Ltmp7:
0x39e: {  	_ = 	snop;
	(pc) =	sbr.rel @p0 .LBB2_2-.Ltmp7, $3  }
0x39f: {  	_ =	sdelay $0x1  }
0x3a0: {  	[sflag:s20] =	ssyncset.done $0x0  }
0x3a1: {  	[sflag:s20] =	ssyncadd.s32 $0xFFFFFE00  }
0x3a2: {  	s2 =	rddreg [dreg:$0xe]  }
0x3a3: {  	s0 =	rddreg [dreg:$0xb];
	s2 =	sadd.s32 $0x1, s2  }
0x3a4: {  	p0 =	sne.s32 s2, s0  }
.Ltmp8:
0x3a5: {  	_ = 	snop;
	(pc) =	sbr.rel @p0 .LBB2_1-.Ltmp8, $1  }
0x3a6: {  	_ =	sdelay $0x3  }
0x3a7: {  	_ =	sfence.sel $0x180000  }
0x3a8: {  	[bflag:$0x0] =	sbarrier.arrive $0xFFFF  }
0x3a9: {  	_ =	strace $0x90000047  }
0x3aa: {  	s0 =	stileid.u32;
	[bflag:$0x2] =	sbarrier.arrive $0xFFFF  }
0x3ab: {  	p0 =	sne.s32 s0, $0x0;
	s0 =	rddreg [dreg:$0x4]  }
0x3ac: {  	s0 =	sadd.s32 @!p0 $0x100000, s0  }
0x3ad: {  	[sflag:s0] =	ssyncadd.tile.s32 @!p0 $0x1;
	_ =	shalt  }
.Lfunc_end2:
_tile_overlayer_lowered:
.L_overlay_start_2:
0x3ae: {  	(tag) =	ssettag $0x2  }
0x3af: {  	s0 =	rddreg [dreg:$0x0];
	s2 =	stileid.u32  }
0x3b0: {  	s1 =	rddreg [dreg:$0x1];
	p0 =	sne.s32 s2, $0x0  }
0x3b1: {  	s3 =	rddreg [dreg:$0x2];
	[bflag:$0x3] =	sbarrier.arrive $0xFFFF;
	s2 =	simm.s32 @!p0 $0x1C07  }
0x3b2: {  	[timem:s3], [sflag:s2] =	dma.local @!p0 [hbm:s0], s1  }
0x3b3: {  	s0 =	simm.s32 @!p0 $0x7  }
0x3b4: {  	_ =	swait.ge @!p0 [sflag:s0], s1  }
0x3b5: {  	s1 =	ssub.s32 @!p0 $0x0, s1;
	[sflag:s0] =	ssyncset.done @!p0 $0x0  }
0x3b6: {  	[sflag:s0] =	ssyncadd.s32 @!p0 s1  }
0x3b7: {  	[bflag:$0x3] =	sbarrier.arrive $0xFFFF  }
0x3b8: {  	_ =	shalt  }

</sc_bundles>
